<compile_context>
chip_gen: v7x
topology: tpu7x:2x2x1
jax: 0.10.2.dev20260603
libtpu: 0.0.44.dev20260713+nightly
codegen_flags: <defaults>
</compile_context>

<pallas_src>
import functools

import jax
import jax.numpy as jnp
from jax import lax
from jax.experimental import pallas as pl
from jax.experimental.pallas import tpu as pltpu
from jax.experimental.pallas import tpu_sc as plsc

N_NODES = 10000
N_EDGES = 160000
B = 16
Q = 20
K_TOP = 256
D_FEAT = 256
PROP_THRESHOLD = 0.5
ATTEN_COEF = 0.25

QP = 32
EH = N_EDGES // 2
CH = 4000
NCHUNK = EH // CH
CBUF = 272
NCAND = 4 * CBUF

_mesh = plsc.VectorSubcoreMesh(core_axis_name="c", subcore_axis_name="s")
_sc_params = pltpu.CompilerParams(needs_layout_passes=False)


def _splat_i32(x):
    return jnp.zeros((16,), jnp.int32) + x


def _splat_f32(x):
    return jnp.zeros((16,), jnp.float32) + x


@functools.partial(
    pl.kernel,
    out_type=jax.ShapeDtypeStruct((B * N_EDGES,), jnp.float32),
    mesh=_mesh,
    compiler_params=_sc_params,
    scratch_types=[
        pltpu.VMEM((QP,), jnp.int32),
        pltpu.VMEM((QP,), jnp.float32),
        pltpu.VMEM((QP,), jnp.float32),
        pltpu.VMEM((QP,), jnp.float32),
        pltpu.VMEM((N_NODES,), jnp.float32),
        pltpu.VMEM((N_NODES,), jnp.float32),
        pltpu.VMEM((CH,), jnp.int32),
        pltpu.VMEM((CH,), jnp.int32),
        pltpu.VMEM((CH,), jnp.float32),
        pltpu.VMEM((CH,), jnp.int32),
        pltpu.VMEM((CH,), jnp.int32),
        pltpu.VMEM((CH,), jnp.float32),
        pltpu.VMEM((CH,), jnp.float32),
        pltpu.SemaphoreType.DMA,
        pltpu.SemaphoreType.DMA,
    ],
)
def _k23_graph(q_hbm, a_hbm, w_hbm, src_hbm, dst_hbm, init_hbm, graph_hbm,
               qv, av, wv, gv, Ct, At, sbuf0, dbuf0, ibuf0,
               sbuf1, dbuf1, ibuf1, obuf, sem0, sem1):
    b = lax.axis_index("s")
    c = lax.axis_index("c")
    pltpu.sync_copy(q_hbm.at[pl.ds(pl.multiple_of(b * QP, 8), QP)], qv)
    pltpu.sync_copy(a_hbm.at[pl.ds(pl.multiple_of(b * QP, 8), QP)], av)
    pltpu.sync_copy(w_hbm, wv)

    for t in range(2):
        sl = pl.ds(t * 16, 16)
        x = av[sl] * wv[sl]
        imp = 1.0 / (1.0 + jnp.exp(-x))
        g = jnp.where(imp >= PROP_THRESHOLD, imp, 0.0)
        if t == 1:
            lane = lax.broadcasted_iota(jnp.int32, (16,), 0)
            g = jnp.where(lane < (Q - 16), g, 0.0)
        gv[sl] = g

    def _zero(i, _):
        Ct[pl.ds(i * 16, 16)] = jnp.zeros((16,), jnp.float32)
        return 0
    lax.fori_loop(0, N_NODES // 16, _zero, 0)

    for t in range(2):
        sl = pl.ds(t * 16, 16)
        plsc.addupdate_scatter(Ct, [qv[sl]], gv[sl])

    atts = []
    n_att = jnp.int32(0)
    for t in range(2):
        sl = pl.ds(t * 16, 16)
        qch = qv[sl]
        v = jnp.zeros((16,), jnp.float32)
        for j in range(Q):
            qs = plsc.load_gather(qv, [jnp.full((16,), j, jnp.int32)])
            gs = plsc.load_gather(gv, [jnp.full((16,), j, jnp.int32)])
            v = v + jnp.where(qch == qs, gs, 0.0)
        a = ATTEN_COEF * v
        a = jnp.where(a >= PROP_THRESHOLD, a, 0.0)
        atts.append(a)
        n_att = n_att + jnp.max(plsc.all_reduce_population_count(a > 0.0))

    @pl.when(n_att > 0)
    def _slow_hop():
        def _zeroA(i, _):
            At[pl.ds(i * 16, 16)] = jnp.zeros((16,), jnp.float32)
            return 0
        lax.fori_loop(0, N_NODES // 16, _zeroA, 0)
        for t in range(2):
            plsc.store_scatter(At, [qv[pl.ds(t * 16, 16)]], atts[t])

        def _chunk(ci, _):
            base = pl.multiple_of(ci * CH, 8)
            pltpu.sync_copy(src_hbm.at[pl.ds(base, CH)], sbuf0)
            pltpu.sync_copy(dst_hbm.at[pl.ds(base, CH)], dbuf0)

            def _vec(k, __):
                sl = pl.ds(k * 16, 16)
                sv = sbuf0[sl]
                dv = dbuf0[sl]
                a_s = plsc.load_gather(At, [sv])
                a_d = plsc.load_gather(At, [dv])
                plsc.addupdate_scatter(Ct, [dv], a_s)
                plsc.addupdate_scatter(Ct, [sv], a_d)
                return 0
            lax.fori_loop(0, CH // 16, _vec, 0)
            return 0
        lax.fori_loop(0, N_EDGES // CH, _chunk, 0)

    bufs = ((sbuf0, dbuf0, ibuf0, sem0), (sbuf1, dbuf1, ibuf1, sem1))

    def _in_slices(ci):
        base = pl.multiple_of(c * EH + ci * CH, 8)
        return (src_hbm.at[pl.ds(base, CH)], dst_hbm.at[pl.ds(base, CH)],
                init_hbm.at[pl.ds(base, CH)])

    def _start_in(ci, bs):
        s0, s1, s2 = _in_slices(ci)
        pltpu.async_copy(s0, bs[0], bs[3])
        pltpu.async_copy(s1, bs[1], bs[3])
        pltpu.async_copy(s2, bs[2], bs[3])

    def _wait_in(ci, bs):
        s0, s1, s2 = _in_slices(ci)
        pltpu.make_async_copy(s0, bs[0], bs[3]).wait()
        pltpu.make_async_copy(s1, bs[1], bs[3]).wait()
        pltpu.make_async_copy(s2, bs[2], bs[3]).wait()

    def _compute(ci, bs):
        sb, db, ib = bs[0], bs[1], bs[2]

        def _vec(k, __):
            for u in range(2):
                sl = pl.ds((k * 2 + u) * 16, 16)
                cs = plsc.load_gather(Ct, [sb[sl]])
                cd = plsc.load_gather(Ct, [db[sl]])
                obuf[sl] = ib[sl] + cs + cd
            return 0
        lax.fori_loop(0, CH // 32, _vec, 0)
        gbase = pl.multiple_of(b * N_EDGES + c * EH + ci * CH, 8)
        pltpu.sync_copy(obuf, graph_hbm.at[pl.ds(gbase, CH)])

    _start_in(jnp.int32(0), bufs[0])

    def _pair(pi, _):
        ci0 = pi * 2
        _wait_in(ci0, bufs[0])
        _start_in(ci0 + 1, bufs[1])
        _compute(ci0, bufs[0])
        _wait_in(ci0 + 1, bufs[1])

        @pl.when(pi < NCHUNK // 2 - 1)
        def _():
            _start_in(ci0 + 2, bufs[0])
        _compute(ci0 + 1, bufs[1])
        return 0
    lax.fori_loop(0, NCHUNK // 2, _pair, 0)


_CB = 80000
_NB = N_EDGES // _CB


def _k4_body(graph_ref, T_ref, ngt_ref, need_ref):
    def count_ge(test):
        def blk(k, acc):
            v = graph_ref[:, pl.ds(k * _CB, _CB)]
            bv = lax.bitcast_convert_type(v, jnp.int32)
            return acc + jnp.sum((bv >= test).astype(jnp.int32), axis=1,
                                 keepdims=True)
        return lax.fori_loop(0, _NB, blk, jnp.zeros((B, 1), jnp.int32))

    cand = jnp.where(count_ge(jnp.full((B, 1), 1 << 30, jnp.int32)) >= K_TOP,
                     jnp.full((B, 1), 1 << 30, jnp.int32),
                     jnp.zeros((B, 1), jnp.int32))

    def radix_step(i, cand):
        shift = 28 - 2 * i
        t1 = cand | (1 << shift)
        t2 = cand | (2 << shift)
        t3 = cand | (3 << shift)

        def blk(k, accs):
            a1, a2, a3 = accs
            v = graph_ref[:, pl.ds(k * _CB, _CB)]
            bv = lax.bitcast_convert_type(v, jnp.int32)
            a1 = a1 + jnp.sum((bv >= t1).astype(jnp.int32), axis=1,
                              keepdims=True)
            a2 = a2 + jnp.sum((bv >= t2).astype(jnp.int32), axis=1,
                              keepdims=True)
            a3 = a3 + jnp.sum((bv >= t3).astype(jnp.int32), axis=1,
                              keepdims=True)
            return (a1, a2, a3)
        z = jnp.zeros((B, 1), jnp.int32)
        c1, c2, c3 = lax.fori_loop(0, _NB, blk, (z, z, z))
        return jnp.where(
            c3 >= K_TOP, t3,
            jnp.where(c2 >= K_TOP, t2, jnp.where(c1 >= K_TOP, t1, cand)))

    cand = lax.fori_loop(0, 15, radix_step, cand)
    ngt = count_ge(cand + 1)
    T_ref[...] = lax.bitcast_convert_type(cand, jnp.float32)
    ngt_ref[...] = ngt
    need_ref[...] = K_TOP - ngt


_k4_threshold = pl.pallas_call(
    _k4_body,
    out_shape=(
        jax.ShapeDtypeStruct((B, 1), jnp.float32),
        jax.ShapeDtypeStruct((B, 1), jnp.int32),
        jax.ShapeDtypeStruct((B, 1), jnp.int32),
    ),
)


_K5CH = 4000
_K5NCH = EH // _K5CH


@functools.partial(
    pl.kernel,
    out_type=(
        jax.ShapeDtypeStruct((B * 2 * CBUF,), jnp.float32),
        jax.ShapeDtypeStruct((B * 2 * CBUF,), jnp.int32),
        jax.ShapeDtypeStruct((B * 2 * CBUF,), jnp.float32),
        jax.ShapeDtypeStruct((B * 2 * CBUF,), jnp.int32),
        jax.ShapeDtypeStruct((B * 2 * 2 * 16,), jnp.int32),
    ),
    mesh=_mesh,
    compiler_params=_sc_params,
    scratch_types=[
        pltpu.VMEM((16,), jnp.float32),
        pltpu.VMEM((16,), jnp.int32),
        pltpu.VMEM((_K5CH,), jnp.float32),
        pltpu.VMEM((CBUF,), jnp.float32),
        pltpu.VMEM((CBUF,), jnp.int32),
        pltpu.VMEM((CBUF,), jnp.float32),
        pltpu.VMEM((CBUF,), jnp.int32),
        pltpu.VMEM((32,), jnp.int32),
    ],
)
def _k5_compact(graph_hbm, t_hbm, need_hbm,
                gtv_hbm, gti_hbm, eqv_hbm, eqi_hbm, ngt_hbm,
                Tv, needv, cbuf, gvb, gib, evb, eib, nsplat):
    b = lax.axis_index("s")
    c = lax.axis_index("c")
    pltpu.sync_copy(t_hbm, Tv)
    pltpu.sync_copy(need_hbm, needv)
    tb = plsc.load_gather(Tv, [_splat_i32(b)])
    nb = plsc.load_gather(needv, [_splat_i32(b)])

    def _zero(i, _):
        sl = pl.ds(i * 16, 16)
        gvb[sl] = jnp.zeros((16,), jnp.float32)
        gib[sl] = jnp.zeros((16,), jnp.int32)
        evb[sl] = jnp.zeros((16,), jnp.float32)
        eib[sl] = jnp.zeros((16,), jnp.int32)
        return 0
    lax.fori_loop(0, CBUF // 16, _zero, 0)

    iota16 = lax.broadcasted_iota(jnp.int32, (16,), 0)
    ebase = c * EH

    def _chunk(ci, carry):
        gb = pl.multiple_of(b * N_EDGES + ebase + ci * _K5CH, 8)
        pltpu.sync_copy(graph_hbm.at[pl.ds(gb, _K5CH)], cbuf)

        def _grp(k, cr):
            vs = [cbuf[pl.ds((k * 5 + i) * 16, 16)] for i in range(5)]
            pc = plsc.all_reduce_population_count(vs[0] >= tb)
            for i in range(1, 5):
                pc = pc + plsc.all_reduce_population_count(vs[i] >= tb)
            hits = pc[0]

            def _slow(cr2):
                for i in range(5):
                    v = vs[i]
                    ngt, mst, etot = cr2
                    m_gt = v > tb
                    m_eq = v == tb
                    gidx = (_splat_i32(ebase + ci * _K5CH + (k * 5 + i) * 16)
                            + iota16)
                    eqrank = plsc.cumsum(m_eq.astype(jnp.int32))
                    take = m_eq & ((_splat_i32(etot) + eqrank) <= nb)
                    plsc.store_compressed(gvb.at[pl.ds(ngt, 16)], v,
                                          mask=m_gt)
                    plsc.store_compressed(gib.at[pl.ds(ngt, 16)], gidx,
                                          mask=m_gt)
                    plsc.store_compressed(evb.at[pl.ds(mst, 16)], v,
                                          mask=take)
                    plsc.store_compressed(eib.at[pl.ds(mst, 16)], gidx,
                                          mask=take)
                    ngt = ngt + plsc.all_reduce_population_count(m_gt)[0]
                    mst = mst + plsc.all_reduce_population_count(take)[0]
                    etot = etot + plsc.all_reduce_population_count(m_eq)[0]
                    cr2 = (ngt, mst, etot)
                return cr2

            return lax.cond(hits > 0, _slow, lambda cr2: cr2, cr)
        return lax.fori_loop(0, _K5CH // 80, _grp, carry)

    ngt, mst, etot = lax.fori_loop(
        0, _K5NCH, _chunk, (jnp.int32(0), jnp.int32(0), jnp.int32(0)))
    nsplat[pl.ds(0, 16)] = _splat_i32(ngt)
    nsplat[pl.ds(16, 16)] = _splat_i32(etot)
    ob = pl.multiple_of((b * 2 + c) * CBUF, 8)
    pltpu.sync_copy(gvb, gtv_hbm.at[pl.ds(ob, CBUF)])
    pltpu.sync_copy(gib, gti_hbm.at[pl.ds(ob, CBUF)])
    pltpu.sync_copy(evb, eqv_hbm.at[pl.ds(ob, CBUF)])
    pltpu.sync_copy(eib, eqi_hbm.at[pl.ds(ob, CBUF)])
    pltpu.sync_copy(nsplat,
                    ngt_hbm.at[pl.ds(pl.multiple_of((b * 2 + c) * 32, 8), 32)])


def _k6_body(vrow_ref, vcol_ref, irow_ref, icol_ref, ngt_ref, delta_ref,
             w_ref, if_ref):
    vrow = vrow_ref[0]
    vcol = vcol_ref[0]
    irow = irow_ref[0]
    icol = icol_ref[0]
    cnts = ngt_ref[0]
    n0 = jnp.max(cnts[:, 0:16])
    e0 = jnp.max(cnts[:, 16:32])
    n1 = jnp.max(cnts[:, 32:48])
    e1 = jnp.max(cnts[:, 48:64])
    need = K_TOP - n0 - n1
    m0 = jnp.minimum(need, e0)
    m1 = need - e0

    one = jnp.int32(1)
    zero = jnp.int32(0)

    def _valid(pos):
        r0 = jnp.where(pos < n0, one, zero)
        r1 = jnp.where(pos - CBUF < n1, one, zero)
        r2 = jnp.where(pos - 2 * CBUF < m0, one, zero)
        r3 = jnp.where(pos - 3 * CBUF < m1, one, zero)
        lo = jnp.where(pos < CBUF, r0, r1)
        hi = jnp.where(pos < 3 * CBUF, r2, r3)
        return jnp.where(pos < 2 * CBUF, lo, hi)

    lane = lax.broadcasted_iota(jnp.int32, (1, NCAND), 1)
    valid_row = _valid(lane)
    sub = lax.broadcasted_iota(jnp.int32, (NCAND, 1), 0)
    valid_col = _valid(sub)

    gt_i = jnp.where(vrow > vcol, one, zero)
    eq_i = jnp.where(vrow == vcol, one, zero)
    lt_i = jnp.where(irow < icol, one, zero)
    beats = (gt_i + eq_i * lt_i) * valid_row
    pos = jnp.sum(beats, axis=1, keepdims=True)

    kk = lax.broadcasted_iota(jnp.int32, (1, K_TOP), 1)
    oh = jnp.where(pos == kk, one, zero) * valid_col
    ohf = oh.astype(jnp.float32)
    w = jnp.sum(vcol * ohf, axis=0, keepdims=True)
    idx = jnp.sum(icol * ohf, axis=0, keepdims=True)
    w_ref[0] = w + delta_ref[0, 0, 0]
    if_ref[0] = idx


_k6_sort = pl.pallas_call(
    _k6_body,
    grid=(B,),
    in_specs=[
        pl.BlockSpec((1, 1, NCAND), lambda b: (b, 0, 0)),
        pl.BlockSpec((1, NCAND, 1), lambda b: (b, 0, 0)),
        pl.BlockSpec((1, 1, NCAND), lambda b: (b, 0, 0)),
        pl.BlockSpec((1, NCAND, 1), lambda b: (b, 0, 0)),
        pl.BlockSpec((1, 1, 64), lambda b: (b, 0, 0)),
        pl.BlockSpec((1, 1, 1), lambda b: (0, 0, 0)),
    ],
    out_specs=(
        pl.BlockSpec((1, 1, K_TOP), lambda b: (b, 0, 0)),
        pl.BlockSpec((1, 1, K_TOP), lambda b: (b, 0, 0)),
    ),
    out_shape=(
        jax.ShapeDtypeStruct((B, 1, K_TOP), jnp.float32),
        jax.ShapeDtypeStruct((B, 1, K_TOP), jnp.float32),
    ),
)


_ROWS_PER_W = (B * K_TOP) // 32


@functools.partial(
    pl.kernel,
    out_type=jax.ShapeDtypeStruct((B * K_TOP, D_FEAT), jnp.float32),
    mesh=_mesh,
    compiler_params=_sc_params,
    scratch_types=[
        pltpu.VMEM((_ROWS_PER_W,), jnp.int32),
        pltpu.VMEM((_ROWS_PER_W,), jnp.int32),
        pltpu.VMEM((_ROWS_PER_W,), jnp.float32),
        pltpu.VMEM((_ROWS_PER_W, D_FEAT), jnp.float32),
        pltpu.SemaphoreType.DMA,
    ],
)
def _k7_gather(topidx_hbm, topw_hbm, src_hbm, emb_hbm, out_hbm,
               ev, nv, wv, rows, sem):
    b = lax.axis_index("s")
    c = lax.axis_index("c")
    w = b * 2 + c
    base = pl.multiple_of(w * _ROWS_PER_W, 8)
    pltpu.sync_copy(topidx_hbm.at[pl.ds(base, _ROWS_PER_W)], ev)
    pltpu.sync_copy(topw_hbm.at[pl.ds(base, _ROWS_PER_W)], wv)
    pltpu.async_copy(src_hbm.at[ev], nv, sem).wait()
    pltpu.async_copy(emb_hbm.at[nv], rows, sem).wait()

    def _scale_row(i, _):
        ws = plsc.load_gather(wv, [_splat_i32(i)])
        for ch in range(D_FEAT // 16):
            sl = pl.ds(ch * 16, 16)
            rows[i, sl] = rows[i, sl] * ws
        return 0
    lax.fori_loop(0, _ROWS_PER_W, _scale_row, 0)
    pltpu.sync_copy(rows, out_hbm.at[pl.ds(base, _ROWS_PER_W)])


def kernel(list_questions, attention_question, edge_index, num_max_nodes,
           init_graph_tensor, node_embedding, w_importance):
    f32 = jnp.float32
    i32 = jnp.int32
    src = edge_index[0].astype(i32)
    dst = edge_index[1].astype(i32)

    qpad = jnp.zeros((B, QP), i32).at[:, :Q].set(
        list_questions.astype(i32)).reshape(B * QP)
    apad = jnp.zeros((B, QP), f32).at[:, :Q].set(
        attention_question).reshape(B * QP)
    wpad = jnp.zeros((QP,), f32).at[:Q].set(w_importance)

    graph = _k23_graph(qpad, apad, wpad, src, dst, init_graph_tensor)
    t_b, ngt_b, need_b = _k4_threshold(graph.reshape(B, N_EDGES))
    gtv, gti, eqv, eqi, ngt = _k5_compact(
        graph, t_b.reshape(B), need_b.reshape(B))
    gtv = gtv.reshape(B, 2 * CBUF)
    gti = gti.reshape(B, 2 * CBUF)
    eqv = eqv.reshape(B, 2 * CBUF)
    eqi = eqi.reshape(B, 2 * CBUF)
    ngt = ngt.reshape(B, 64)

    cat_v = jnp.concatenate([gtv, eqv], axis=1)
    cat_i = jnp.concatenate([gti, eqi], axis=1).astype(f32)
    delta = jnp.asarray(num_max_nodes - K_TOP, f32).reshape(1, 1, 1)
    top_w, top_if = _k6_sort(
        cat_v[:, None, :], cat_v[:, :, None],
        cat_i[:, None, :], cat_i[:, :, None],
        ngt[:, None, :], delta)

    top_idx = top_if.reshape(B * K_TOP).astype(i32)
    out = _k7_gather(top_idx, top_w.reshape(B * K_TOP), src, node_embedding)
    return out.reshape(B, K_TOP, D_FEAT)

# --- scband reference (transcript-rebuilt; emitter-appended) ---
"""Pipeline reference for scband-graph-refinement-75402445848991 (READ-ONLY COPY).

The authoritative reference and input builder live on the scoring server;
editing this copy changes nothing except your own understanding.
"""

import jax, jax.numpy as jnp
import numpy as np

N_NODES = 10000
N_EDGES = 160000
D_FEAT = 256
B = 16
Q = 20
K_TOP = 256
PROP_THRESHOLD = 0.5
ATTEN_COEF = 0.25


def setup_inputs(seed: int = 0) -> dict:
    key = jax.random.key(seed)
    k1, k2, k3, k4, k5, k6 = jax.random.split(key, 6)
    list_questions = jax.random.randint(k1, (B, Q), 0, N_NODES)
    attention_question = jax.random.uniform(k2, (B, Q), dtype=jnp.float32)
    edge_index = jax.random.randint(k3, (2, N_EDGES), 0, N_NODES)
    # learned / buffer parameters sized per init_kwargs
    init_graph_tensor = jax.random.uniform(k4, (N_EDGES,), dtype=jnp.float32)  # initial edge weights (normalized graph)
    node_embedding = jax.random.normal(k5, (N_NODES, D_FEAT), dtype=jnp.float32)  # conceptnet_embedding table
    w_importance = jax.random.normal(k6, (Q,), dtype=jnp.float32)  # ImportanceIndex params
    return {
        "list_questions": list_questions,
        "attention_question": attention_question,
        "edge_index": edge_index,
        "num_max_nodes": K_TOP,
        "init_graph_tensor": init_graph_tensor,
        "node_embedding": node_embedding,
        "w_importance": w_importance,
    }


def reference(list_questions, attention_question, edge_index, num_max_nodes,
              init_graph_tensor, node_embedding, w_importance):
    # 1) compute_importance_index: per-word importance from question attention
    importance = jax.nn.sigmoid(attention_question * w_importance[None, :])  # [B, Q]
    gated = jnp.where(importance >= PROP_THRESHOLD, importance, 0.0)  # propagation_threshold gate

    # 2) propagate_weights (vectorized): scatter importance onto the question entity nodes
    def boost_one(q_idx, imp):
        return jnp.zeros((N_NODES,), jnp.float32).at[q_idx].add(imp)
    node_boost = jax.vmap(boost_one)(list_questions, gated)  # [B, N]

    src = edge_index[0]
    dst = edge_index[1]
    # one-hop: every edge incident to a seeded entity receives its importance
    edge_boost1 = node_boost[:, src] + node_boost[:, dst]  # [B, E]

    # second hop with attenuation_coef, gated by propagation_threshold (as in original)
    atten = ATTEN_COEF * node_boost
    atten = jnp.where(atten >= PROP_THRESHOLD, atten, 0.0)

    def hop(nb):
        acc = jnp.zeros((N_NODES,), jnp.float32)
        acc = acc.at[dst].add(nb[src])
        acc = acc.at[src].add(nb[dst])
        return acc
    neigh_boost = jax.vmap(hop)(atten)  # [B, N]
    edge_boost2 = neigh_boost[:, src] + neigh_boost[:, dst]  # [B, E]

    # updated graph weights: simple addition onto normalized initial weights
    graph_tensor = init_graph_tensor[None, :] + edge_boost1 + edge_boost2  # [B, E]

    # 3) compute_graph_representation: take top-weight edges, gather their node embeddings
    top_w, top_idx = jax.lax.top_k(graph_tensor, K_TOP)  # [B, K]
    top_w = top_w + jnp.asarray(num_max_nodes - K_TOP, dtype=top_w.dtype)
    top_nodes = src[top_idx]  # [B, K] start node of each top edge
    kg_embedding = jnp.take(node_embedding, top_nodes, axis=0)  # [B, K, D]
    out = kg_embedding * top_w[..., None]  # weight-modulated graph embedding
    return out

if __name__ == "__main__":
    import jax
    _d = setup_inputs()
    print(jax.jit(kernel)(*tuple(_d.values())))

</pallas_src>

<mosaic_0001>
#map = affine_map<(d0, d1) -> (0)>
module attributes {stable_mosaic.version = 14 : i64} {
  func.func @_k23_graph(%arg0: i32, %arg1: i32, %arg2: memref<512xi32, #tpu.memory_space<hbm>>, %arg3: memref<512xf32, #tpu.memory_space<hbm>>, %arg4: memref<32xf32, #tpu.memory_space<hbm>>, %arg5: memref<160000xi32, #tpu.memory_space<hbm>>, %arg6: memref<160000xi32, #tpu.memory_space<hbm>>, %arg7: memref<160000xf32, #tpu.memory_space<hbm>>, %arg8: memref<2560000xf32, #tpu.memory_space<hbm>>, %arg9: memref<32xi32, #tpu.memory_space<vmem>>, %arg10: memref<32xf32, #tpu.memory_space<vmem>>, %arg11: memref<32xf32, #tpu.memory_space<vmem>>, %arg12: memref<32xf32, #tpu.memory_space<vmem>>, %arg13: memref<10000xf32, #tpu.memory_space<vmem>>, %arg14: memref<10000xf32, #tpu.memory_space<vmem>>, %arg15: memref<4000xi32, #tpu.memory_space<vmem>>, %arg16: memref<4000xi32, #tpu.memory_space<vmem>>, %arg17: memref<4000xf32, #tpu.memory_space<vmem>>, %arg18: memref<4000xi32, #tpu.memory_space<vmem>>, %arg19: memref<4000xi32, #tpu.memory_space<vmem>>, %arg20: memref<4000xf32, #tpu.memory_space<vmem>>, %arg21: memref<4000xf32, #tpu.memory_space<vmem>>, %arg22: memref<!tpu.dma_semaphore, #tpu.memory_space<semaphore_mem>>, %arg23: memref<!tpu.dma_semaphore, #tpu.memory_space<semaphore_mem>>) attributes {dimension_semantics = [#tpu.dimension_semantics<core_parallel>, #tpu.dimension_semantics<subcore_parallel>], iteration_bounds = array<i64: 2, 16>, scalar_prefetch = 0 : i64, scratch_operands = 15 : i64, tpu.core_type = #tpu.core_type<sc_vector_subcore>, window_params = [{transform_indices = #map}, {transform_indices = #map}, {transform_indices = #map}, {transform_indices = #map}, {transform_indices = #map}, {transform_indices = #map}, {transform_indices = #map}]} {
    %mul3A = arith.constant 32 : i32
    %mul3A_0 = arith.muli %arg1, %mul3A : i32
    %multiple_of3A = tpu.assume_multiple %mul3A_0, 8 : i32
    "tpu.region"() ({
      %run_scoped3A = tpu.sem_alloc : memref<!tpu.dma_semaphore, #tpu.memory_space<semaphore_mem>>
      %dma_start3A_569 = tpu.memref_slice %arg2[%multiple_of3A] : memref<512xi32, #tpu.memory_space<hbm>> -> memref<32xi32, #tpu.memory_space<hbm>>
      %dma_start3A_570 = tpu.memref_slice %arg2[%multiple_of3A] : memref<512xi32, #tpu.memory_space<hbm>> -> memref<32xi32, #tpu.memory_space<hbm>>
      tpu.enqueue_dma source(%dma_start3A_570 : memref<32xi32, #tpu.memory_space<hbm>>) target(%arg9 : memref<32xi32, #tpu.memory_space<vmem>>) target_semaphore(%run_scoped3A : memref<!tpu.dma_semaphore, #tpu.memory_space<semaphore_mem>>)
      %dma_wait3A = tpu.memref_slice %arg2[%multiple_of3A] : memref<512xi32, #tpu.memory_space<hbm>> -> memref<32xi32, #tpu.memory_space<hbm>>
      %dma_wait3A_571 = tpu.memref_slice %arg2[%multiple_of3A] : memref<512xi32, #tpu.memory_space<hbm>> -> memref<32xi32, #tpu.memory_space<hbm>>
      tpu.wait_dma2 semaphore(%run_scoped3A : memref<!tpu.dma_semaphore, #tpu.memory_space<semaphore_mem>>) src(%dma_wait3A_571 : memref<32xi32, #tpu.memory_space<hbm>>) dst(%arg9 : memref<32xi32, #tpu.memory_space<vmem>>)
      tpu.yield
    }) : () -> ()
    %mul3A_1 = arith.constant 32 : i32
    %mul3A_2 = arith.muli %arg1, %mul3A_1 : i32
    %multiple_of3A_3 = tpu.assume_multiple %mul3A_2, 8 : i32
    "tpu.region"() ({
      %run_scoped3A = tpu.sem_alloc : memref<!tpu.dma_semaphore, #tpu.memory_space<semaphore_mem>>
      %dma_start3A_569 = tpu.memref_slice %arg3[%multiple_of3A_3] : memref<512xf32, #tpu.memory_space<hbm>> -> memref<32xf32, #tpu.memory_space<hbm>>
      %dma_start3A_570 = tpu.memref_slice %arg3[%multiple_of3A_3] : memref<512xf32, #tpu.memory_space<hbm>> -> memref<32xf32, #tpu.memory_space<hbm>>
      tpu.enqueue_dma source(%dma_start3A_570 : memref<32xf32, #tpu.memory_space<hbm>>) target(%arg10 : memref<32xf32, #tpu.memory_space<vmem>>) target_semaphore(%run_scoped3A : memref<!tpu.dma_semaphore, #tpu.memory_space<semaphore_mem>>)
      %dma_wait3A = tpu.memref_slice %arg3[%multiple_of3A_3] : memref<512xf32, #tpu.memory_space<hbm>> -> memref<32xf32, #tpu.memory_space<hbm>>
      %dma_wait3A_571 = tpu.memref_slice %arg3[%multiple_of3A_3] : memref<512xf32, #tpu.memory_space<hbm>> -> memref<32xf32, #tpu.memory_space<hbm>>
      tpu.wait_dma2 semaphore(%run_scoped3A : memref<!tpu.dma_semaphore, #tpu.memory_space<semaphore_mem>>) src(%dma_wait3A_571 : memref<32xf32, #tpu.memory_space<hbm>>) dst(%arg10 : memref<32xf32, #tpu.memory_space<vmem>>)
      tpu.yield
    }) : () -> ()
    "tpu.region"() ({
      %run_scoped3A = tpu.sem_alloc : memref<!tpu.dma_semaphore, #tpu.memory_space<semaphore_mem>>
      tpu.enqueue_dma source(%arg4 : memref<32xf32, #tpu.memory_space<hbm>>) target(%arg11 : memref<32xf32, #tpu.memory_space<vmem>>) target_semaphore(%run_scoped3A : memref<!tpu.dma_semaphore, #tpu.memory_space<semaphore_mem>>)
      tpu.wait_dma2 semaphore(%run_scoped3A : memref<!tpu.dma_semaphore, #tpu.memory_space<semaphore_mem>>) src(%arg4 : memref<32xf32, #tpu.memory_space<hbm>>) dst(%arg11 : memref<32xf32, #tpu.memory_space<vmem>>)
      tpu.yield
    }) : () -> ()
    %get3A = arith.constant 0 : index
    %get3A_4 = tpu.vector_load %arg10[%get3A] {strides = array<i32>} : memref<32xf32, #tpu.memory_space<vmem>>, vector<16xf32>,
    %get3A_5 = arith.constant 0 : index
    %get3A_6 = tpu.vector_load %arg11[%get3A_5] {strides = array<i32>} : memref<32xf32, #tpu.memory_space<vmem>>, vector<16xf32>,
    %mul3A_7 = arith.mulf %get3A_4, %get3A_6 : vector<16xf32>
    %neg3A = arith.constant 0.000000e+00 : f32
    %neg3A_8 = vector.broadcast %neg3A : f32 to vector<16xf32>
    %neg3A_9 = arith.subf %neg3A_8, %mul3A_7 : vector<16xf32>
    %exp3A = math.exp %neg3A_9 : vector<16xf32>
    %add3A = arith.constant 1.000000e+00 : f32
    %add3A_10 = vector.broadcast %add3A : f32 to vector<16xf32>
    %add3A_11 = arith.addf %add3A_10, %exp3A : vector<16xf32>
    %div3A = arith.constant 1.000000e+00 : f32
    %div3A_12 = vector.broadcast %div3A : f32 to vector<16xf32>
    %div3A_13 = arith.divf %div3A_12, %add3A_11 : vector<16xf32>
    %ge3A = arith.constant 5.000000e-01 : f32
    %ge3A_14 = vector.broadcast %ge3A : f32 to vector<16xf32>
    %ge3A_15 = arith.cmpf oge, %div3A_13, %ge3A_14 : vector<16xf32>
    %jit3A = arith.constant 0.000000e+00 : f32
    %broadcast_in_dim3A = vector.broadcast %jit3A : f32 to vector<16xf32>
    %select_n3A = arith.select %ge3A_15, %div3A_13, %broadcast_in_dim3A : vector<16xi1>, vector<16xf32>
    %swap3A = arith.constant 0 : index
    %swap3A_16 = tpu.vector_load %arg12[%swap3A] {strides = array<i32>} : memref<32xf32, #tpu.memory_space<vmem>>, vector<16xf32>,
    tpu.vector_store %arg12[%swap3A], %select_n3A {strides = array<i32>} : memref<32xf32, #tpu.memory_space<vmem>>, vector<16xf32>,
    %get3A_17 = arith.constant 16 : index
    %get3A_18 = tpu.vector_load %arg10[%get3A_17] {strides = array<i32>} : memref<32xf32, #tpu.memory_space<vmem>>, vector<16xf32>,
    %get3A_19 = arith.constant 16 : index
    %get3A_20 = tpu.vector_load %arg11[%get3A_19] {strides = array<i32>} : memref<32xf32, #tpu.memory_space<vmem>>, vector<16xf32>,
    %mul3A_21 = arith.mulf %get3A_18, %get3A_20 : vector<16xf32>
    %neg3A_22 = arith.constant 0.000000e+00 : f32
    %neg3A_23 = vector.broadcast %neg3A_22 : f32 to vector<16xf32>
    %neg3A_24 = arith.subf %neg3A_23, %mul3A_21 : vector<16xf32>
    %exp3A_25 = math.exp %neg3A_24 : vector<16xf32>
    %add3A_26 = arith.constant 1.000000e+00 : f32
    %add3A_27 = vector.broadcast %add3A_26 : f32 to vector<16xf32>
    %add3A_28 = arith.addf %add3A_27, %exp3A_25 : vector<16xf32>
    %div3A_29 = arith.constant 1.000000e+00 : f32
    %div3A_30 = vector.broadcast %div3A_29 : f32 to vector<16xf32>
    %div3A_31 = arith.divf %div3A_30, %add3A_28 : vector<16xf32>
    %ge3A_32 = arith.constant 5.000000e-01 : f32
    %ge3A_33 = vector.broadcast %ge3A_32 : f32 to vector<16xf32>
    %ge3A_34 = arith.cmpf oge, %div3A_31, %ge3A_33 : vector<16xf32>
    %jit3A_35 = arith.constant 0.000000e+00 : f32
    %broadcast_in_dim3A_36 = vector.broadcast %jit3A_35 : f32 to vector<16xf32>
    %select_n3A_37 = arith.select %ge3A_34, %div3A_31, %broadcast_in_dim3A_36 : vector<16xi1>, vector<16xf32>
    %iota3A = tpu.iota {dimensions = array<i32: 0>} : vector<16xi32>
    %lt3A = arith.constant 4 : i32
    %lt3A_38 = vector.broadcast %lt3A : i32 to vector<16xi32>
    %lt3A_39 = arith.cmpi slt, %iota3A, %lt3A_38 : vector<16xi32>
    %jit3A_40 = arith.constant 0.000000e+00 : f32
    %broadcast_in_dim3A_41 = vector.broadcast %jit3A_40 : f32 to vector<16xf32>
    %select_n3A_42 = arith.select %lt3A_39, %select_n3A_37, %broadcast_in_dim3A_41 : vector<16xi1>, vector<16xf32>
    %swap3A_43 = arith.constant 16 : index
    %swap3A_44 = tpu.vector_load %arg12[%swap3A_43] {strides = array<i32>} : memref<32xf32, #tpu.memory_space<vmem>>, vector<16xf32>,
    tpu.vector_store %arg12[%swap3A_43], %select_n3A_42 {strides = array<i32>} : memref<32xf32, #tpu.memory_space<vmem>>, vector<16xf32>,
    %scan3A = arith.constant 0 : i32
    %scan3A_45 = arith.constant 0 : i32
    %scan3A_46 = arith.constant 625 : i32
    %scan3A_47 = arith.addi %scan3A_45, %scan3A_46 : i32
    %scan3A_48 = arith.constant 1 : i32
    %scan3A_49 = scf.for %scan3A_569 = %scan3A_45 to %scan3A_47 step %scan3A_48 iter_args(%scan3A_570 = %scan3A) -> (i32)  : i32 {
      %broadcast_in_dim3A_571 = arith.constant 0.000000e+00 : f32
      %broadcast_in_dim3A_572 = vector.broadcast %broadcast_in_dim3A_571 : f32 to vector<16xf32>
      %mul3A_573 = arith.constant 16 : i32
      %mul3A_574 = arith.muli %scan3A_569, %mul3A_573 : i32
      %swap3A_575 = arith.index_cast %mul3A_574 : i32 to index
      %swap3A_576 = tpu.vector_load %arg13[%swap3A_575] {strides = array<i32>} : memref<10000xf32, #tpu.memory_space<vmem>>, vector<16xf32>,
      tpu.vector_store %arg13[%swap3A_575], %broadcast_in_dim3A_572 {strides = array<i32>} : memref<10000xf32, #tpu.memory_space<vmem>>, vector<16xf32>,
      %scan3A_577 = arith.constant 0 : i32
      scf.yield %scan3A_577 : i32
    }
    %scan3A_50 = arith.constant 625 : i32
    %get3A_51 = arith.constant 0 : index
    %get3A_52 = tpu.vector_load %arg9[%get3A_51] {strides = array<i32>} : memref<32xi32, #tpu.memory_space<vmem>>, vector<16xi32>,
    %get3A_53 = arith.constant 0 : index
    %get3A_54 = tpu.vector_load %arg12[%get3A_53] {strides = array<i32>} : memref<32xf32, #tpu.memory_space<vmem>>, vector<16xf32>,
    tpu.vector_store_idx %arg13[%get3A_52], %get3A_54 {add = true} : memref<10000xf32, #tpu.memory_space<vmem>>[vector<16xi32>], vector<16xf32>,
    %get3A_55 = arith.constant 16 : index
    %get3A_56 = tpu.vector_load %arg9[%get3A_55] {strides = array<i32>} : memref<32xi32, #tpu.memory_space<vmem>>, vector<16xi32>,
    %get3A_57 = arith.constant 16 : index
    %get3A_58 = tpu.vector_load %arg12[%get3A_57] {strides = array<i32>} : memref<32xf32, #tpu.memory_space<vmem>>, vector<16xf32>,
    tpu.vector_store_idx %arg13[%get3A_56], %get3A_58 {add = true} : memref<10000xf32, #tpu.memory_space<vmem>>[vector<16xi32>], vector<16xf32>,
    %get3A_59 = arith.constant 0 : index
    %get3A_60 = tpu.vector_load %arg9[%get3A_59] {strides = array<i32>} : memref<32xi32, #tpu.memory_space<vmem>>, vector<16xi32>,
    %broadcast_in_dim3A_61 = arith.constant 0.000000e+00 : f32
    %broadcast_in_dim3A_62 = vector.broadcast %broadcast_in_dim3A_61 : f32 to vector<16xf32>
    %broadcast_in_dim3A_63 = arith.constant 0 : i32
    %broadcast_in_dim3A_64 = vector.broadcast %broadcast_in_dim3A_63 : i32 to vector<16xi32>
    %gather3A = tpu.vector_load_idx %arg9[%broadcast_in_dim3A_64] : memref<32xi32, #tpu.memory_space<vmem>>[vector<16xi32>], vector<16xi32>,
    %broadcast_in_dim3A_65 = arith.constant 0 : i32
    %broadcast_in_dim3A_66 = vector.broadcast %broadcast_in_dim3A_65 : i32 to vector<16xi32>
    %gather3A_67 = tpu.vector_load_idx %arg12[%broadcast_in_dim3A_66] : memref<32xf32, #tpu.memory_space<vmem>>[vector<16xi32>], vector<16xf32>,
    %eq3A = arith.cmpi eq, %get3A_60, %gather3A : vector<16xi32>
    %jit3A_68 = arith.constant 0.000000e+00 : f32
    %broadcast_in_dim3A_69 = vector.broadcast %jit3A_68 : f32 to vector<16xf32>
    %select_n3A_70 = arith.select %eq3A, %gather3A_67, %broadcast_in_dim3A_69 : vector<16xi1>, vector<16xf32>
    %add3A_71 = arith.addf %broadcast_in_dim3A_62, %select_n3A_70 : vector<16xf32>
    %broadcast_in_dim3A_72 = arith.constant 1 : i32
    %broadcast_in_dim3A_73 = vector.broadcast %broadcast_in_dim3A_72 : i32 to vector<16xi32>
    %gather3A_74 = tpu.vector_load_idx %arg9[%broadcast_in_dim3A_73] : memref<32xi32, #tpu.memory_space<vmem>>[vector<16xi32>], vector<16xi32>,
    %broadcast_in_dim3A_75 = arith.constant 1 : i32
    %broadcast_in_dim3A_76 = vector.broadcast %broadcast_in_dim3A_75 : i32 to vector<16xi32>
    %gather3A_77 = tpu.vector_load_idx %arg12[%broadcast_in_dim3A_76] : memref<32xf32, #tpu.memory_space<vmem>>[vector<16xi32>], vector<16xf32>,
    %eq3A_78 = arith.cmpi eq, %get3A_60, %gather3A_74 : vector<16xi32>
    %jit3A_79 = arith.constant 0.000000e+00 : f32
    %broadcast_in_dim3A_80 = vector.broadcast %jit3A_79 : f32 to vector<16xf32>
    %select_n3A_81 = arith.select %eq3A_78, %gather3A_77, %broadcast_in_dim3A_80 : vector<16xi1>, vector<16xf32>
    %add3A_82 = arith.addf %add3A_71, %select_n3A_81 : vector<16xf32>
    %broadcast_in_dim3A_83 = arith.constant 2 : i32
    %broadcast_in_dim3A_84 = vector.broadcast %broadcast_in_dim3A_83 : i32 to vector<16xi32>
    %gather3A_85 = tpu.vector_load_idx %arg9[%broadcast_in_dim3A_84] : memref<32xi32, #tpu.memory_space<vmem>>[vector<16xi32>], vector<16xi32>,
    %broadcast_in_dim3A_86 = arith.constant 2 : i32
    %broadcast_in_dim3A_87 = vector.broadcast %broadcast_in_dim3A_86 : i32 to vector<16xi32>
    %gather3A_88 = tpu.vector_load_idx %arg12[%broadcast_in_dim3A_87] : memref<32xf32, #tpu.memory_space<vmem>>[vector<16xi32>], vector<16xf32>,
    %eq3A_89 = arith.cmpi eq, %get3A_60, %gather3A_85 : vector<16xi32>
    %jit3A_90 = arith.constant 0.000000e+00 : f32
    %broadcast_in_dim3A_91 = vector.broadcast %jit3A_90 : f32 to vector<16xf32>
    %select_n3A_92 = arith.select %eq3A_89, %gather3A_88, %broadcast_in_dim3A_91 : vector<16xi1>, vector<16xf32>
    %add3A_93 = arith.addf %add3A_82, %select_n3A_92 : vector<16xf32>
    %broadcast_in_dim3A_94 = arith.constant 3 : i32
    %broadcast_in_dim3A_95 = vector.broadcast %broadcast_in_dim3A_94 : i32 to vector<16xi32>
    %gather3A_96 = tpu.vector_load_idx %arg9[%broadcast_in_dim3A_95] : memref<32xi32, #tpu.memory_space<vmem>>[vector<16xi32>], vector<16xi32>,
    %broadcast_in_dim3A_97 = arith.constant 3 : i32
    %broadcast_in_dim3A_98 = vector.broadcast %broadcast_in_dim3A_97 : i32 to vector<16xi32>
    %gather3A_99 = tpu.vector_load_idx %arg12[%broadcast_in_dim3A_98] : memref<32xf32, #tpu.memory_space<vmem>>[vector<16xi32>], vector<16xf32>,
    %eq3A_100 = arith.cmpi eq, %get3A_60, %gather3A_96 : vector<16xi32>
    %jit3A_101 = arith.constant 0.000000e+00 : f32
    %broadcast_in_dim3A_102 = vector.broadcast %jit3A_101 : f32 to vector<16xf32>
    %select_n3A_103 = arith.select %eq3A_100, %gather3A_99, %broadcast_in_dim3A_102 : vector<16xi1>, vector<16xf32>
    %add3A_104 = arith.addf %add3A_93, %select_n3A_103 : vector<16xf32>
    %broadcast_in_dim3A_105 = arith.constant 4 : i32
    %broadcast_in_dim3A_106 = vector.broadcast %broadcast_in_dim3A_105 : i32 to vector<16xi32>
    %gather3A_107 = tpu.vector_load_idx %arg9[%broadcast_in_dim3A_106] : memref<32xi32, #tpu.memory_space<vmem>>[vector<16xi32>], vector<16xi32>,
    %broadcast_in_dim3A_108 = arith.constant 4 : i32
    %broadcast_in_dim3A_109 = vector.broadcast %broadcast_in_dim3A_108 : i32 to vector<16xi32>
    %gather3A_110 = tpu.vector_load_idx %arg12[%broadcast_in_dim3A_109] : memref<32xf32, #tpu.memory_space<vmem>>[vector<16xi32>], vector<16xf32>,
    %eq3A_111 = arith.cmpi eq, %get3A_60, %gather3A_107 : vector<16xi32>
    %jit3A_112 = arith.constant 0.000000e+00 : f32
    %broadcast_in_dim3A_113 = vector.broadcast %jit3A_112 : f32 to vector<16xf32>
    %select_n3A_114 = arith.select %eq3A_111, %gather3A_110, %broadcast_in_dim3A_113 : vector<16xi1>, vector<16xf32>
    %add3A_115 = arith.addf %add3A_104, %select_n3A_114 : vector<16xf32>
    %broadcast_in_dim3A_116 = arith.constant 5 : i32
    %broadcast_in_dim3A_117 = vector.broadcast %broadcast_in_dim3A_116 : i32 to vector<16xi32>
    %gather3A_118 = tpu.vector_load_idx %arg9[%broadcast_in_dim3A_117] : memref<32xi32, #tpu.memory_space<vmem>>[vector<16xi32>], vector<16xi32>,
    %broadcast_in_dim3A_119 = arith.constant 5 : i32
    %broadcast_in_dim3A_120 = vector.broadcast %broadcast_in_dim3A_119 : i32 to vector<16xi32>
    %gather3A_121 = tpu.vector_load_idx %arg12[%broadcast_in_dim3A_120] : memref<32xf32, #tpu.memory_space<vmem>>[vector<16xi32>], vector<16xf32>,
    %eq3A_122 = arith.cmpi eq, %get3A_60, %gather3A_118 : vector<16xi32>
    %jit3A_123 = arith.constant 0.000000e+00 : f32
    %broadcast_in_dim3A_124 = vector.broadcast %jit3A_123 : f32 to vector<16xf32>
    %select_n3A_125 = arith.select %eq3A_122, %gather3A_121, %broadcast_in_dim3A_124 : vector<16xi1>, vector<16xf32>
    %add3A_126 = arith.addf %add3A_115, %select_n3A_125 : vector<16xf32>
    %broadcast_in_dim3A_127 = arith.constant 6 : i32
    %broadcast_in_dim3A_128 = vector.broadcast %broadcast_in_dim3A_127 : i32 to vector<16xi32>
    %gather3A_129 = tpu.vector_load_idx %arg9[%broadcast_in_dim3A_128] : memref<32xi32, #tpu.memory_space<vmem>>[vector<16xi32>], vector<16xi32>,
    %broadcast_in_dim3A_130 = arith.constant 6 : i32
    %broadcast_in_dim3A_131 = vector.broadcast %broadcast_in_dim3A_130 : i32 to vector<16xi32>
    %gather3A_132 = tpu.vector_load_idx %arg12[%broadcast_in_dim3A_131] : memref<32xf32, #tpu.memory_space<vmem>>[vector<16xi32>], vector<16xf32>,
    %eq3A_133 = arith.cmpi eq, %get3A_60, %gather3A_129 : vector<16xi32>
    %jit3A_134 = arith.constant 0.000000e+00 : f32
    %broadcast_in_dim3A_135 = vector.broadcast %jit3A_134 : f32 to vector<16xf32>
    %select_n3A_136 = arith.select %eq3A_133, %gather3A_132, %broadcast_in_dim3A_135 : vector<16xi1>, vector<16xf32>
    %add3A_137 = arith.addf %add3A_126, %select_n3A_136 : vector<16xf32>
    %broadcast_in_dim3A_138 = arith.constant 7 : i32
    %broadcast_in_dim3A_139 = vector.broadcast %broadcast_in_dim3A_138 : i32 to vector<16xi32>
    %gather3A_140 = tpu.vector_load_idx %arg9[%broadcast_in_dim3A_139] : memref<32xi32, #tpu.memory_space<vmem>>[vector<16xi32>], vector<16xi32>,
    %broadcast_in_dim3A_141 = arith.constant 7 : i32
    %broadcast_in_dim3A_142 = vector.broadcast %broadcast_in_dim3A_141 : i32 to vector<16xi32>
    %gather3A_143 = tpu.vector_load_idx %arg12[%broadcast_in_dim3A_142] : memref<32xf32, #tpu.memory_space<vmem>>[vector<16xi32>], vector<16xf32>,
    %eq3A_144 = arith.cmpi eq, %get3A_60, %gather3A_140 : vector<16xi32>
    %jit3A_145 = arith.constant 0.000000e+00 : f32
    %broadcast_in_dim3A_146 = vector.broadcast %jit3A_145 : f32 to vector<16xf32>
    %select_n3A_147 = arith.select %eq3A_144, %gather3A_143, %broadcast_in_dim3A_146 : vector<16xi1>, vector<16xf32>
    %add3A_148 = arith.addf %add3A_137, %select_n3A_147 : vector<16xf32>
    %broadcast_in_dim3A_149 = arith.constant 8 : i32
    %broadcast_in_dim3A_150 = vector.broadcast %broadcast_in_dim3A_149 : i32 to vector<16xi32>
    %gather3A_151 = tpu.vector_load_idx %arg9[%broadcast_in_dim3A_150] : memref<32xi32, #tpu.memory_space<vmem>>[vector<16xi32>], vector<16xi32>,
    %broadcast_in_dim3A_152 = arith.constant 8 : i32
    %broadcast_in_dim3A_153 = vector.broadcast %broadcast_in_dim3A_152 : i32 to vector<16xi32>
    %gather3A_154 = tpu.vector_load_idx %arg12[%broadcast_in_dim3A_153] : memref<32xf32, #tpu.memory_space<vmem>>[vector<16xi32>], vector<16xf32>,
    %eq3A_155 = arith.cmpi eq, %get3A_60, %gather3A_151 : vector<16xi32>
    %jit3A_156 = arith.constant 0.000000e+00 : f32
    %broadcast_in_dim3A_157 = vector.broadcast %jit3A_156 : f32 to vector<16xf32>
    %select_n3A_158 = arith.select %eq3A_155, %gather3A_154, %broadcast_in_dim3A_157 : vector<16xi1>, vector<16xf32>
    %add3A_159 = arith.addf %add3A_148, %select_n3A_158 : vector<16xf32>
    %broadcast_in_dim3A_160 = arith.constant 9 : i32
    %broadcast_in_dim3A_161 = vector.broadcast %broadcast_in_dim3A_160 : i32 to vector<16xi32>
    %gather3A_162 = tpu.vector_load_idx %arg9[%broadcast_in_dim3A_161] : memref<32xi32, #tpu.memory_space<vmem>>[vector<16xi32>], vector<16xi32>,
    %broadcast_in_dim3A_163 = arith.constant 9 : i32
    %broadcast_in_dim3A_164 = vector.broadcast %broadcast_in_dim3A_163 : i32 to vector<16xi32>
    %gather3A_165 = tpu.vector_load_idx %arg12[%broadcast_in_dim3A_164] : memref<32xf32, #tpu.memory_space<vmem>>[vector<16xi32>], vector<16xf32>,
    %eq3A_166 = arith.cmpi eq, %get3A_60, %gather3A_162 : vector<16xi32>
    %jit3A_167 = arith.constant 0.000000e+00 : f32
    %broadcast_in_dim3A_168 = vector.broadcast %jit3A_167 : f32 to vector<16xf32>
    %select_n3A_169 = arith.select %eq3A_166, %gather3A_165, %broadcast_in_dim3A_168 : vector<16xi1>, vector<16xf32>
    %add3A_170 = arith.addf %add3A_159, %select_n3A_169 : vector<16xf32>
    %broadcast_in_dim3A_171 = arith.constant 10 : i32
    %broadcast_in_dim3A_172 = vector.broadcast %broadcast_in_dim3A_171 : i32 to vector<16xi32>
    %gather3A_173 = tpu.vector_load_idx %arg9[%broadcast_in_dim3A_172] : memref<32xi32, #tpu.memory_space<vmem>>[vector<16xi32>], vector<16xi32>,
    %broadcast_in_dim3A_174 = arith.constant 10 : i32
    %broadcast_in_dim3A_175 = vector.broadcast %broadcast_in_dim3A_174 : i32 to vector<16xi32>
    %gather3A_176 = tpu.vector_load_idx %arg12[%broadcast_in_dim3A_175] : memref<32xf32, #tpu.memory_space<vmem>>[vector<16xi32>], vector<16xf32>,
    %eq3A_177 = arith.cmpi eq, %get3A_60, %gather3A_173 : vector<16xi32>
    %jit3A_178 = arith.constant 0.000000e+00 : f32
    %broadcast_in_dim3A_179 = vector.broadcast %jit3A_178 : f32 to vector<16xf32>
    %select_n3A_180 = arith.select %eq3A_177, %gather3A_176, %broadcast_in_dim3A_179 : vector<16xi1>, vector<16xf32>
    %add3A_181 = arith.addf %add3A_170, %select_n3A_180 : vector<16xf32>
    %broadcast_in_dim3A_182 = arith.constant 11 : i32
    %broadcast_in_dim3A_183 = vector.broadcast %broadcast_in_dim3A_182 : i32 to vector<16xi32>
    %gather3A_184 = tpu.vector_load_idx %arg9[%broadcast_in_dim3A_183] : memref<32xi32, #tpu.memory_space<vmem>>[vector<16xi32>], vector<16xi32>,
    %broadcast_in_dim3A_185 = arith.constant 11 : i32
    %broadcast_in_dim3A_186 = vector.broadcast %broadcast_in_dim3A_185 : i32 to vector<16xi32>
    %gather3A_187 = tpu.vector_load_idx %arg12[%broadcast_in_dim3A_186] : memref<32xf32, #tpu.memory_space<vmem>>[vector<16xi32>], vector<16xf32>,
    %eq3A_188 = arith.cmpi eq, %get3A_60, %gather3A_184 : vector<16xi32>
    %jit3A_189 = arith.constant 0.000000e+00 : f32
    %broadcast_in_dim3A_190 = vector.broadcast %jit3A_189 : f32 to vector<16xf32>
    %select_n3A_191 = arith.select %eq3A_188, %gather3A_187, %broadcast_in_dim3A_190 : vector<16xi1>, vector<16xf32>
    %add3A_192 = arith.addf %add3A_181, %select_n3A_191 : vector<16xf32>
    %broadcast_in_dim3A_193 = arith.constant 12 : i32
    %broadcast_in_dim3A_194 = vector.broadcast %broadcast_in_dim3A_193 : i32 to vector<16xi32>
    %gather3A_195 = tpu.vector_load_idx %arg9[%broadcast_in_dim3A_194] : memref<32xi32, #tpu.memory_space<vmem>>[vector<16xi32>], vector<16xi32>,
    %broadcast_in_dim3A_196 = arith.constant 12 : i32
    %broadcast_in_dim3A_197 = vector.broadcast %broadcast_in_dim3A_196 : i32 to vector<16xi32>
    %gather3A_198 = tpu.vector_load_idx %arg12[%broadcast_in_dim3A_197] : memref<32xf32, #tpu.memory_space<vmem>>[vector<16xi32>], vector<16xf32>,
    %eq3A_199 = arith.cmpi eq, %get3A_60, %gather3A_195 : vector<16xi32>
    %jit3A_200 = arith.constant 0.000000e+00 : f32
    %broadcast_in_dim3A_201 = vector.broadcast %jit3A_200 : f32 to vector<16xf32>
    %select_n3A_202 = arith.select %eq3A_199, %gather3A_198, %broadcast_in_dim3A_201 : vector<16xi1>, vector<16xf32>
    %add3A_203 = arith.addf %add3A_192, %select_n3A_202 : vector<16xf32>
    %broadcast_in_dim3A_204 = arith.constant 13 : i32
    %broadcast_in_dim3A_205 = vector.broadcast %broadcast_in_dim3A_204 : i32 to vector<16xi32>
    %gather3A_206 = tpu.vector_load_idx %arg9[%broadcast_in_dim3A_205] : memref<32xi32, #tpu.memory_space<vmem>>[vector<16xi32>], vector<16xi32>,
    %broadcast_in_dim3A_207 = arith.constant 13 : i32
    %broadcast_in_dim3A_208 = vector.broadcast %broadcast_in_dim3A_207 : i32 to vector<16xi32>
    %gather3A_209 = tpu.vector_load_idx %arg12[%broadcast_in_dim3A_208] : memref<32xf32, #tpu.memory_space<vmem>>[vector<16xi32>], vector<16xf32>,
    %eq3A_210 = arith.cmpi eq, %get3A_60, %gather3A_206 : vector<16xi32>
    %jit3A_211 = arith.constant 0.000000e+00 : f32
    %broadcast_in_dim3A_212 = vector.broadcast %jit3A_211 : f32 to vector<16xf32>
    %select_n3A_213 = arith.select %eq3A_210, %gather3A_209, %broadcast_in_dim3A_212 : vector<16xi1>, vector<16xf32>
    %add3A_214 = arith.addf %add3A_203, %select_n3A_213 : vector<16xf32>
    %broadcast_in_dim3A_215 = arith.constant 14 : i32
    %broadcast_in_dim3A_216 = vector.broadcast %broadcast_in_dim3A_215 : i32 to vector<16xi32>
    %gather3A_217 = tpu.vector_load_idx %arg9[%broadcast_in_dim3A_216] : memref<32xi32, #tpu.memory_space<vmem>>[vector<16xi32>], vector<16xi32>,
    %broadcast_in_dim3A_218 = arith.constant 14 : i32
    %broadcast_in_dim3A_219 = vector.broadcast %broadcast_in_dim3A_218 : i32 to vector<16xi32>
    %gather3A_220 = tpu.vector_load_idx %arg12[%broadcast_in_dim3A_219] : memref<32xf32, #tpu.memory_space<vmem>>[vector<16xi32>], vector<16xf32>,
    %eq3A_221 = arith.cmpi eq, %get3A_60, %gather3A_217 : vector<16xi32>
    %jit3A_222 = arith.constant 0.000000e+00 : f32
    %broadcast_in_dim3A_223 = vector.broadcast %jit3A_222 : f32 to vector<16xf32>
    %select_n3A_224 = arith.select %eq3A_221, %gather3A_220, %broadcast_in_dim3A_223 : vector<16xi1>, vector<16xf32>
    %add3A_225 = arith.addf %add3A_214, %select_n3A_224 : vector<16xf32>
    %broadcast_in_dim3A_226 = arith.constant 15 : i32
    %broadcast_in_dim3A_227 = vector.broadcast %broadcast_in_dim3A_226 : i32 to vector<16xi32>
    %gather3A_228 = tpu.vector_load_idx %arg9[%broadcast_in_dim3A_227] : memref<32xi32, #tpu.memory_space<vmem>>[vector<16xi32>], vector<16xi32>,
    %broadcast_in_dim3A_229 = arith.constant 15 : i32
    %broadcast_in_dim3A_230 = vector.broadcast %broadcast_in_dim3A_229 : i32 to vector<16xi32>
    %gather3A_231 = tpu.vector_load_idx %arg12[%broadcast_in_dim3A_230] : memref<32xf32, #tpu.memory_space<vmem>>[vector<16xi32>], vector<16xf32>,
    %eq3A_232 = arith.cmpi eq, %get3A_60, %gather3A_228 : vector<16xi32>
    %jit3A_233 = arith.constant 0.000000e+00 : f32
    %broadcast_in_dim3A_234 = vector.broadcast %jit3A_233 : f32 to vector<16xf32>
    %select_n3A_235 = arith.select %eq3A_232, %gather3A_231, %broadcast_in_dim3A_234 : vector<16xi1>, vector<16xf32>
    %add3A_236 = arith.addf %add3A_225, %select_n3A_235 : vector<16xf32>
    %broadcast_in_dim3A_237 = arith.constant 16 : i32
    %broadcast_in_dim3A_238 = vector.broadcast %broadcast_in_dim3A_237 : i32 to vector<16xi32>
    %gather3A_239 = tpu.vector_load_idx %arg9[%broadcast_in_dim3A_238] : memref<32xi32, #tpu.memory_space<vmem>>[vector<16xi32>], vector<16xi32>,
    %broadcast_in_dim3A_240 = arith.constant 16 : i32
    %broadcast_in_dim3A_241 = vector.broadcast %broadcast_in_dim3A_240 : i32 to vector<16xi32>
    %gather3A_242 = tpu.vector_load_idx %arg12[%broadcast_in_dim3A_241] : memref<32xf32, #tpu.memory_space<vmem>>[vector<16xi32>], vector<16xf32>,
    %eq3A_243 = arith.cmpi eq, %get3A_60, %gather3A_239 : vector<16xi32>
    %jit3A_244 = arith.constant 0.000000e+00 : f32
    %broadcast_in_dim3A_245 = vector.broadcast %jit3A_244 : f32 to vector<16xf32>
    %select_n3A_246 = arith.select %eq3A_243, %gather3A_242, %broadcast_in_dim3A_245 : vector<16xi1>, vector<16xf32>
    %add3A_247 = arith.addf %add3A_236, %select_n3A_246 : vector<16xf32>
    %broadcast_in_dim3A_248 = arith.constant 17 : i32
    %broadcast_in_dim3A_249 = vector.broadcast %broadcast_in_dim3A_248 : i32 to vector<16xi32>
    %gather3A_250 = tpu.vector_load_idx %arg9[%broadcast_in_dim3A_249] : memref<32xi32, #tpu.memory_space<vmem>>[vector<16xi32>], vector<16xi32>,
    %broadcast_in_dim3A_251 = arith.constant 17 : i32
    %broadcast_in_dim3A_252 = vector.broadcast %broadcast_in_dim3A_251 : i32 to vector<16xi32>
    %gather3A_253 = tpu.vector_load_idx %arg12[%broadcast_in_dim3A_252] : memref<32xf32, #tpu.memory_space<vmem>>[vector<16xi32>], vector<16xf32>,
    %eq3A_254 = arith.cmpi eq, %get3A_60, %gather3A_250 : vector<16xi32>
    %jit3A_255 = arith.constant 0.000000e+00 : f32
    %broadcast_in_dim3A_256 = vector.broadcast %jit3A_255 : f32 to vector<16xf32>
    %select_n3A_257 = arith.select %eq3A_254, %gather3A_253, %broadcast_in_dim3A_256 : vector<16xi1>, vector<16xf32>
    %add3A_258 = arith.addf %add3A_247, %select_n3A_257 : vector<16xf32>
    %broadcast_in_dim3A_259 = arith.constant 18 : i32
    %broadcast_in_dim3A_260 = vector.broadcast %broadcast_in_dim3A_259 : i32 to vector<16xi32>
    %gather3A_261 = tpu.vector_load_idx %arg9[%broadcast_in_dim3A_260] : memref<32xi32, #tpu.memory_space<vmem>>[vector<16xi32>], vector<16xi32>,
    %broadcast_in_dim3A_262 = arith.constant 18 : i32
    %broadcast_in_dim3A_263 = vector.broadcast %broadcast_in_dim3A_262 : i32 to vector<16xi32>
    %gather3A_264 = tpu.vector_load_idx %arg12[%broadcast_in_dim3A_263] : memref<32xf32, #tpu.memory_space<vmem>>[vector<16xi32>], vector<16xf32>,
    %eq3A_265 = arith.cmpi eq, %get3A_60, %gather3A_261 : vector<16xi32>
    %jit3A_266 = arith.constant 0.000000e+00 : f32
    %broadcast_in_dim3A_267 = vector.broadcast %jit3A_266 : f32 to vector<16xf32>
    %select_n3A_268 = arith.select %eq3A_265, %gather3A_264, %broadcast_in_dim3A_267 : vector<16xi1>, vector<16xf32>
    %add3A_269 = arith.addf %add3A_258, %select_n3A_268 : vector<16xf32>
    %broadcast_in_dim3A_270 = arith.constant 19 : i32
    %broadcast_in_dim3A_271 = vector.broadcast %broadcast_in_dim3A_270 : i32 to vector<16xi32>
    %gather3A_272 = tpu.vector_load_idx %arg9[%broadcast_in_dim3A_271] : memref<32xi32, #tpu.memory_space<vmem>>[vector<16xi32>], vector<16xi32>,
    %broadcast_in_dim3A_273 = arith.constant 19 : i32
    %broadcast_in_dim3A_274 = vector.broadcast %broadcast_in_dim3A_273 : i32 to vector<16xi32>
    %gather3A_275 = tpu.vector_load_idx %arg12[%broadcast_in_dim3A_274] : memref<32xf32, #tpu.memory_space<vmem>>[vector<16xi32>], vector<16xf32>,
    %eq3A_276 = arith.cmpi eq, %get3A_60, %gather3A_272 : vector<16xi32>
    %jit3A_277 = arith.constant 0.000000e+00 : f32
    %broadcast_in_dim3A_278 = vector.broadcast %jit3A_277 : f32 to vector<16xf32>
    %select_n3A_279 = arith.select %eq3A_276, %gather3A_275, %broadcast_in_dim3A_278 : vector<16xi1>, vector<16xf32>
    %add3A_280 = arith.addf %add3A_269, %select_n3A_279 : vector<16xf32>
    %mul3A_281 = arith.constant 2.500000e-01 : f32
    %mul3A_282 = vector.broadcast %mul3A_281 : f32 to vector<16xf32>
    %mul3A_283 = arith.mulf %mul3A_282, %add3A_280 : vector<16xf32>
    %ge3A_284 = arith.constant 5.000000e-01 : f32
    %ge3A_285 = vector.broadcast %ge3A_284 : f32 to vector<16xf32>
    %ge3A_286 = arith.cmpf oge, %mul3A_283, %ge3A_285 : vector<16xf32>
    %jit3A_287 = arith.constant 0.000000e+00 : f32
    %broadcast_in_dim3A_288 = vector.broadcast %jit3A_287 : f32 to vector<16xf32>
    %select_n3A_289 = arith.select %ge3A_286, %mul3A_283, %broadcast_in_dim3A_288 : vector<16xi1>, vector<16xf32>
    %gt3A = arith.constant 0.000000e+00 : f32
    %gt3A_290 = vector.broadcast %gt3A : f32 to vector<16xf32>
    %gt3A_291 = arith.cmpf ogt, %select_n3A_289, %gt3A_290 : vector<16xf32>
    %all_reduce_population_count3A = tpu.all_reduce %gt3A_291 {dim = 0 : i64, kind = #tpu.reduction_kind<sum>} : vector<16xi1> -> vector<16xi32>
    %reduce_max3A = arith.constant true
    %reduce_max3A_292 = vector.broadcast %reduce_max3A : i1 to vector<16xi1>
    %reduce_max3A_293 = arith.constant -2147483648 : i32
    %reduce_max3A_294 = vector.broadcast %reduce_max3A_293 : i32 to vector<16xi32>
    %reduce_max3A_295 = arith.xori %all_reduce_population_count3A, %reduce_max3A_294 : vector<16xi32>
    %reduce_max3A_296 = tpu.scan <max>, %reduce_max3A_295 masked %reduce_max3A_292 : vector<16xi32>, vector<16xi1> -> vector<16xi32>
    %reduce_max3A_297 = arith.xori %reduce_max3A_296, %reduce_max3A_294 : vector<16xi32>
    %reduce_max3A_298 = vector.extract %reduce_max3A_297[15] : i32 from vector<16xi32>
    %add3A_299 = arith.constant 0 : i32
    %add3A_300 = arith.addi %add3A_299, %reduce_max3A_298 : i32
    %get3A_301 = arith.constant 16 : index
    %get3A_302 = tpu.vector_load %arg9[%get3A_301] {strides = array<i32>} : memref<32xi32, #tpu.memory_space<vmem>>, vector<16xi32>,
    %broadcast_in_dim3A_303 = arith.constant 0.000000e+00 : f32
    %broadcast_in_dim3A_304 = vector.broadcast %broadcast_in_dim3A_303 : f32 to vector<16xf32>
    %broadcast_in_dim3A_305 = arith.constant 0 : i32
    %broadcast_in_dim3A_306 = vector.broadcast %broadcast_in_dim3A_305 : i32 to vector<16xi32>
    %gather3A_307 = tpu.vector_load_idx %arg9[%broadcast_in_dim3A_306] : memref<32xi32, #tpu.memory_space<vmem>>[vector<16xi32>], vector<16xi32>,
    %broadcast_in_dim3A_308 = arith.constant 0 : i32
    %broadcast_in_dim3A_309 = vector.broadcast %broadcast_in_dim3A_308 : i32 to vector<16xi32>
    %gather3A_310 = tpu.vector_load_idx %arg12[%broadcast_in_dim3A_309] : memref<32xf32, #tpu.memory_space<vmem>>[vector<16xi32>], vector<16xf32>,
    %eq3A_311 = arith.cmpi eq, %get3A_302, %gather3A_307 : vector<16xi32>
    %jit3A_312 = arith.constant 0.000000e+00 : f32
    %broadcast_in_dim3A_313 = vector.broadcast %jit3A_312 : f32 to vector<16xf32>
    %select_n3A_314 = arith.select %eq3A_311, %gather3A_310, %broadcast_in_dim3A_313 : vector<16xi1>, vector<16xf32>
    %add3A_315 = arith.addf %broadcast_in_dim3A_304, %select_n3A_314 : vector<16xf32>
    %broadcast_in_dim3A_316 = arith.constant 1 : i32
    %broadcast_in_dim3A_317 = vector.broadcast %broadcast_in_dim3A_316 : i32 to vector<16xi32>
    %gather3A_318 = tpu.vector_load_idx %arg9[%broadcast_in_dim3A_317] : memref<32xi32, #tpu.memory_space<vmem>>[vector<16xi32>], vector<16xi32>,
    %broadcast_in_dim3A_319 = arith.constant 1 : i32
    %broadcast_in_dim3A_320 = vector.broadcast %broadcast_in_dim3A_319 : i32 to vector<16xi32>
    %gather3A_321 = tpu.vector_load_idx %arg12[%broadcast_in_dim3A_320] : memref<32xf32, #tpu.memory_space<vmem>>[vector<16xi32>], vector<16xf32>,
    %eq3A_322 = arith.cmpi eq, %get3A_302, %gather3A_318 : vector<16xi32>
    %jit3A_323 = arith.constant 0.000000e+00 : f32
    %broadcast_in_dim3A_324 = vector.broadcast %jit3A_323 : f32 to vector<16xf32>
    %select_n3A_325 = arith.select %eq3A_322, %gather3A_321, %broadcast_in_dim3A_324 : vector<16xi1>, vector<16xf32>
    %add3A_326 = arith.addf %add3A_315, %select_n3A_325 : vector<16xf32>
    %broadcast_in_dim3A_327 = arith.constant 2 : i32
    %broadcast_in_dim3A_328 = vector.broadcast %broadcast_in_dim3A_327 : i32 to vector<16xi32>
    %gather3A_329 = tpu.vector_load_idx %arg9[%broadcast_in_dim3A_328] : memref<32xi32, #tpu.memory_space<vmem>>[vector<16xi32>], vector<16xi32>,
    %broadcast_in_dim3A_330 = arith.constant 2 : i32
    %broadcast_in_dim3A_331 = vector.broadcast %broadcast_in_dim3A_330 : i32 to vector<16xi32>
    %gather3A_332 = tpu.vector_load_idx %arg12[%broadcast_in_dim3A_331] : memref<32xf32, #tpu.memory_space<vmem>>[vector<16xi32>], vector<16xf32>,
    %eq3A_333 = arith.cmpi eq, %get3A_302, %gather3A_329 : vector<16xi32>
    %jit3A_334 = arith.constant 0.000000e+00 : f32
    %broadcast_in_dim3A_335 = vector.broadcast %jit3A_334 : f32 to vector<16xf32>
    %select_n3A_336 = arith.select %eq3A_333, %gather3A_332, %broadcast_in_dim3A_335 : vector<16xi1>, vector<16xf32>
    %add3A_337 = arith.addf %add3A_326, %select_n3A_336 : vector<16xf32>
    %broadcast_in_dim3A_338 = arith.constant 3 : i32
    %broadcast_in_dim3A_339 = vector.broadcast %broadcast_in_dim3A_338 : i32 to vector<16xi32>
    %gather3A_340 = tpu.vector_load_idx %arg9[%broadcast_in_dim3A_339] : memref<32xi32, #tpu.memory_space<vmem>>[vector<16xi32>], vector<16xi32>,
    %broadcast_in_dim3A_341 = arith.constant 3 : i32
    %broadcast_in_dim3A_342 = vector.broadcast %broadcast_in_dim3A_341 : i32 to vector<16xi32>
    %gather3A_343 = tpu.vector_load_idx %arg12[%broadcast_in_dim3A_342] : memref<32xf32, #tpu.memory_space<vmem>>[vector<16xi32>], vector<16xf32>,
    %eq3A_344 = arith.cmpi eq, %get3A_302, %gather3A_340 : vector<16xi32>
    %jit3A_345 = arith.constant 0.000000e+00 : f32
    %broadcast_in_dim3A_346 = vector.broadcast %jit3A_345 : f32 to vector<16xf32>
    %select_n3A_347 = arith.select %eq3A_344, %gather3A_343, %broadcast_in_dim3A_346 : vector<16xi1>, vector<16xf32>
    %add3A_348 = arith.addf %add3A_337, %select_n3A_347 : vector<16xf32>
    %broadcast_in_dim3A_349 = arith.constant 4 : i32
    %broadcast_in_dim3A_350 = vector.broadcast %broadcast_in_dim3A_349 : i32 to vector<16xi32>
    %gather3A_351 = tpu.vector_load_idx %arg9[%broadcast_in_dim3A_350] : memref<32xi32, #tpu.memory_space<vmem>>[vector<16xi32>], vector<16xi32>,
    %broadcast_in_dim3A_352 = arith.constant 4 : i32
    %broadcast_in_dim3A_353 = vector.broadcast %broadcast_in_dim3A_352 : i32 to vector<16xi32>
    %gather3A_354 = tpu.vector_load_idx %arg12[%broadcast_in_dim3A_353] : memref<32xf32, #tpu.memory_space<vmem>>[vector<16xi32>], vector<16xf32>,
    %eq3A_355 = arith.cmpi eq, %get3A_302, %gather3A_351 : vector<16xi32>
    %jit3A_356 = arith.constant 0.000000e+00 : f32
    %broadcast_in_dim3A_357 = vector.broadcast %jit3A_356 : f32 to vector<16xf32>
    %select_n3A_358 = arith.select %eq3A_355, %gather3A_354, %broadcast_in_dim3A_357 : vector<16xi1>, vector<16xf32>
    %add3A_359 = arith.addf %add3A_348, %select_n3A_358 : vector<16xf32>
    %broadcast_in_dim3A_360 = arith.constant 5 : i32
    %broadcast_in_dim3A_361 = vector.broadcast %broadcast_in_dim3A_360 : i32 to vector<16xi32>
    %gather3A_362 = tpu.vector_load_idx %arg9[%broadcast_in_dim3A_361] : memref<32xi32, #tpu.memory_space<vmem>>[vector<16xi32>], vector<16xi32>,
    %broadcast_in_dim3A_363 = arith.constant 5 : i32
    %broadcast_in_dim3A_364 = vector.broadcast %broadcast_in_dim3A_363 : i32 to vector<16xi32>
    %gather3A_365 = tpu.vector_load_idx %arg12[%broadcast_in_dim3A_364] : memref<32xf32, #tpu.memory_space<vmem>>[vector<16xi32>], vector<16xf32>,
    %eq3A_366 = arith.cmpi eq, %get3A_302, %gather3A_362 : vector<16xi32>
    %jit3A_367 = arith.constant 0.000000e+00 : f32
    %broadcast_in_dim3A_368 = vector.broadcast %jit3A_367 : f32 to vector<16xf32>
    %select_n3A_369 = arith.select %eq3A_366, %gather3A_365, %broadcast_in_dim3A_368 : vector<16xi1>, vector<16xf32>
    %add3A_370 = arith.addf %add3A_359, %select_n3A_369 : vector<16xf32>
    %broadcast_in_dim3A_371 = arith.constant 6 : i32
    %broadcast_in_dim3A_372 = vector.broadcast %broadcast_in_dim3A_371 : i32 to vector<16xi32>
    %gather3A_373 = tpu.vector_load_idx %arg9[%broadcast_in_dim3A_372] : memref<32xi32, #tpu.memory_space<vmem>>[vector<16xi32>], vector<16xi32>,
    %broadcast_in_dim3A_374 = arith.constant 6 : i32
    %broadcast_in_dim3A_375 = vector.broadcast %broadcast_in_dim3A_374 : i32 to vector<16xi32>
    %gather3A_376 = tpu.vector_load_idx %arg12[%broadcast_in_dim3A_375] : memref<32xf32, #tpu.memory_space<vmem>>[vector<16xi32>], vector<16xf32>,
    %eq3A_377 = arith.cmpi eq, %get3A_302, %gather3A_373 : vector<16xi32>
    %jit3A_378 = arith.constant 0.000000e+00 : f32
    %broadcast_in_dim3A_379 = vector.broadcast %jit3A_378 : f32 to vector<16xf32>
    %select_n3A_380 = arith.select %eq3A_377, %gather3A_376, %broadcast_in_dim3A_379 : vector<16xi1>, vector<16xf32>
    %add3A_381 = arith.addf %add3A_370, %select_n3A_380 : vector<16xf32>
    %broadcast_in_dim3A_382 = arith.constant 7 : i32
    %broadcast_in_dim3A_383 = vector.broadcast %broadcast_in_dim3A_382 : i32 to vector<16xi32>
    %gather3A_384 = tpu.vector_load_idx %arg9[%broadcast_in_dim3A_383] : memref<32xi32, #tpu.memory_space<vmem>>[vector<16xi32>], vector<16xi32>,
    %broadcast_in_dim3A_385 = arith.constant 7 : i32
    %broadcast_in_dim3A_386 = vector.broadcast %broadcast_in_dim3A_385 : i32 to vector<16xi32>
    %gather3A_387 = tpu.vector_load_idx %arg12[%broadcast_in_dim3A_386] : memref<32xf32, #tpu.memory_space<vmem>>[vector<16xi32>], vector<16xf32>,
    %eq3A_388 = arith.cmpi eq, %get3A_302, %gather3A_384 : vector<16xi32>
    %jit3A_389 = arith.constant 0.000000e+00 : f32
    %broadcast_in_dim3A_390 = vector.broadcast %jit3A_389 : f32 to vector<16xf32>
    %select_n3A_391 = arith.select %eq3A_388, %gather3A_387, %broadcast_in_dim3A_390 : vector<16xi1>, vector<16xf32>
    %add3A_392 = arith.addf %add3A_381, %select_n3A_391 : vector<16xf32>
    %broadcast_in_dim3A_393 = arith.constant 8 : i32
    %broadcast_in_dim3A_394 = vector.broadcast %broadcast_in_dim3A_393 : i32 to vector<16xi32>
    %gather3A_395 = tpu.vector_load_idx %arg9[%broadcast_in_dim3A_394] : memref<32xi32, #tpu.memory_space<vmem>>[vector<16xi32>], vector<16xi32>,
    %broadcast_in_dim3A_396 = arith.constant 8 : i32
    %broadcast_in_dim3A_397 = vector.broadcast %broadcast_in_dim3A_396 : i32 to vector<16xi32>
    %gather3A_398 = tpu.vector_load_idx %arg12[%broadcast_in_dim3A_397] : memref<32xf32, #tpu.memory_space<vmem>>[vector<16xi32>], vector<16xf32>,
    %eq3A_399 = arith.cmpi eq, %get3A_302, %gather3A_395 : vector<16xi32>
    %jit3A_400 = arith.constant 0.000000e+00 : f32
    %broadcast_in_dim3A_401 = vector.broadcast %jit3A_400 : f32 to vector<16xf32>
    %select_n3A_402 = arith.select %eq3A_399, %gather3A_398, %broadcast_in_dim3A_401 : vector<16xi1>, vector<16xf32>
    %add3A_403 = arith.addf %add3A_392, %select_n3A_402 : vector<16xf32>
    %broadcast_in_dim3A_404 = arith.constant 9 : i32
    %broadcast_in_dim3A_405 = vector.broadcast %broadcast_in_dim3A_404 : i32 to vector<16xi32>
    %gather3A_406 = tpu.vector_load_idx %arg9[%broadcast_in_dim3A_405] : memref<32xi32, #tpu.memory_space<vmem>>[vector<16xi32>], vector<16xi32>,
    %broadcast_in_dim3A_407 = arith.constant 9 : i32
    %broadcast_in_dim3A_408 = vector.broadcast %broadcast_in_dim3A_407 : i32 to vector<16xi32>
    %gather3A_409 = tpu.vector_load_idx %arg12[%broadcast_in_dim3A_408] : memref<32xf32, #tpu.memory_space<vmem>>[vector<16xi32>], vector<16xf32>,
    %eq3A_410 = arith.cmpi eq, %get3A_302, %gather3A_406 : vector<16xi32>
    %jit3A_411 = arith.constant 0.000000e+00 : f32
    %broadcast_in_dim3A_412 = vector.broadcast %jit3A_411 : f32 to vector<16xf32>
    %select_n3A_413 = arith.select %eq3A_410, %gather3A_409, %broadcast_in_dim3A_412 : vector<16xi1>, vector<16xf32>
    %add3A_414 = arith.addf %add3A_403, %select_n3A_413 : vector<16xf32>
    %broadcast_in_dim3A_415 = arith.constant 10 : i32
    %broadcast_in_dim3A_416 = vector.broadcast %broadcast_in_dim3A_415 : i32 to vector<16xi32>
    %gather3A_417 = tpu.vector_load_idx %arg9[%broadcast_in_dim3A_416] : memref<32xi32, #tpu.memory_space<vmem>>[vector<16xi32>], vector<16xi32>,
    %broadcast_in_dim3A_418 = arith.constant 10 : i32
    %broadcast_in_dim3A_419 = vector.broadcast %broadcast_in_dim3A_418 : i32 to vector<16xi32>
    %gather3A_420 = tpu.vector_load_idx %arg12[%broadcast_in_dim3A_419] : memref<32xf32, #tpu.memory_space<vmem>>[vector<16xi32>], vector<16xf32>,
    %eq3A_421 = arith.cmpi eq, %get3A_302, %gather3A_417 : vector<16xi32>
    %jit3A_422 = arith.constant 0.000000e+00 : f32
    %broadcast_in_dim3A_423 = vector.broadcast %jit3A_422 : f32 to vector<16xf32>
    %select_n3A_424 = arith.select %eq3A_421, %gather3A_420, %broadcast_in_dim3A_423 : vector<16xi1>, vector<16xf32>
    %add3A_425 = arith.addf %add3A_414, %select_n3A_424 : vector<16xf32>
    %broadcast_in_dim3A_426 = arith.constant 11 : i32
    %broadcast_in_dim3A_427 = vector.broadcast %broadcast_in_dim3A_426 : i32 to vector<16xi32>
    %gather3A_428 = tpu.vector_load_idx %arg9[%broadcast_in_dim3A_427] : memref<32xi32, #tpu.memory_space<vmem>>[vector<16xi32>], vector<16xi32>,
    %broadcast_in_dim3A_429 = arith.constant 11 : i32
    %broadcast_in_dim3A_430 = vector.broadcast %broadcast_in_dim3A_429 : i32 to vector<16xi32>
    %gather3A_431 = tpu.vector_load_idx %arg12[%broadcast_in_dim3A_430] : memref<32xf32, #tpu.memory_space<vmem>>[vector<16xi32>], vector<16xf32>,
    %eq3A_432 = arith.cmpi eq, %get3A_302, %gather3A_428 : vector<16xi32>
    %jit3A_433 = arith.constant 0.000000e+00 : f32
    %broadcast_in_dim3A_434 = vector.broadcast %jit3A_433 : f32 to vector<16xf32>
    %select_n3A_435 = arith.select %eq3A_432, %gather3A_431, %broadcast_in_dim3A_434 : vector<16xi1>, vector<16xf32>
    %add3A_436 = arith.addf %add3A_425, %select_n3A_435 : vector<16xf32>
    %broadcast_in_dim3A_437 = arith.constant 12 : i32
    %broadcast_in_dim3A_438 = vector.broadcast %broadcast_in_dim3A_437 : i32 to vector<16xi32>
    %gather3A_439 = tpu.vector_load_idx %arg9[%broadcast_in_dim3A_438] : memref<32xi32, #tpu.memory_space<vmem>>[vector<16xi32>], vector<16xi32>,
    %broadcast_in_dim3A_440 = arith.constant 12 : i32
    %broadcast_in_dim3A_441 = vector.broadcast %broadcast_in_dim3A_440 : i32 to vector<16xi32>
    %gather3A_442 = tpu.vector_load_idx %arg12[%broadcast_in_dim3A_441] : memref<32xf32, #tpu.memory_space<vmem>>[vector<16xi32>], vector<16xf32>,
    %eq3A_443 = arith.cmpi eq, %get3A_302, %gather3A_439 : vector<16xi32>
    %jit3A_444 = arith.constant 0.000000e+00 : f32
    %broadcast_in_dim3A_445 = vector.broadcast %jit3A_444 : f32 to vector<16xf32>
    %select_n3A_446 = arith.select %eq3A_443, %gather3A_442, %broadcast_in_dim3A_445 : vector<16xi1>, vector<16xf32>
    %add3A_447 = arith.addf %add3A_436, %select_n3A_446 : vector<16xf32>
    %broadcast_in_dim3A_448 = arith.constant 13 : i32
    %broadcast_in_dim3A_449 = vector.broadcast %broadcast_in_dim3A_448 : i32 to vector<16xi32>
    %gather3A_450 = tpu.vector_load_idx %arg9[%broadcast_in_dim3A_449] : memref<32xi32, #tpu.memory_space<vmem>>[vector<16xi32>], vector<16xi32>,
    %broadcast_in_dim3A_451 = arith.constant 13 : i32
    %broadcast_in_dim3A_452 = vector.broadcast %broadcast_in_dim3A_451 : i32 to vector<16xi32>
    %gather3A_453 = tpu.vector_load_idx %arg12[%broadcast_in_dim3A_452] : memref<32xf32, #tpu.memory_space<vmem>>[vector<16xi32>], vector<16xf32>,
    %eq3A_454 = arith.cmpi eq, %get3A_302, %gather3A_450 : vector<16xi32>
    %jit3A_455 = arith.constant 0.000000e+00 : f32
    %broadcast_in_dim3A_456 = vector.broadcast %jit3A_455 : f32 to vector<16xf32>
    %select_n3A_457 = arith.select %eq3A_454, %gather3A_453, %broadcast_in_dim3A_456 : vector<16xi1>, vector<16xf32>
    %add3A_458 = arith.addf %add3A_447, %select_n3A_457 : vector<16xf32>
    %broadcast_in_dim3A_459 = arith.constant 14 : i32
    %broadcast_in_dim3A_460 = vector.broadcast %broadcast_in_dim3A_459 : i32 to vector<16xi32>
    %gather3A_461 = tpu.vector_load_idx %arg9[%broadcast_in_dim3A_460] : memref<32xi32, #tpu.memory_space<vmem>>[vector<16xi32>], vector<16xi32>,
    %broadcast_in_dim3A_462 = arith.constant 14 : i32
    %broadcast_in_dim3A_463 = vector.broadcast %broadcast_in_dim3A_462 : i32 to vector<16xi32>
    %gather3A_464 = tpu.vector_load_idx %arg12[%broadcast_in_dim3A_463] : memref<32xf32, #tpu.memory_space<vmem>>[vector<16xi32>], vector<16xf32>,
    %eq3A_465 = arith.cmpi eq, %get3A_302, %gather3A_461 : vector<16xi32>
    %jit3A_466 = arith.constant 0.000000e+00 : f32
    %broadcast_in_dim3A_467 = vector.broadcast %jit3A_466 : f32 to vector<16xf32>
    %select_n3A_468 = arith.select %eq3A_465, %gather3A_464, %broadcast_in_dim3A_467 : vector<16xi1>, vector<16xf32>
    %add3A_469 = arith.addf %add3A_458, %select_n3A_468 : vector<16xf32>
    %broadcast_in_dim3A_470 = arith.constant 15 : i32
    %broadcast_in_dim3A_471 = vector.broadcast %broadcast_in_dim3A_470 : i32 to vector<16xi32>
    %gather3A_472 = tpu.vector_load_idx %arg9[%broadcast_in_dim3A_471] : memref<32xi32, #tpu.memory_space<vmem>>[vector<16xi32>], vector<16xi32>,
    %broadcast_in_dim3A_473 = arith.constant 15 : i32
    %broadcast_in_dim3A_474 = vector.broadcast %broadcast_in_dim3A_473 : i32 to vector<16xi32>
    %gather3A_475 = tpu.vector_load_idx %arg12[%broadcast_in_dim3A_474] : memref<32xf32, #tpu.memory_space<vmem>>[vector<16xi32>], vector<16xf32>,
    %eq3A_476 = arith.cmpi eq, %get3A_302, %gather3A_472 : vector<16xi32>
    %jit3A_477 = arith.constant 0.000000e+00 : f32
    %broadcast_in_dim3A_478 = vector.broadcast %jit3A_477 : f32 to vector<16xf32>
    %select_n3A_479 = arith.select %eq3A_476, %gather3A_475, %broadcast_in_dim3A_478 : vector<16xi1>, vector<16xf32>
    %add3A_480 = arith.addf %add3A_469, %select_n3A_479 : vector<16xf32>
    %broadcast_in_dim3A_481 = arith.constant 16 : i32
    %broadcast_in_dim3A_482 = vector.broadcast %broadcast_in_dim3A_481 : i32 to vector<16xi32>
    %gather3A_483 = tpu.vector_load_idx %arg9[%broadcast_in_dim3A_482] : memref<32xi32, #tpu.memory_space<vmem>>[vector<16xi32>], vector<16xi32>,
    %broadcast_in_dim3A_484 = arith.constant 16 : i32
    %broadcast_in_dim3A_485 = vector.broadcast %broadcast_in_dim3A_484 : i32 to vector<16xi32>
    %gather3A_486 = tpu.vector_load_idx %arg12[%broadcast_in_dim3A_485] : memref<32xf32, #tpu.memory_space<vmem>>[vector<16xi32>], vector<16xf32>,
    %eq3A_487 = arith.cmpi eq, %get3A_302, %gather3A_483 : vector<16xi32>
    %jit3A_488 = arith.constant 0.000000e+00 : f32
    %broadcast_in_dim3A_489 = vector.broadcast %jit3A_488 : f32 to vector<16xf32>
    %select_n3A_490 = arith.select %eq3A_487, %gather3A_486, %broadcast_in_dim3A_489 : vector<16xi1>, vector<16xf32>
    %add3A_491 = arith.addf %add3A_480, %select_n3A_490 : vector<16xf32>
    %broadcast_in_dim3A_492 = arith.constant 17 : i32
    %broadcast_in_dim3A_493 = vector.broadcast %broadcast_in_dim3A_492 : i32 to vector<16xi32>
    %gather3A_494 = tpu.vector_load_idx %arg9[%broadcast_in_dim3A_493] : memref<32xi32, #tpu.memory_space<vmem>>[vector<16xi32>], vector<16xi32>,
    %broadcast_in_dim3A_495 = arith.constant 17 : i32
    %broadcast_in_dim3A_496 = vector.broadcast %broadcast_in_dim3A_495 : i32 to vector<16xi32>
    %gather3A_497 = tpu.vector_load_idx %arg12[%broadcast_in_dim3A_496] : memref<32xf32, #tpu.memory_space<vmem>>[vector<16xi32>], vector<16xf32>,
    %eq3A_498 = arith.cmpi eq, %get3A_302, %gather3A_494 : vector<16xi32>
    %jit3A_499 = arith.constant 0.000000e+00 : f32
    %broadcast_in_dim3A_500 = vector.broadcast %jit3A_499 : f32 to vector<16xf32>
    %select_n3A_501 = arith.select %eq3A_498, %gather3A_497, %broadcast_in_dim3A_500 : vector<16xi1>, vector<16xf32>
    %add3A_502 = arith.addf %add3A_491, %select_n3A_501 : vector<16xf32>
    %broadcast_in_dim3A_503 = arith.constant 18 : i32
    %broadcast_in_dim3A_504 = vector.broadcast %broadcast_in_dim3A_503 : i32 to vector<16xi32>
    %gather3A_505 = tpu.vector_load_idx %arg9[%broadcast_in_dim3A_504] : memref<32xi32, #tpu.memory_space<vmem>>[vector<16xi32>], vector<16xi32>,
    %broadcast_in_dim3A_506 = arith.constant 18 : i32
    %broadcast_in_dim3A_507 = vector.broadcast %broadcast_in_dim3A_506 : i32 to vector<16xi32>
    %gather3A_508 = tpu.vector_load_idx %arg12[%broadcast_in_dim3A_507] : memref<32xf32, #tpu.memory_space<vmem>>[vector<16xi32>], vector<16xf32>,
    %eq3A_509 = arith.cmpi eq, %get3A_302, %gather3A_505 : vector<16xi32>
    %jit3A_510 = arith.constant 0.000000e+00 : f32
    %broadcast_in_dim3A_511 = vector.broadcast %jit3A_510 : f32 to vector<16xf32>
    %select_n3A_512 = arith.select %eq3A_509, %gather3A_508, %broadcast_in_dim3A_511 : vector<16xi1>, vector<16xf32>
    %add3A_513 = arith.addf %add3A_502, %select_n3A_512 : vector<16xf32>
    %broadcast_in_dim3A_514 = arith.constant 19 : i32
    %broadcast_in_dim3A_515 = vector.broadcast %broadcast_in_dim3A_514 : i32 to vector<16xi32>
    %gather3A_516 = tpu.vector_load_idx %arg9[%broadcast_in_dim3A_515] : memref<32xi32, #tpu.memory_space<vmem>>[vector<16xi32>], vector<16xi32>,
    %broadcast_in_dim3A_517 = arith.constant 19 : i32
    %broadcast_in_dim3A_518 = vector.broadcast %broadcast_in_dim3A_517 : i32 to vector<16xi32>
    %gather3A_519 = tpu.vector_load_idx %arg12[%broadcast_in_dim3A_518] : memref<32xf32, #tpu.memory_space<vmem>>[vector<16xi32>], vector<16xf32>,
    %eq3A_520 = arith.cmpi eq, %get3A_302, %gather3A_516 : vector<16xi32>
    %jit3A_521 = arith.constant 0.000000e+00 : f32
    %broadcast_in_dim3A_522 = vector.broadcast %jit3A_521 : f32 to vector<16xf32>
    %select_n3A_523 = arith.select %eq3A_520, %gather3A_519, %broadcast_in_dim3A_522 : vector<16xi1>, vector<16xf32>
    %add3A_524 = arith.addf %add3A_513, %select_n3A_523 : vector<16xf32>
    %mul3A_525 = arith.constant 2.500000e-01 : f32
    %mul3A_526 = vector.broadcast %mul3A_525 : f32 to vector<16xf32>
    %mul3A_527 = arith.mulf %mul3A_526, %add3A_524 : vector<16xf32>
    %ge3A_528 = arith.constant 5.000000e-01 : f32
    %ge3A_529 = vector.broadcast %ge3A_528 : f32 to vector<16xf32>
    %ge3A_530 = arith.cmpf oge, %mul3A_527, %ge3A_529 : vector<16xf32>
    %jit3A_531 = arith.constant 0.000000e+00 : f32
    %broadcast_in_dim3A_532 = vector.broadcast %jit3A_531 : f32 to vector<16xf32>
    %select_n3A_533 = arith.select %ge3A_530, %mul3A_527, %broadcast_in_dim3A_532 : vector<16xi1>, vector<16xf32>
    %gt3A_534 = arith.constant 0.000000e+00 : f32
    %gt3A_535 = vector.broadcast %gt3A_534 : f32 to vector<16xf32>
    %gt3A_536 = arith.cmpf ogt, %select_n3A_533, %gt3A_535 : vector<16xf32>
    %all_reduce_population_count3A_537 = tpu.all_reduce %gt3A_536 {dim = 0 : i64, kind = #tpu.reduction_kind<sum>} : vector<16xi1> -> vector<16xi32>
    %reduce_max3A_538 = arith.constant true
    %reduce_max3A_539 = vector.broadcast %reduce_max3A_538 : i1 to vector<16xi1>
    %reduce_max3A_540 = arith.constant -2147483648 : i32
    %reduce_max3A_541 = vector.broadcast %reduce_max3A_540 : i32 to vector<16xi32>
    %reduce_max3A_542 = arith.xori %all_reduce_population_count3A_537, %reduce_max3A_541 : vector<16xi32>
    %reduce_max3A_543 = tpu.scan <max>, %reduce_max3A_542 masked %reduce_max3A_539 : vector<16xi32>, vector<16xi1> -> vector<16xi32>
    %reduce_max3A_544 = arith.xori %reduce_max3A_543, %reduce_max3A_541 : vector<16xi32>
    %reduce_max3A_545 = vector.extract %reduce_max3A_544[15] : i32 from vector<16xi32>
    %add3A_546 = arith.addi %add3A_300, %reduce_max3A_545 : i32
    %gt3A_547 = arith.constant 0 : i32
    %gt3A_548 = arith.cmpi sgt, %add3A_546, %gt3A_547 : i32
    %convert_element_type3A = arith.extui %gt3A_548 : i1 to i32
    %cond3A = arith.constant 0 : i32
    %cond3A_549 = arith.cmpi ne, %convert_element_type3A, %cond3A : i32
    scf.if %cond3A_549 {
      %scan3A_569 = arith.constant 0 : i32
      %scan3A_570 = arith.constant 0 : i32
      %scan3A_571 = arith.constant 625 : i32
      %scan3A_572 = arith.addi %scan3A_570, %scan3A_571 : i32
      %scan3A_573 = arith.constant 1 : i32
      %scan3A_574 = scf.for %scan3A_587 = %scan3A_570 to %scan3A_572 step %scan3A_573 iter_args(%scan3A_588 = %scan3A_569) -> (i32)  : i32 {
        %broadcast_in_dim3A_589 = arith.constant 0.000000e+00 : f32
        %broadcast_in_dim3A_590 = vector.broadcast %broadcast_in_dim3A_589 : f32 to vector<16xf32>
        %mul3A_591 = arith.constant 16 : i32
        %mul3A_592 = arith.muli %scan3A_587, %mul3A_591 : i32
        %swap3A_593 = arith.index_cast %mul3A_592 : i32 to index
        %swap3A_594 = tpu.vector_load %arg14[%swap3A_593] {strides = array<i32>} : memref<10000xf32, #tpu.memory_space<vmem>>, vector<16xf32>,
        tpu.vector_store %arg14[%swap3A_593], %broadcast_in_dim3A_590 {strides = array<i32>} : memref<10000xf32, #tpu.memory_space<vmem>>, vector<16xf32>,
        %scan3A_595 = arith.constant 0 : i32
        scf.yield %scan3A_595 : i32
      }
      %scan3A_575 = arith.constant 625 : i32
      %get3A_576 = arith.constant 0 : index
      %get3A_577 = tpu.vector_load %arg9[%get3A_576] {strides = array<i32>} : memref<32xi32, #tpu.memory_space<vmem>>, vector<16xi32>,
      tpu.vector_store_idx %arg14[%get3A_577], %select_n3A_289 : memref<10000xf32, #tpu.memory_space<vmem>>[vector<16xi32>], vector<16xf32>,
      %get3A_578 = arith.constant 16 : index
      %get3A_579 = tpu.vector_load %arg9[%get3A_578] {strides = array<i32>} : memref<32xi32, #tpu.memory_space<vmem>>, vector<16xi32>,
      tpu.vector_store_idx %arg14[%get3A_579], %select_n3A_533 : memref<10000xf32, #tpu.memory_space<vmem>>[vector<16xi32>], vector<16xf32>,
      %scan3A_580 = arith.constant 0 : i32
      %scan3A_581 = arith.constant 0 : i32
      %scan3A_582 = arith.constant 40 : i32
      %scan3A_583 = arith.addi %scan3A_581, %scan3A_582 : i32
      %scan3A_584 = arith.constant 1 : i32
      %scan3A_585 = scf.for %scan3A_587 = %scan3A_581 to %scan3A_583 step %scan3A_584 iter_args(%scan3A_588 = %scan3A_580) -> (i32)  : i32 {
        %mul3A_589 = arith.constant 4000 : i32
        %mul3A_590 = arith.muli %scan3A_587, %mul3A_589 : i32
        %multiple_of3A_591 = tpu.assume_multiple %mul3A_590, 8 : i32
        "tpu.region"() ({
          %run_scoped3A = tpu.sem_alloc : memref<!tpu.dma_semaphore, #tpu.memory_space<semaphore_mem>>
          %dma_start3A_600 = tpu.memref_slice %arg5[%multiple_of3A_591] : memref<160000xi32, #tpu.memory_space<hbm>> -> memref<4000xi32, #tpu.memory_space<hbm>>
          %dma_start3A_601 = tpu.memref_slice %arg5[%multiple_of3A_591] : memref<160000xi32, #tpu.memory_space<hbm>> -> memref<4000xi32, #tpu.memory_space<hbm>>
          tpu.enqueue_dma source(%dma_start3A_601 : memref<4000xi32, #tpu.memory_space<hbm>>) target(%arg15 : memref<4000xi32, #tpu.memory_space<vmem>>) target_semaphore(%run_scoped3A : memref<!tpu.dma_semaphore, #tpu.memory_space<semaphore_mem>>)
          %dma_wait3A = tpu.memref_slice %arg5[%multiple_of3A_591] : memref<160000xi32, #tpu.memory_space<hbm>> -> memref<4000xi32, #tpu.memory_space<hbm>>
          %dma_wait3A_602 = tpu.memref_slice %arg5[%multiple_of3A_591] : memref<160000xi32, #tpu.memory_space<hbm>> -> memref<4000xi32, #tpu.memory_space<hbm>>
          tpu.wait_dma2 semaphore(%run_scoped3A : memref<!tpu.dma_semaphore, #tpu.memory_space<semaphore_mem>>) src(%dma_wait3A_602 : memref<4000xi32, #tpu.memory_space<hbm>>) dst(%arg15 : memref<4000xi32, #tpu.memory_space<vmem>>)
          tpu.yield
        }) : () -> ()
        "tpu.region"() ({
          %run_scoped3A = tpu.sem_alloc : memref<!tpu.dma_semaphore, #tpu.memory_space<semaphore_mem>>
          %dma_start3A_600 = tpu.memref_slice %arg6[%multiple_of3A_591] : memref<160000xi32, #tpu.memory_space<hbm>> -> memref<4000xi32, #tpu.memory_space<hbm>>
          %dma_start3A_601 = tpu.memref_slice %arg6[%multiple_of3A_591] : memref<160000xi32, #tpu.memory_space<hbm>> -> memref<4000xi32, #tpu.memory_space<hbm>>
          tpu.enqueue_dma source(%dma_start3A_601 : memref<4000xi32, #tpu.memory_space<hbm>>) target(%arg16 : memref<4000xi32, #tpu.memory_space<vmem>>) target_semaphore(%run_scoped3A : memref<!tpu.dma_semaphore, #tpu.memory_space<semaphore_mem>>)
          %dma_wait3A = tpu.memref_slice %arg6[%multiple_of3A_591] : memref<160000xi32, #tpu.memory_space<hbm>> -> memref<4000xi32, #tpu.memory_space<hbm>>
          %dma_wait3A_602 = tpu.memref_slice %arg6[%multiple_of3A_591] : memref<160000xi32, #tpu.memory_space<hbm>> -> memref<4000xi32, #tpu.memory_space<hbm>>
          tpu.wait_dma2 semaphore(%run_scoped3A : memref<!tpu.dma_semaphore, #tpu.memory_space<semaphore_mem>>) src(%dma_wait3A_602 : memref<4000xi32, #tpu.memory_space<hbm>>) dst(%arg16 : memref<4000xi32, #tpu.memory_space<vmem>>)
          tpu.yield
        }) : () -> ()
        %scan3A_592 = arith.constant 0 : i32
        %scan3A_593 = arith.constant 0 : i32
        %scan3A_594 = arith.constant 250 : i32
        %scan3A_595 = arith.addi %scan3A_593, %scan3A_594 : i32
        %scan3A_596 = arith.constant 1 : i32
        %scan3A_597 = scf.for %scan3A_600 = %scan3A_593 to %scan3A_595 step %scan3A_596 iter_args(%scan3A_601 = %scan3A_592) -> (i32)  : i32 {
          %mul3A_602 = arith.constant 16 : i32
          %mul3A_603 = arith.muli %scan3A_600, %mul3A_602 : i32
          %get3A_604 = arith.index_cast %mul3A_603 : i32 to index
          %get3A_605 = tpu.vector_load %arg15[%get3A_604] {strides = array<i32>} : memref<4000xi32, #tpu.memory_space<vmem>>, vector<16xi32>,
          %get3A_606 = arith.index_cast %mul3A_603 : i32 to index
          %get3A_607 = tpu.vector_load %arg16[%get3A_606] {strides = array<i32>} : memref<4000xi32, #tpu.memory_space<vmem>>, vector<16xi32>,
          %gather3A_608 = tpu.vector_load_idx %arg14[%get3A_605] : memref<10000xf32, #tpu.memory_space<vmem>>[vector<16xi32>], vector<16xf32>,
          %gather3A_609 = tpu.vector_load_idx %arg14[%get3A_607] : memref<10000xf32, #tpu.memory_space<vmem>>[vector<16xi32>], vector<16xf32>,
          tpu.vector_store_idx %arg13[%get3A_607], %gather3A_608 {add = true} : memref<10000xf32, #tpu.memory_space<vmem>>[vector<16xi32>], vector<16xf32>,
          tpu.vector_store_idx %arg13[%get3A_605], %gather3A_609 {add = true} : memref<10000xf32, #tpu.memory_space<vmem>>[vector<16xi32>], vector<16xf32>,
          %scan3A_610 = arith.constant 0 : i32
          scf.yield %scan3A_610 : i32
        }
        %scan3A_598 = arith.constant 250 : i32
        %scan3A_599 = arith.constant 0 : i32
        scf.yield %scan3A_599 : i32
      }
      %scan3A_586 = arith.constant 40 : i32
    } else {
    }
    %mul3A_550 = arith.constant 80000 : i32
    %mul3A_551 = arith.muli %arg0, %mul3A_550 : i32
    %mul3A_552 = arith.constant 0 : i32
    %mul3A_553 = arith.constant 4000 : i32
    %mul3A_554 = arith.muli %mul3A_552, %mul3A_553 : i32
    %add3A_555 = arith.addi %mul3A_551, %mul3A_554 : i32
    %multiple_of3A_556 = tpu.assume_multiple %add3A_555, 8 : i32
    %dma_start3A = tpu.memref_slice %arg5[%multiple_of3A_556] : memref<160000xi32, #tpu.memory_space<hbm>> -> memref<4000xi32, #tpu.memory_space<hbm>>
    %dma_start3A_557 = tpu.memref_slice %arg5[%multiple_of3A_556] : memref<160000xi32, #tpu.memory_space<hbm>> -> memref<4000xi32, #tpu.memory_space<hbm>>
    tpu.enqueue_dma source(%dma_start3A_557 : memref<4000xi32, #tpu.memory_space<hbm>>) target(%arg15 : memref<4000xi32, #tpu.memory_space<vmem>>) target_semaphore(%arg22 : memref<!tpu.dma_semaphore, #tpu.memory_space<semaphore_mem>>)
    %dma_start3A_558 = tpu.memref_slice %arg6[%multiple_of3A_556] : memref<160000xi32, #tpu.memory_space<hbm>> -> memref<4000xi32, #tpu.memory_space<hbm>>
    %dma_start3A_559 = tpu.memref_slice %arg6[%multiple_of3A_556] : memref<160000xi32, #tpu.memory_space<hbm>> -> memref<4000xi32, #tpu.memory_space<hbm>>
    tpu.enqueue_dma source(%dma_start3A_559 : memref<4000xi32, #tpu.memory_space<hbm>>) target(%arg16 : memref<4000xi32, #tpu.memory_space<vmem>>) target_semaphore(%arg22 : memref<!tpu.dma_semaphore, #tpu.memory_space<semaphore_mem>>)
    %dma_start3A_560 = tpu.memref_slice %arg7[%multiple_of3A_556] : memref<160000xf32, #tpu.memory_space<hbm>> -> memref<4000xf32, #tpu.memory_space<hbm>>
    %dma_start3A_561 = tpu.memref_slice %arg7[%multiple_of3A_556] : memref<160000xf32, #tpu.memory_space<hbm>> -> memref<4000xf32, #tpu.memory_space<hbm>>
    tpu.enqueue_dma source(%dma_start3A_561 : memref<4000xf32, #tpu.memory_space<hbm>>) target(%arg17 : memref<4000xf32, #tpu.memory_space<vmem>>) target_semaphore(%arg22 : memref<!tpu.dma_semaphore, #tpu.memory_space<semaphore_mem>>)
    %scan3A_562 = arith.constant 0 : i32
    %scan3A_563 = arith.constant 0 : i32
    %scan3A_564 = arith.constant 10 : i32
    %scan3A_565 = arith.addi %scan3A_563, %scan3A_564 : i32
    %scan3A_566 = arith.constant 1 : i32
    %scan3A_567 = scf.for %scan3A_569 = %scan3A_563 to %scan3A_565 step %scan3A_566 iter_args(%scan3A_570 = %scan3A_562) -> (i32)  : i32 {
      %mul3A_571 = arith.constant 2 : i32
      %mul3A_572 = arith.muli %scan3A_569, %mul3A_571 : i32
      %mul3A_573 = arith.constant 80000 : i32
      %mul3A_574 = arith.muli %arg0, %mul3A_573 : i32
      %mul3A_575 = arith.constant 4000 : i32
      %mul3A_576 = arith.muli %mul3A_572, %mul3A_575 : i32
      %add3A_577 = arith.addi %mul3A_574, %mul3A_576 : i32
      %multiple_of3A_578 = tpu.assume_multiple %add3A_577, 8 : i32
      %dma_wait3A = tpu.memref_slice %arg5[%multiple_of3A_578] : memref<160000xi32, #tpu.memory_space<hbm>> -> memref<4000xi32, #tpu.memory_space<hbm>>
      %dma_wait3A_579 = tpu.memref_slice %arg5[%multiple_of3A_578] : memref<160000xi32, #tpu.memory_space<hbm>> -> memref<4000xi32, #tpu.memory_space<hbm>>
      tpu.wait_dma2 semaphore(%arg22 : memref<!tpu.dma_semaphore, #tpu.memory_space<semaphore_mem>>) src(%dma_wait3A_579 : memref<4000xi32, #tpu.memory_space<hbm>>) dst(%arg15 : memref<4000xi32, #tpu.memory_space<vmem>>)
      %dma_wait3A_580 = tpu.memref_slice %arg6[%multiple_of3A_578] : memref<160000xi32, #tpu.memory_space<hbm>> -> memref<4000xi32, #tpu.memory_space<hbm>>
      %dma_wait3A_581 = tpu.memref_slice %arg6[%multiple_of3A_578] : memref<160000xi32, #tpu.memory_space<hbm>> -> memref<4000xi32, #tpu.memory_space<hbm>>
      tpu.wait_dma2 semaphore(%arg22 : memref<!tpu.dma_semaphore, #tpu.memory_space<semaphore_mem>>) src(%dma_wait3A_581 : memref<4000xi32, #tpu.memory_space<hbm>>) dst(%arg16 : memref<4000xi32, #tpu.memory_space<vmem>>)
      %dma_wait3A_582 = tpu.memref_slice %arg7[%multiple_of3A_578] : memref<160000xf32, #tpu.memory_space<hbm>> -> memref<4000xf32, #tpu.memory_space<hbm>>
      %dma_wait3A_583 = tpu.memref_slice %arg7[%multiple_of3A_578] : memref<160000xf32, #tpu.memory_space<hbm>> -> memref<4000xf32, #tpu.memory_space<hbm>>
      tpu.wait_dma2 semaphore(%arg22 : memref<!tpu.dma_semaphore, #tpu.memory_space<semaphore_mem>>) src(%dma_wait3A_583 : memref<4000xf32, #tpu.memory_space<hbm>>) dst(%arg17 : memref<4000xf32, #tpu.memory_space<vmem>>)
      %add3A_584 = arith.constant 1 : i32
      %add3A_585 = arith.addi %mul3A_572, %add3A_584 : i32
      %mul3A_586 = arith.constant 80000 : i32
      %mul3A_587 = arith.muli %arg0, %mul3A_586 : i32
      %mul3A_588 = arith.constant 4000 : i32
      %mul3A_589 = arith.muli %add3A_585, %mul3A_588 : i32
      %add3A_590 = arith.addi %mul3A_587, %mul3A_589 : i32
      %multiple_of3A_591 = tpu.assume_multiple %add3A_590, 8 : i32
      %dma_start3A_592 = tpu.memref_slice %arg5[%multiple_of3A_591] : memref<160000xi32, #tpu.memory_space<hbm>> -> memref<4000xi32, #tpu.memory_space<hbm>>
      %dma_start3A_593 = tpu.memref_slice %arg5[%multiple_of3A_591] : memref<160000xi32, #tpu.memory_space<hbm>> -> memref<4000xi32, #tpu.memory_space<hbm>>
      tpu.enqueue_dma source(%dma_start3A_593 : memref<4000xi32, #tpu.memory_space<hbm>>) target(%arg18 : memref<4000xi32, #tpu.memory_space<vmem>>) target_semaphore(%arg23 : memref<!tpu.dma_semaphore, #tpu.memory_space<semaphore_mem>>)
      %dma_start3A_594 = tpu.memref_slice %arg6[%multiple_of3A_591] : memref<160000xi32, #tpu.memory_space<hbm>> -> memref<4000xi32, #tpu.memory_space<hbm>>
      %dma_start3A_595 = tpu.memref_slice %arg6[%multiple_of3A_591] : memref<160000xi32, #tpu.memory_space<hbm>> -> memref<4000xi32, #tpu.memory_space<hbm>>
      tpu.enqueue_dma source(%dma_start3A_595 : memref<4000xi32, #tpu.memory_space<hbm>>) target(%arg19 : memref<4000xi32, #tpu.memory_space<vmem>>) target_semaphore(%arg23 : memref<!tpu.dma_semaphore, #tpu.memory_space<semaphore_mem>>)
      %dma_start3A_596 = tpu.memref_slice %arg7[%multiple_of3A_591] : memref<160000xf32, #tpu.memory_space<hbm>> -> memref<4000xf32, #tpu.memory_space<hbm>>
      %dma_start3A_597 = tpu.memref_slice %arg7[%multiple_of3A_591] : memref<160000xf32, #tpu.memory_space<hbm>> -> memref<4000xf32, #tpu.memory_space<hbm>>
      tpu.enqueue_dma source(%dma_start3A_597 : memref<4000xf32, #tpu.memory_space<hbm>>) target(%arg20 : memref<4000xf32, #tpu.memory_space<vmem>>) target_semaphore(%arg23 : memref<!tpu.dma_semaphore, #tpu.memory_space<semaphore_mem>>)
      %scan3A_598 = arith.constant 0 : i32
      %scan3A_599 = arith.constant 0 : i32
      %scan3A_600 = arith.constant 125 : i32
      %scan3A_601 = arith.addi %scan3A_599, %scan3A_600 : i32
      %scan3A_602 = arith.constant 1 : i32
      %scan3A_603 = scf.for %scan3A_652 = %scan3A_599 to %scan3A_601 step %scan3A_602 iter_args(%scan3A_653 = %scan3A_598) -> (i32)  : i32 {
        %mul3A_654 = arith.constant 2 : i32
        %mul3A_655 = arith.muli %scan3A_652, %mul3A_654 : i32
        %add3A_656 = arith.constant 0 : i32
        %add3A_657 = arith.addi %mul3A_655, %add3A_656 : i32
        %mul3A_658 = arith.constant 16 : i32
        %mul3A_659 = arith.muli %add3A_657, %mul3A_658 : i32
        %get3A_660 = arith.index_cast %mul3A_659 : i32 to index
        %get3A_661 = tpu.vector_load %arg15[%get3A_660] {strides = array<i32>} : memref<4000xi32, #tpu.memory_space<vmem>>, vector<16xi32>,
        %gather3A_662 = tpu.vector_load_idx %arg13[%get3A_661] : memref<10000xf32, #tpu.memory_space<vmem>>[vector<16xi32>], vector<16xf32>,
        %get3A_663 = arith.index_cast %mul3A_659 : i32 to index
        %get3A_664 = tpu.vector_load %arg16[%get3A_663] {strides = array<i32>} : memref<4000xi32, #tpu.memory_space<vmem>>, vector<16xi32>,
        %gather3A_665 = tpu.vector_load_idx %arg13[%get3A_664] : memref<10000xf32, #tpu.memory_space<vmem>>[vector<16xi32>], vector<16xf32>,
        %get3A_666 = arith.index_cast %mul3A_659 : i32 to index
        %get3A_667 = tpu.vector_load %arg17[%get3A_666] {strides = array<i32>} : memref<4000xf32, #tpu.memory_space<vmem>>, vector<16xf32>,
        %add3A_668 = arith.addf %get3A_667, %gather3A_662 : vector<16xf32>
        %add3A_669 = arith.addf %add3A_668, %gather3A_665 : vector<16xf32>
        %swap3A_670 = arith.index_cast %mul3A_659 : i32 to index
        %swap3A_671 = tpu.vector_load %arg21[%swap3A_670] {strides = array<i32>} : memref<4000xf32, #tpu.memory_space<vmem>>, vector<16xf32>,
        tpu.vector_store %arg21[%swap3A_670], %add3A_669 {strides = array<i32>} : memref<4000xf32, #tpu.memory_space<vmem>>, vector<16xf32>,
        %mul3A_672 = arith.constant 2 : i32
        %mul3A_673 = arith.muli %scan3A_652, %mul3A_672 : i32
        %add3A_674 = arith.constant 1 : i32
        %add3A_675 = arith.addi %mul3A_673, %add3A_674 : i32
        %mul3A_676 = arith.constant 16 : i32
        %mul3A_677 = arith.muli %add3A_675, %mul3A_676 : i32
        %get3A_678 = arith.index_cast %mul3A_677 : i32 to index
        %get3A_679 = tpu.vector_load %arg15[%get3A_678] {strides = array<i32>} : memref<4000xi32, #tpu.memory_space<vmem>>, vector<16xi32>,
        %gather3A_680 = tpu.vector_load_idx %arg13[%get3A_679] : memref<10000xf32, #tpu.memory_space<vmem>>[vector<16xi32>], vector<16xf32>,
        %get3A_681 = arith.index_cast %mul3A_677 : i32 to index
        %get3A_682 = tpu.vector_load %arg16[%get3A_681] {strides = array<i32>} : memref<4000xi32, #tpu.memory_space<vmem>>, vector<16xi32>,
        %gather3A_683 = tpu.vector_load_idx %arg13[%get3A_682] : memref<10000xf32, #tpu.memory_space<vmem>>[vector<16xi32>], vector<16xf32>,
        %get3A_684 = arith.index_cast %mul3A_677 : i32 to index
        %get3A_685 = tpu.vector_load %arg17[%get3A_684] {strides = array<i32>} : memref<4000xf32, #tpu.memory_space<vmem>>, vector<16xf32>,
        %add3A_686 = arith.addf %get3A_685, %gather3A_680 : vector<16xf32>
        %add3A_687 = arith.addf %add3A_686, %gather3A_683 : vector<16xf32>
        %swap3A_688 = arith.index_cast %mul3A_677 : i32 to index
        %swap3A_689 = tpu.vector_load %arg21[%swap3A_688] {strides = array<i32>} : memref<4000xf32, #tpu.memory_space<vmem>>, vector<16xf32>,
        tpu.vector_store %arg21[%swap3A_688], %add3A_687 {strides = array<i32>} : memref<4000xf32, #tpu.memory_space<vmem>>, vector<16xf32>,
        %scan3A_690 = arith.constant 0 : i32
        scf.yield %scan3A_690 : i32
      }
      %scan3A_604 = arith.constant 125 : i32
      %mul3A_605 = arith.constant 160000 : i32
      %mul3A_606 = arith.muli %arg1, %mul3A_605 : i32
      %mul3A_607 = arith.constant 80000 : i32
      %mul3A_608 = arith.muli %arg0, %mul3A_607 : i32
      %add3A_609 = arith.addi %mul3A_606, %mul3A_608 : i32
      %mul3A_610 = arith.constant 4000 : i32
      %mul3A_611 = arith.muli %mul3A_572, %mul3A_610 : i32
      %add3A_612 = arith.addi %add3A_609, %mul3A_611 : i32
      %multiple_of3A_613 = tpu.assume_multiple %add3A_612, 8 : i32
      "tpu.region"() ({
        %run_scoped3A = tpu.sem_alloc : memref<!tpu.dma_semaphore, #tpu.memory_space<semaphore_mem>>
        %dma_start3A_652 = tpu.memref_slice %arg8[%multiple_of3A_613] : memref<2560000xf32, #tpu.memory_space<hbm>> -> memref<4000xf32, #tpu.memory_space<hbm>>
        %dma_start3A_653 = tpu.memref_slice %arg8[%multiple_of3A_613] : memref<2560000xf32, #tpu.memory_space<hbm>> -> memref<4000xf32, #tpu.memory_space<hbm>>
        tpu.enqueue_dma source(%arg21 : memref<4000xf32, #tpu.memory_space<vmem>>) target(%dma_start3A_653 : memref<4000xf32, #tpu.memory_space<hbm>>) target_semaphore(%run_scoped3A : memref<!tpu.dma_semaphore, #tpu.memory_space<semaphore_mem>>)
        %dma_wait3A_654 = tpu.memref_slice %arg8[%multiple_of3A_613] : memref<2560000xf32, #tpu.memory_space<hbm>> -> memref<4000xf32, #tpu.memory_space<hbm>>
        %dma_wait3A_655 = tpu.memref_slice %arg8[%multiple_of3A_613] : memref<2560000xf32, #tpu.memory_space<hbm>> -> memref<4000xf32, #tpu.memory_space<hbm>>
        tpu.wait_dma2 semaphore(%run_scoped3A : memref<!tpu.dma_semaphore, #tpu.memory_space<semaphore_mem>>) src(%arg21 : memref<4000xf32, #tpu.memory_space<vmem>>) dst(%dma_wait3A_655 : memref<4000xf32, #tpu.memory_space<hbm>>)
        tpu.yield
      }) : () -> ()
      %add3A_614 = arith.constant 1 : i32
      %add3A_615 = arith.addi %mul3A_572, %add3A_614 : i32
      %mul3A_616 = arith.constant 80000 : i32
      %mul3A_617 = arith.muli %arg0, %mul3A_616 : i32
      %mul3A_618 = arith.constant 4000 : i32
      %mul3A_619 = arith.muli %add3A_615, %mul3A_618 : i32
      %add3A_620 = arith.addi %mul3A_617, %mul3A_619 : i32
      %multiple_of3A_621 = tpu.assume_multiple %add3A_620, 8 : i32
      %dma_wait3A_622 = tpu.memref_slice %arg5[%multiple_of3A_621] : memref<160000xi32, #tpu.memory_space<hbm>> -> memref<4000xi32, #tpu.memory_space<hbm>>
      %dma_wait3A_623 = tpu.memref_slice %arg5[%multiple_of3A_621] : memref<160000xi32, #tpu.memory_space<hbm>> -> memref<4000xi32, #tpu.memory_space<hbm>>
      tpu.wait_dma2 semaphore(%arg23 : memref<!tpu.dma_semaphore, #tpu.memory_space<semaphore_mem>>) src(%dma_wait3A_623 : memref<4000xi32, #tpu.memory_space<hbm>>) dst(%arg18 : memref<4000xi32, #tpu.memory_space<vmem>>)
      %dma_wait3A_624 = tpu.memref_slice %arg6[%multiple_of3A_621] : memref<160000xi32, #tpu.memory_space<hbm>> -> memref<4000xi32, #tpu.memory_space<hbm>>
      %dma_wait3A_625 = tpu.memref_slice %arg6[%multiple_of3A_621] : memref<160000xi32, #tpu.memory_space<hbm>> -> memref<4000xi32, #tpu.memory_space<hbm>>
      tpu.wait_dma2 semaphore(%arg23 : memref<!tpu.dma_semaphore, #tpu.memory_space<semaphore_mem>>) src(%dma_wait3A_625 : memref<4000xi32, #tpu.memory_space<hbm>>) dst(%arg19 : memref<4000xi32, #tpu.memory_space<vmem>>)
      %dma_wait3A_626 = tpu.memref_slice %arg7[%multiple_of3A_621] : memref<160000xf32, #tpu.memory_space<hbm>> -> memref<4000xf32, #tpu.memory_space<hbm>>
      %dma_wait3A_627 = tpu.memref_slice %arg7[%multiple_of3A_621] : memref<160000xf32, #tpu.memory_space<hbm>> -> memref<4000xf32, #tpu.memory_space<hbm>>
      tpu.wait_dma2 semaphore(%arg23 : memref<!tpu.dma_semaphore, #tpu.memory_space<semaphore_mem>>) src(%dma_wait3A_627 : memref<4000xf32, #tpu.memory_space<hbm>>) dst(%arg20 : memref<4000xf32, #tpu.memory_space<vmem>>)
      %lt3A_628 = arith.constant 9 : i32
      %lt3A_629 = arith.cmpi slt, %scan3A_569, %lt3A_628 : i32
      %convert_element_type3A_630 = arith.extui %lt3A_629 : i1 to i32
      %cond3A_631 = arith.constant 0 : i32
      %cond3A_632 = arith.cmpi ne, %convert_element_type3A_630, %cond3A_631 : i32
      scf.if %cond3A_632 {
        %add3A_652 = arith.constant 2 : i32
        %add3A_653 = arith.addi %mul3A_572, %add3A_652 : i32
        %mul3A_654 = arith.constant 80000 : i32
        %mul3A_655 = arith.muli %arg0, %mul3A_654 : i32
        %mul3A_656 = arith.constant 4000 : i32
        %mul3A_657 = arith.muli %add3A_653, %mul3A_656 : i32
        %add3A_658 = arith.addi %mul3A_655, %mul3A_657 : i32
        %multiple_of3A_659 = tpu.assume_multiple %add3A_658, 8 : i32
        %dma_start3A_660 = tpu.memref_slice %arg5[%multiple_of3A_659] : memref<160000xi32, #tpu.memory_space<hbm>> -> memref<4000xi32, #tpu.memory_space<hbm>>
        %dma_start3A_661 = tpu.memref_slice %arg5[%multiple_of3A_659] : memref<160000xi32, #tpu.memory_space<hbm>> -> memref<4000xi32, #tpu.memory_space<hbm>>
        tpu.enqueue_dma source(%dma_start3A_661 : memref<4000xi32, #tpu.memory_space<hbm>>) target(%arg15 : memref<4000xi32, #tpu.memory_space<vmem>>) target_semaphore(%arg22 : memref<!tpu.dma_semaphore, #tpu.memory_space<semaphore_mem>>)
        %dma_start3A_662 = tpu.memref_slice %arg6[%multiple_of3A_659] : memref<160000xi32, #tpu.memory_space<hbm>> -> memref<4000xi32, #tpu.memory_space<hbm>>
        %dma_start3A_663 = tpu.memref_slice %arg6[%multiple_of3A_659] : memref<160000xi32, #tpu.memory_space<hbm>> -> memref<4000xi32, #tpu.memory_space<hbm>>
        tpu.enqueue_dma source(%dma_start3A_663 : memref<4000xi32, #tpu.memory_space<hbm>>) target(%arg16 : memref<4000xi32, #tpu.memory_space<vmem>>) target_semaphore(%arg22 : memref<!tpu.dma_semaphore, #tpu.memory_space<semaphore_mem>>)
        %dma_start3A_664 = tpu.memref_slice %arg7[%multiple_of3A_659] : memref<160000xf32, #tpu.memory_space<hbm>> -> memref<4000xf32, #tpu.memory_space<hbm>>
        %dma_start3A_665 = tpu.memref_slice %arg7[%multiple_of3A_659] : memref<160000xf32, #tpu.memory_space<hbm>> -> memref<4000xf32, #tpu.memory_space<hbm>>
        tpu.enqueue_dma source(%dma_start3A_665 : memref<4000xf32, #tpu.memory_space<hbm>>) target(%arg17 : memref<4000xf32, #tpu.memory_space<vmem>>) target_semaphore(%arg22 : memref<!tpu.dma_semaphore, #tpu.memory_space<semaphore_mem>>)
      } else {
      }
      %add3A_633 = arith.constant 1 : i32
      %add3A_634 = arith.addi %mul3A_572, %add3A_633 : i32
      %scan3A_635 = arith.constant 0 : i32
      %scan3A_636 = arith.constant 0 : i32
      %scan3A_637 = arith.constant 125 : i32
      %scan3A_638 = arith.addi %scan3A_636, %scan3A_637 : i32
      %scan3A_639 = arith.constant 1 : i32
      %scan3A_640 = scf.for %scan3A_652 = %scan3A_636 to %scan3A_638 step %scan3A_639 iter_args(%scan3A_653 = %scan3A_635) -> (i32)  : i32 {
        %mul3A_654 = arith.constant 2 : i32
        %mul3A_655 = arith.muli %scan3A_652, %mul3A_654 : i32
        %add3A_656 = arith.constant 0 : i32
        %add3A_657 = arith.addi %mul3A_655, %add3A_656 : i32
        %mul3A_658 = arith.constant 16 : i32
        %mul3A_659 = arith.muli %add3A_657, %mul3A_658 : i32
        %get3A_660 = arith.index_cast %mul3A_659 : i32 to index
        %get3A_661 = tpu.vector_load %arg18[%get3A_660] {strides = array<i32>} : memref<4000xi32, #tpu.memory_space<vmem>>, vector<16xi32>,
        %gather3A_662 = tpu.vector_load_idx %arg13[%get3A_661] : memref<10000xf32, #tpu.memory_space<vmem>>[vector<16xi32>], vector<16xf32>,
        %get3A_663 = arith.index_cast %mul3A_659 : i32 to index
        %get3A_664 = tpu.vector_load %arg19[%get3A_663] {strides = array<i32>} : memref<4000xi32, #tpu.memory_space<vmem>>, vector<16xi32>,
        %gather3A_665 = tpu.vector_load_idx %arg13[%get3A_664] : memref<10000xf32, #tpu.memory_space<vmem>>[vector<16xi32>], vector<16xf32>,
        %get3A_666 = arith.index_cast %mul3A_659 : i32 to index
        %get3A_667 = tpu.vector_load %arg20[%get3A_666] {strides = array<i32>} : memref<4000xf32, #tpu.memory_space<vmem>>, vector<16xf32>,
        %add3A_668 = arith.addf %get3A_667, %gather3A_662 : vector<16xf32>
        %add3A_669 = arith.addf %add3A_668, %gather3A_665 : vector<16xf32>
        %swap3A_670 = arith.index_cast %mul3A_659 : i32 to index
        %swap3A_671 = tpu.vector_load %arg21[%swap3A_670] {strides = array<i32>} : memref<4000xf32, #tpu.memory_space<vmem>>, vector<16xf32>,
        tpu.vector_store %arg21[%swap3A_670], %add3A_669 {strides = array<i32>} : memref<4000xf32, #tpu.memory_space<vmem>>, vector<16xf32>,
        %mul3A_672 = arith.constant 2 : i32
        %mul3A_673 = arith.muli %scan3A_652, %mul3A_672 : i32
        %add3A_674 = arith.constant 1 : i32
        %add3A_675 = arith.addi %mul3A_673, %add3A_674 : i32
        %mul3A_676 = arith.constant 16 : i32
        %mul3A_677 = arith.muli %add3A_675, %mul3A_676 : i32
        %get3A_678 = arith.index_cast %mul3A_677 : i32 to index
        %get3A_679 = tpu.vector_load %arg18[%get3A_678] {strides = array<i32>} : memref<4000xi32, #tpu.memory_space<vmem>>, vector<16xi32>,
        %gather3A_680 = tpu.vector_load_idx %arg13[%get3A_679] : memref<10000xf32, #tpu.memory_space<vmem>>[vector<16xi32>], vector<16xf32>,
        %get3A_681 = arith.index_cast %mul3A_677 : i32 to index
        %get3A_682 = tpu.vector_load %arg19[%get3A_681] {strides = array<i32>} : memref<4000xi32, #tpu.memory_space<vmem>>, vector<16xi32>,
        %gather3A_683 = tpu.vector_load_idx %arg13[%get3A_682] : memref<10000xf32, #tpu.memory_space<vmem>>[vector<16xi32>], vector<16xf32>,
        %get3A_684 = arith.index_cast %mul3A_677 : i32 to index
        %get3A_685 = tpu.vector_load %arg20[%get3A_684] {strides = array<i32>} : memref<4000xf32, #tpu.memory_space<vmem>>, vector<16xf32>,
        %add3A_686 = arith.addf %get3A_685, %gather3A_680 : vector<16xf32>
        %add3A_687 = arith.addf %add3A_686, %gather3A_683 : vector<16xf32>
        %swap3A_688 = arith.index_cast %mul3A_677 : i32 to index
        %swap3A_689 = tpu.vector_load %arg21[%swap3A_688] {strides = array<i32>} : memref<4000xf32, #tpu.memory_space<vmem>>, vector<16xf32>,
        tpu.vector_store %arg21[%swap3A_688], %add3A_687 {strides = array<i32>} : memref<4000xf32, #tpu.memory_space<vmem>>, vector<16xf32>,
        %scan3A_690 = arith.constant 0 : i32
        scf.yield %scan3A_690 : i32
      }
      %scan3A_641 = arith.constant 125 : i32
      %mul3A_642 = arith.constant 160000 : i32
      %mul3A_643 = arith.muli %arg1, %mul3A_642 : i32
      %mul3A_644 = arith.constant 80000 : i32
      %mul3A_645 = arith.muli %arg0, %mul3A_644 : i32
      %add3A_646 = arith.addi %mul3A_643, %mul3A_645 : i32
      %mul3A_647 = arith.constant 4000 : i32
      %mul3A_648 = arith.muli %add3A_634, %mul3A_647 : i32
      %add3A_649 = arith.addi %add3A_646, %mul3A_648 : i32
      %multiple_of3A_650 = tpu.assume_multiple %add3A_649, 8 : i32
      "tpu.region"() ({
        %run_scoped3A = tpu.sem_alloc : memref<!tpu.dma_semaphore, #tpu.memory_space<semaphore_mem>>
        %dma_start3A_652 = tpu.memref_slice %arg8[%multiple_of3A_650] : memref<2560000xf32, #tpu.memory_space<hbm>> -> memref<4000xf32, #tpu.memory_space<hbm>>
        %dma_start3A_653 = tpu.memref_slice %arg8[%multiple_of3A_650] : memref<2560000xf32, #tpu.memory_space<hbm>> -> memref<4000xf32, #tpu.memory_space<hbm>>
        tpu.enqueue_dma source(%arg21 : memref<4000xf32, #tpu.memory_space<vmem>>) target(%dma_start3A_653 : memref<4000xf32, #tpu.memory_space<hbm>>) target_semaphore(%run_scoped3A : memref<!tpu.dma_semaphore, #tpu.memory_space<semaphore_mem>>)
        %dma_wait3A_654 = tpu.memref_slice %arg8[%multiple_of3A_650] : memref<2560000xf32, #tpu.memory_space<hbm>> -> memref<4000xf32, #tpu.memory_space<hbm>>
        %dma_wait3A_655 = tpu.memref_slice %arg8[%multiple_of3A_650] : memref<2560000xf32, #tpu.memory_space<hbm>> -> memref<4000xf32, #tpu.memory_space<hbm>>
        tpu.wait_dma2 semaphore(%run_scoped3A : memref<!tpu.dma_semaphore, #tpu.memory_space<semaphore_mem>>) src(%arg21 : memref<4000xf32, #tpu.memory_space<vmem>>) dst(%dma_wait3A_655 : memref<4000xf32, #tpu.memory_space<hbm>>)
        tpu.yield
      }) : () -> ()
      %scan3A_651 = arith.constant 0 : i32
      scf.yield %scan3A_651 : i32
    }
    %scan3A_568 = arith.constant 10 : i32
    return
  }
}

#map = affine_map<(d0, d1) -> (0)>
module attributes {stable_mosaic.version = 14 : i64} {
  func.func @_k5_compact(%arg0: i32, %arg1: i32, %arg2: memref<2560000xf32, #tpu.memory_space<hbm>>, %arg3: memref<16xf32, #tpu.memory_space<hbm>>, %arg4: memref<16xi32, #tpu.memory_space<hbm>>, %arg5: memref<8704xf32, #tpu.memory_space<hbm>>, %arg6: memref<8704xi32, #tpu.memory_space<hbm>>, %arg7: memref<8704xf32, #tpu.memory_space<hbm>>, %arg8: memref<8704xi32, #tpu.memory_space<hbm>>, %arg9: memref<1024xi32, #tpu.memory_space<hbm>>, %arg10: memref<16xf32, #tpu.memory_space<vmem>>, %arg11: memref<16xi32, #tpu.memory_space<vmem>>, %arg12: memref<4000xf32, #tpu.memory_space<vmem>>, %arg13: memref<272xf32, #tpu.memory_space<vmem>>, %arg14: memref<272xi32, #tpu.memory_space<vmem>>, %arg15: memref<272xf32, #tpu.memory_space<vmem>>, %arg16: memref<272xi32, #tpu.memory_space<vmem>>, %arg17: memref<32xi32, #tpu.memory_space<vmem>>) attributes {dimension_semantics = [#tpu.dimension_semantics<core_parallel>, #tpu.dimension_semantics<subcore_parallel>], iteration_bounds = array<i64: 2, 16>, scalar_prefetch = 0 : i64, scratch_operands = 8 : i64, tpu.core_type = #tpu.core_type<sc_vector_subcore>, window_params = [{transform_indices = #map}, {transform_indices = #map}, {transform_indices = #map}, {transform_indices = #map}, {transform_indices = #map}, {transform_indices = #map}, {transform_indices = #map}, {transform_indices = #map}]} {
    "tpu.region"() ({
      %run_scoped3A = tpu.sem_alloc : memref<!tpu.dma_semaphore, #tpu.memory_space<semaphore_mem>>
      tpu.enqueue_dma source(%arg3 : memref<16xf32, #tpu.memory_space<hbm>>) target(%arg10 : memref<16xf32, #tpu.memory_space<vmem>>) target_semaphore(%run_scoped3A : memref<!tpu.dma_semaphore, #tpu.memory_space<semaphore_mem>>)
      tpu.wait_dma2 semaphore(%run_scoped3A : memref<!tpu.dma_semaphore, #tpu.memory_space<semaphore_mem>>) src(%arg3 : memref<16xf32, #tpu.memory_space<hbm>>) dst(%arg10 : memref<16xf32, #tpu.memory_space<vmem>>)
      tpu.yield
    }) : () -> ()
    "tpu.region"() ({
      %run_scoped3A = tpu.sem_alloc : memref<!tpu.dma_semaphore, #tpu.memory_space<semaphore_mem>>
      tpu.enqueue_dma source(%arg4 : memref<16xi32, #tpu.memory_space<hbm>>) target(%arg11 : memref<16xi32, #tpu.memory_space<vmem>>) target_semaphore(%run_scoped3A : memref<!tpu.dma_semaphore, #tpu.memory_space<semaphore_mem>>)
      tpu.wait_dma2 semaphore(%run_scoped3A : memref<!tpu.dma_semaphore, #tpu.memory_space<semaphore_mem>>) src(%arg4 : memref<16xi32, #tpu.memory_space<hbm>>) dst(%arg11 : memref<16xi32, #tpu.memory_space<vmem>>)
      tpu.yield
    }) : () -> ()
    %broadcast_in_dim3A = arith.constant 0 : i32
    %broadcast_in_dim3A_0 = vector.broadcast %broadcast_in_dim3A : i32 to vector<16xi32>
    %add3A = vector.broadcast %arg1 : i32 to vector<16xi32>
    %add3A_1 = arith.addi %broadcast_in_dim3A_0, %add3A : vector<16xi32>
    %gather3A = tpu.vector_load_idx %arg10[%add3A_1] : memref<16xf32, #tpu.memory_space<vmem>>[vector<16xi32>], vector<16xf32>,
    %broadcast_in_dim3A_2 = arith.constant 0 : i32
    %broadcast_in_dim3A_3 = vector.broadcast %broadcast_in_dim3A_2 : i32 to vector<16xi32>
    %add3A_4 = vector.broadcast %arg1 : i32 to vector<16xi32>
    %add3A_5 = arith.addi %broadcast_in_dim3A_3, %add3A_4 : vector<16xi32>
    %gather3A_6 = tpu.vector_load_idx %arg11[%add3A_5] : memref<16xi32, #tpu.memory_space<vmem>>[vector<16xi32>], vector<16xi32>,
    %scan3A = arith.constant 0 : i32
    %scan3A_7 = arith.constant 0 : i32
    %scan3A_8 = arith.constant 17 : i32
    %scan3A_9 = arith.addi %scan3A_7, %scan3A_8 : i32
    %scan3A_10 = arith.constant 1 : i32
    %scan3A_11 = scf.for %scan3A_45 = %scan3A_7 to %scan3A_9 step %scan3A_10 iter_args(%scan3A_46 = %scan3A) -> (i32)  : i32 {
      %mul3A_47 = arith.constant 16 : i32
      %mul3A_48 = arith.muli %scan3A_45, %mul3A_47 : i32
      %broadcast_in_dim3A_49 = arith.constant 0.000000e+00 : f32
      %broadcast_in_dim3A_50 = vector.broadcast %broadcast_in_dim3A_49 : f32 to vector<16xf32>
      %swap3A_51 = arith.index_cast %mul3A_48 : i32 to index
      %swap3A_52 = tpu.vector_load %arg13[%swap3A_51] {strides = array<i32>} : memref<272xf32, #tpu.memory_space<vmem>>, vector<16xf32>,
      tpu.vector_store %arg13[%swap3A_51], %broadcast_in_dim3A_50 {strides = array<i32>} : memref<272xf32, #tpu.memory_space<vmem>>, vector<16xf32>,
      %broadcast_in_dim3A_53 = arith.constant 0 : i32
      %broadcast_in_dim3A_54 = vector.broadcast %broadcast_in_dim3A_53 : i32 to vector<16xi32>
      %swap3A_55 = arith.index_cast %mul3A_48 : i32 to index
      %swap3A_56 = tpu.vector_load %arg14[%swap3A_55] {strides = array<i32>} : memref<272xi32, #tpu.memory_space<vmem>>, vector<16xi32>,
      tpu.vector_store %arg14[%swap3A_55], %broadcast_in_dim3A_54 {strides = array<i32>} : memref<272xi32, #tpu.memory_space<vmem>>, vector<16xi32>,
      %broadcast_in_dim3A_57 = arith.constant 0.000000e+00 : f32
      %broadcast_in_dim3A_58 = vector.broadcast %broadcast_in_dim3A_57 : f32 to vector<16xf32>
      %swap3A_59 = arith.index_cast %mul3A_48 : i32 to index
      %swap3A_60 = tpu.vector_load %arg15[%swap3A_59] {strides = array<i32>} : memref<272xf32, #tpu.memory_space<vmem>>, vector<16xf32>,
      tpu.vector_store %arg15[%swap3A_59], %broadcast_in_dim3A_58 {strides = array<i32>} : memref<272xf32, #tpu.memory_space<vmem>>, vector<16xf32>,
      %broadcast_in_dim3A_61 = arith.constant 0 : i32
      %broadcast_in_dim3A_62 = vector.broadcast %broadcast_in_dim3A_61 : i32 to vector<16xi32>
      %swap3A_63 = arith.index_cast %mul3A_48 : i32 to index
      %swap3A_64 = tpu.vector_load %arg16[%swap3A_63] {strides = array<i32>} : memref<272xi32, #tpu.memory_space<vmem>>, vector<16xi32>,
      tpu.vector_store %arg16[%swap3A_63], %broadcast_in_dim3A_62 {strides = array<i32>} : memref<272xi32, #tpu.memory_space<vmem>>, vector<16xi32>,
      %scan3A_65 = arith.constant 0 : i32
      scf.yield %scan3A_65 : i32
    }
    %scan3A_12 = arith.constant 17 : i32
    %iota3A = tpu.iota {dimensions = array<i32: 0>} : vector<16xi32>
    %mul3A = arith.constant 80000 : i32
    %mul3A_13 = arith.muli %arg0, %mul3A : i32
    %scan3A_14 = arith.constant 0 : i32
    %scan3A_15 = arith.constant 0 : i32
    %scan3A_16 = arith.constant 0 : i32
    %scan3A_17 = arith.constant 0 : i32
    %scan3A_18 = arith.constant 20 : i32
    %scan3A_19 = arith.addi %scan3A_17, %scan3A_18 : i32
    %scan3A_20 = arith.constant 1 : i32
    %scan3A_21:3 = scf.for %scan3A_45 = %scan3A_17 to %scan3A_19 step %scan3A_20 iter_args(%scan3A_46 = %scan3A_14, %scan3A_47 = %scan3A_15, %scan3A_48 = %scan3A_16) -> (i32, i32, i32)  : i32 {
      %mul3A_49 = arith.constant 160000 : i32
      %mul3A_50 = arith.muli %arg1, %mul3A_49 : i32
      %add3A_51 = arith.addi %mul3A_50, %mul3A_13 : i32
      %mul3A_52 = arith.constant 4000 : i32
      %mul3A_53 = arith.muli %scan3A_45, %mul3A_52 : i32
      %add3A_54 = arith.addi %add3A_51, %mul3A_53 : i32
      %multiple_of3A_55 = tpu.assume_multiple %add3A_54, 8 : i32
      "tpu.region"() ({
        %run_scoped3A = tpu.sem_alloc : memref<!tpu.dma_semaphore, #tpu.memory_space<semaphore_mem>>
        %dma_start3A = tpu.memref_slice %arg2[%multiple_of3A_55] : memref<2560000xf32, #tpu.memory_space<hbm>> -> memref<4000xf32, #tpu.memory_space<hbm>>
        %dma_start3A_62 = tpu.memref_slice %arg2[%multiple_of3A_55] : memref<2560000xf32, #tpu.memory_space<hbm>> -> memref<4000xf32, #tpu.memory_space<hbm>>
        tpu.enqueue_dma source(%dma_start3A_62 : memref<4000xf32, #tpu.memory_space<hbm>>) target(%arg12 : memref<4000xf32, #tpu.memory_space<vmem>>) target_semaphore(%run_scoped3A : memref<!tpu.dma_semaphore, #tpu.memory_space<semaphore_mem>>)
        %dma_wait3A = tpu.memref_slice %arg2[%multiple_of3A_55] : memref<2560000xf32, #tpu.memory_space<hbm>> -> memref<4000xf32, #tpu.memory_space<hbm>>
        %dma_wait3A_63 = tpu.memref_slice %arg2[%multiple_of3A_55] : memref<2560000xf32, #tpu.memory_space<hbm>> -> memref<4000xf32, #tpu.memory_space<hbm>>
        tpu.wait_dma2 semaphore(%run_scoped3A : memref<!tpu.dma_semaphore, #tpu.memory_space<semaphore_mem>>) src(%dma_wait3A_63 : memref<4000xf32, #tpu.memory_space<hbm>>) dst(%arg12 : memref<4000xf32, #tpu.memory_space<vmem>>)
        tpu.yield
      }) : () -> ()
      %scan3A_56 = arith.constant 0 : i32
      %scan3A_57 = arith.constant 50 : i32
      %scan3A_58 = arith.addi %scan3A_56, %scan3A_57 : i32
      %scan3A_59 = arith.constant 1 : i32
      %scan3A_60:3 = scf.for %scan3A_62 = %scan3A_56 to %scan3A_58 step %scan3A_59 iter_args(%scan3A_63 = %scan3A_46, %scan3A_64 = %scan3A_47, %scan3A_65 = %scan3A_48) -> (i32, i32, i32)  : i32 {
        %mul3A_66 = arith.constant 5 : i32
        %mul3A_67 = arith.muli %scan3A_62, %mul3A_66 : i32
        %add3A_68 = arith.constant 0 : i32
        %add3A_69 = arith.addi %mul3A_67, %add3A_68 : i32
        %mul3A_70 = arith.constant 16 : i32
        %mul3A_71 = arith.muli %add3A_69, %mul3A_70 : i32
        %get3A = arith.index_cast %mul3A_71 : i32 to index
        %get3A_72 = tpu.vector_load %arg12[%get3A] {strides = array<i32>} : memref<4000xf32, #tpu.memory_space<vmem>>, vector<16xf32>,
        %mul3A_73 = arith.constant 5 : i32
        %mul3A_74 = arith.muli %scan3A_62, %mul3A_73 : i32
        %add3A_75 = arith.constant 1 : i32
        %add3A_76 = arith.addi %mul3A_74, %add3A_75 : i32
        %mul3A_77 = arith.constant 16 : i32
        %mul3A_78 = arith.muli %add3A_76, %mul3A_77 : i32
        %get3A_79 = arith.index_cast %mul3A_78 : i32 to index
        %get3A_80 = tpu.vector_load %arg12[%get3A_79] {strides = array<i32>} : memref<4000xf32, #tpu.memory_space<vmem>>, vector<16xf32>,
        %mul3A_81 = arith.constant 5 : i32
        %mul3A_82 = arith.muli %scan3A_62, %mul3A_81 : i32
        %add3A_83 = arith.constant 2 : i32
        %add3A_84 = arith.addi %mul3A_82, %add3A_83 : i32
        %mul3A_85 = arith.constant 16 : i32
        %mul3A_86 = arith.muli %add3A_84, %mul3A_85 : i32
        %get3A_87 = arith.index_cast %mul3A_86 : i32 to index
        %get3A_88 = tpu.vector_load %arg12[%get3A_87] {strides = array<i32>} : memref<4000xf32, #tpu.memory_space<vmem>>, vector<16xf32>,
        %mul3A_89 = arith.constant 5 : i32
        %mul3A_90 = arith.muli %scan3A_62, %mul3A_89 : i32
        %add3A_91 = arith.constant 3 : i32
        %add3A_92 = arith.addi %mul3A_90, %add3A_91 : i32
        %mul3A_93 = arith.constant 16 : i32
        %mul3A_94 = arith.muli %add3A_92, %mul3A_93 : i32
        %get3A_95 = arith.index_cast %mul3A_94 : i32 to index
        %get3A_96 = tpu.vector_load %arg12[%get3A_95] {strides = array<i32>} : memref<4000xf32, #tpu.memory_space<vmem>>, vector<16xf32>,
        %mul3A_97 = arith.constant 5 : i32
        %mul3A_98 = arith.muli %scan3A_62, %mul3A_97 : i32
        %add3A_99 = arith.constant 4 : i32
        %add3A_100 = arith.addi %mul3A_98, %add3A_99 : i32
        %mul3A_101 = arith.constant 16 : i32
        %mul3A_102 = arith.muli %add3A_100, %mul3A_101 : i32
        %get3A_103 = arith.index_cast %mul3A_102 : i32 to index
        %get3A_104 = tpu.vector_load %arg12[%get3A_103] {strides = array<i32>} : memref<4000xf32, #tpu.memory_space<vmem>>, vector<16xf32>,
        %ge3A = arith.cmpf oge, %get3A_72, %gather3A : vector<16xf32>
        %all_reduce_population_count3A = tpu.all_reduce %ge3A {dim = 0 : i64, kind = #tpu.reduction_kind<sum>} : vector<16xi1> -> vector<16xi32>
        %ge3A_105 = arith.cmpf oge, %get3A_80, %gather3A : vector<16xf32>
        %all_reduce_population_count3A_106 = tpu.all_reduce %ge3A_105 {dim = 0 : i64, kind = #tpu.reduction_kind<sum>} : vector<16xi1> -> vector<16xi32>
        %add3A_107 = arith.addi %all_reduce_population_count3A, %all_reduce_population_count3A_106 : vector<16xi32>
        %ge3A_108 = arith.cmpf oge, %get3A_88, %gather3A : vector<16xf32>
        %all_reduce_population_count3A_109 = tpu.all_reduce %ge3A_108 {dim = 0 : i64, kind = #tpu.reduction_kind<sum>} : vector<16xi1> -> vector<16xi32>
        %add3A_110 = arith.addi %add3A_107, %all_reduce_population_count3A_109 : vector<16xi32>
        %ge3A_111 = arith.cmpf oge, %get3A_96, %gather3A : vector<16xf32>
        %all_reduce_population_count3A_112 = tpu.all_reduce %ge3A_111 {dim = 0 : i64, kind = #tpu.reduction_kind<sum>} : vector<16xi1> -> vector<16xi32>
        %add3A_113 = arith.addi %add3A_110, %all_reduce_population_count3A_112 : vector<16xi32>
        %ge3A_114 = arith.cmpf oge, %get3A_104, %gather3A : vector<16xf32>
        %all_reduce_population_count3A_115 = tpu.all_reduce %ge3A_114 {dim = 0 : i64, kind = #tpu.reduction_kind<sum>} : vector<16xi1> -> vector<16xi32>
        %add3A_116 = arith.addi %add3A_113, %all_reduce_population_count3A_115 : vector<16xi32>
        %slice3A = vector.extract_strided_slice %add3A_116 {offsets = [0], sizes = [1], strides = [1]} : vector<16xi32> to vector<1xi32>
        %squeeze3A = vector.extract %slice3A[0] : i32 from vector<1xi32>
        %gt3A = arith.constant 0 : i32
        %gt3A_117 = arith.cmpi sgt, %squeeze3A, %gt3A : i32
        %convert_element_type3A = arith.extui %gt3A_117 : i1 to i32
        %cond3A = arith.constant 0 : i32
        %cond3A_118 = arith.cmpi ne, %convert_element_type3A, %cond3A : i32
        %cond3A_119:3 = scf.if %cond3A_118 -> (i32, i32, i32) {
          %gt3A_120 = arith.cmpf ogt, %get3A_72, %gather3A : vector<16xf32>
          %eq3A = arith.cmpf oeq, %get3A_72, %gather3A : vector<16xf32>
          %mul3A_121 = arith.constant 4000 : i32
          %mul3A_122 = arith.muli %scan3A_45, %mul3A_121 : i32
          %add3A_123 = arith.addi %mul3A_13, %mul3A_122 : i32
          %mul3A_124 = arith.constant 5 : i32
          %mul3A_125 = arith.muli %scan3A_62, %mul3A_124 : i32
          %add3A_126 = arith.constant 0 : i32
          %add3A_127 = arith.addi %mul3A_125, %add3A_126 : i32
          %mul3A_128 = arith.constant 16 : i32
          %mul3A_129 = arith.muli %add3A_127, %mul3A_128 : i32
          %add3A_130 = arith.addi %add3A_123, %mul3A_129 : i32
          %broadcast_in_dim3A_131 = arith.constant 0 : i32
          %broadcast_in_dim3A_132 = vector.broadcast %broadcast_in_dim3A_131 : i32 to vector<16xi32>
          %add3A_133 = vector.broadcast %add3A_130 : i32 to vector<16xi32>
          %add3A_134 = arith.addi %broadcast_in_dim3A_132, %add3A_133 : vector<16xi32>
          %add3A_135 = arith.addi %add3A_134, %iota3A : vector<16xi32>
          %convert_element_type3A_136 = arith.extui %eq3A : vector<16xi1> to vector<16xi32>
          %broadcast_in_dim3A_137 = arith.constant true
          %broadcast_in_dim3A_138 = vector.broadcast %broadcast_in_dim3A_137 : i1 to vector<16xi1>
          %masked_cumsum3A = tpu.scan <sum>, %convert_element_type3A_136 masked %broadcast_in_dim3A_138 : vector<16xi32>, vector<16xi1> -> vector<16xi32>
          %broadcast_in_dim3A_139 = arith.constant 0 : i32
          %broadcast_in_dim3A_140 = vector.broadcast %broadcast_in_dim3A_139 : i32 to vector<16xi32>
          %add3A_141 = vector.broadcast %scan3A_65 : i32 to vector<16xi32>
          %add3A_142 = arith.addi %broadcast_in_dim3A_140, %add3A_141 : vector<16xi32>
          %add3A_143 = arith.addi %add3A_142, %masked_cumsum3A : vector<16xi32>
          %le3A = arith.cmpi sle, %add3A_143, %gather3A_6 : vector<16xi32>
          %and3A = arith.andi %eq3A, %le3A : vector<16xi1>
          %swap3A_144 = arith.index_cast %scan3A_63 : i32 to index
          %swap3A_145 = tpu.vector_load %arg13[%swap3A_144] masked %gt3A_120 {strides = array<i32>} : memref<272xf32, #tpu.memory_space<vmem>>, vector<16xf32>, vector<16xi1>
          tpu.vector_store %arg13[%swap3A_144], %get3A_72 masked %gt3A_120 {strides = array<i32>} : memref<272xf32, #tpu.memory_space<vmem>>, vector<16xf32>, vector<16xi1>
          %swap3A_146 = arith.index_cast %scan3A_63 : i32 to index
          %swap3A_147 = tpu.vector_load %arg14[%swap3A_146] masked %gt3A_120 {strides = array<i32>} : memref<272xi32, #tpu.memory_space<vmem>>, vector<16xi32>, vector<16xi1>
          tpu.vector_store %arg14[%swap3A_146], %add3A_135 masked %gt3A_120 {strides = array<i32>} : memref<272xi32, #tpu.memory_space<vmem>>, vector<16xi32>, vector<16xi1>
          %swap3A_148 = arith.index_cast %scan3A_64 : i32 to index
          %swap3A_149 = tpu.vector_load %arg15[%swap3A_148] masked %and3A {strides = array<i32>} : memref<272xf32, #tpu.memory_space<vmem>>, vector<16xf32>, vector<16xi1>
          tpu.vector_store %arg15[%swap3A_148], %get3A_72 masked %and3A {strides = array<i32>} : memref<272xf32, #tpu.memory_space<vmem>>, vector<16xf32>, vector<16xi1>
          %swap3A_150 = arith.index_cast %scan3A_64 : i32 to index
          %swap3A_151 = tpu.vector_load %arg16[%swap3A_150] masked %and3A {strides = array<i32>} : memref<272xi32, #tpu.memory_space<vmem>>, vector<16xi32>, vector<16xi1>
          tpu.vector_store %arg16[%swap3A_150], %add3A_135 masked %and3A {strides = array<i32>} : memref<272xi32, #tpu.memory_space<vmem>>, vector<16xi32>, vector<16xi1>
          %all_reduce_population_count3A_152 = tpu.all_reduce %gt3A_120 {dim = 0 : i64, kind = #tpu.reduction_kind<sum>} : vector<16xi1> -> vector<16xi32>
          %slice3A_153 = vector.extract_strided_slice %all_reduce_population_count3A_152 {offsets = [0], sizes = [1], strides = [1]} : vector<16xi32> to vector<1xi32>
          %squeeze3A_154 = vector.extract %slice3A_153[0] : i32 from vector<1xi32>
          %add3A_155 = arith.addi %scan3A_63, %squeeze3A_154 : i32
          %all_reduce_population_count3A_156 = tpu.all_reduce %and3A {dim = 0 : i64, kind = #tpu.reduction_kind<sum>} : vector<16xi1> -> vector<16xi32>
          %slice3A_157 = vector.extract_strided_slice %all_reduce_population_count3A_156 {offsets = [0], sizes = [1], strides = [1]} : vector<16xi32> to vector<1xi32>
          %squeeze3A_158 = vector.extract %slice3A_157[0] : i32 from vector<1xi32>
          %add3A_159 = arith.addi %scan3A_64, %squeeze3A_158 : i32
          %all_reduce_population_count3A_160 = tpu.all_reduce %eq3A {dim = 0 : i64, kind = #tpu.reduction_kind<sum>} : vector<16xi1> -> vector<16xi32>
          %slice3A_161 = vector.extract_strided_slice %all_reduce_population_count3A_160 {offsets = [0], sizes = [1], strides = [1]} : vector<16xi32> to vector<1xi32>
          %squeeze3A_162 = vector.extract %slice3A_161[0] : i32 from vector<1xi32>
          %add3A_163 = arith.addi %scan3A_65, %squeeze3A_162 : i32
          %gt3A_164 = arith.cmpf ogt, %get3A_80, %gather3A : vector<16xf32>
          %eq3A_165 = arith.cmpf oeq, %get3A_80, %gather3A : vector<16xf32>
          %mul3A_166 = arith.constant 4000 : i32
          %mul3A_167 = arith.muli %scan3A_45, %mul3A_166 : i32
          %add3A_168 = arith.addi %mul3A_13, %mul3A_167 : i32
          %mul3A_169 = arith.constant 5 : i32
          %mul3A_170 = arith.muli %scan3A_62, %mul3A_169 : i32
          %add3A_171 = arith.constant 1 : i32
          %add3A_172 = arith.addi %mul3A_170, %add3A_171 : i32
          %mul3A_173 = arith.constant 16 : i32
          %mul3A_174 = arith.muli %add3A_172, %mul3A_173 : i32
          %add3A_175 = arith.addi %add3A_168, %mul3A_174 : i32
          %broadcast_in_dim3A_176 = arith.constant 0 : i32
          %broadcast_in_dim3A_177 = vector.broadcast %broadcast_in_dim3A_176 : i32 to vector<16xi32>
          %add3A_178 = vector.broadcast %add3A_175 : i32 to vector<16xi32>
          %add3A_179 = arith.addi %broadcast_in_dim3A_177, %add3A_178 : vector<16xi32>
          %add3A_180 = arith.addi %add3A_179, %iota3A : vector<16xi32>
          %convert_element_type3A_181 = arith.extui %eq3A_165 : vector<16xi1> to vector<16xi32>
          %broadcast_in_dim3A_182 = arith.constant true
          %broadcast_in_dim3A_183 = vector.broadcast %broadcast_in_dim3A_182 : i1 to vector<16xi1>
          %masked_cumsum3A_184 = tpu.scan <sum>, %convert_element_type3A_181 masked %broadcast_in_dim3A_183 : vector<16xi32>, vector<16xi1> -> vector<16xi32>
          %broadcast_in_dim3A_185 = arith.constant 0 : i32
          %broadcast_in_dim3A_186 = vector.broadcast %broadcast_in_dim3A_185 : i32 to vector<16xi32>
          %add3A_187 = vector.broadcast %add3A_163 : i32 to vector<16xi32>
          %add3A_188 = arith.addi %broadcast_in_dim3A_186, %add3A_187 : vector<16xi32>
          %add3A_189 = arith.addi %add3A_188, %masked_cumsum3A_184 : vector<16xi32>
          %le3A_190 = arith.cmpi sle, %add3A_189, %gather3A_6 : vector<16xi32>
          %and3A_191 = arith.andi %eq3A_165, %le3A_190 : vector<16xi1>
          %swap3A_192 = arith.index_cast %add3A_155 : i32 to index
          %swap3A_193 = tpu.vector_load %arg13[%swap3A_192] masked %gt3A_164 {strides = array<i32>} : memref<272xf32, #tpu.memory_space<vmem>>, vector<16xf32>, vector<16xi1>
          tpu.vector_store %arg13[%swap3A_192], %get3A_80 masked %gt3A_164 {strides = array<i32>} : memref<272xf32, #tpu.memory_space<vmem>>, vector<16xf32>, vector<16xi1>
          %swap3A_194 = arith.index_cast %add3A_155 : i32 to index
          %swap3A_195 = tpu.vector_load %arg14[%swap3A_194] masked %gt3A_164 {strides = array<i32>} : memref<272xi32, #tpu.memory_space<vmem>>, vector<16xi32>, vector<16xi1>
          tpu.vector_store %arg14[%swap3A_194], %add3A_180 masked %gt3A_164 {strides = array<i32>} : memref<272xi32, #tpu.memory_space<vmem>>, vector<16xi32>, vector<16xi1>
          %swap3A_196 = arith.index_cast %add3A_159 : i32 to index
          %swap3A_197 = tpu.vector_load %arg15[%swap3A_196] masked %and3A_191 {strides = array<i32>} : memref<272xf32, #tpu.memory_space<vmem>>, vector<16xf32>, vector<16xi1>
          tpu.vector_store %arg15[%swap3A_196], %get3A_80 masked %and3A_191 {strides = array<i32>} : memref<272xf32, #tpu.memory_space<vmem>>, vector<16xf32>, vector<16xi1>
          %swap3A_198 = arith.index_cast %add3A_159 : i32 to index
          %swap3A_199 = tpu.vector_load %arg16[%swap3A_198] masked %and3A_191 {strides = array<i32>} : memref<272xi32, #tpu.memory_space<vmem>>, vector<16xi32>, vector<16xi1>
          tpu.vector_store %arg16[%swap3A_198], %add3A_180 masked %and3A_191 {strides = array<i32>} : memref<272xi32, #tpu.memory_space<vmem>>, vector<16xi32>, vector<16xi1>
          %all_reduce_population_count3A_200 = tpu.all_reduce %gt3A_164 {dim = 0 : i64, kind = #tpu.reduction_kind<sum>} : vector<16xi1> -> vector<16xi32>
          %slice3A_201 = vector.extract_strided_slice %all_reduce_population_count3A_200 {offsets = [0], sizes = [1], strides = [1]} : vector<16xi32> to vector<1xi32>
          %squeeze3A_202 = vector.extract %slice3A_201[0] : i32 from vector<1xi32>
          %add3A_203 = arith.addi %add3A_155, %squeeze3A_202 : i32
          %all_reduce_population_count3A_204 = tpu.all_reduce %and3A_191 {dim = 0 : i64, kind = #tpu.reduction_kind<sum>} : vector<16xi1> -> vector<16xi32>
          %slice3A_205 = vector.extract_strided_slice %all_reduce_population_count3A_204 {offsets = [0], sizes = [1], strides = [1]} : vector<16xi32> to vector<1xi32>
          %squeeze3A_206 = vector.extract %slice3A_205[0] : i32 from vector<1xi32>
          %add3A_207 = arith.addi %add3A_159, %squeeze3A_206 : i32
          %all_reduce_population_count3A_208 = tpu.all_reduce %eq3A_165 {dim = 0 : i64, kind = #tpu.reduction_kind<sum>} : vector<16xi1> -> vector<16xi32>
          %slice3A_209 = vector.extract_strided_slice %all_reduce_population_count3A_208 {offsets = [0], sizes = [1], strides = [1]} : vector<16xi32> to vector<1xi32>
          %squeeze3A_210 = vector.extract %slice3A_209[0] : i32 from vector<1xi32>
          %add3A_211 = arith.addi %add3A_163, %squeeze3A_210 : i32
          %gt3A_212 = arith.cmpf ogt, %get3A_88, %gather3A : vector<16xf32>
          %eq3A_213 = arith.cmpf oeq, %get3A_88, %gather3A : vector<16xf32>
          %mul3A_214 = arith.constant 4000 : i32
          %mul3A_215 = arith.muli %scan3A_45, %mul3A_214 : i32
          %add3A_216 = arith.addi %mul3A_13, %mul3A_215 : i32
          %mul3A_217 = arith.constant 5 : i32
          %mul3A_218 = arith.muli %scan3A_62, %mul3A_217 : i32
          %add3A_219 = arith.constant 2 : i32
          %add3A_220 = arith.addi %mul3A_218, %add3A_219 : i32
          %mul3A_221 = arith.constant 16 : i32
          %mul3A_222 = arith.muli %add3A_220, %mul3A_221 : i32
          %add3A_223 = arith.addi %add3A_216, %mul3A_222 : i32
          %broadcast_in_dim3A_224 = arith.constant 0 : i32
          %broadcast_in_dim3A_225 = vector.broadcast %broadcast_in_dim3A_224 : i32 to vector<16xi32>
          %add3A_226 = vector.broadcast %add3A_223 : i32 to vector<16xi32>
          %add3A_227 = arith.addi %broadcast_in_dim3A_225, %add3A_226 : vector<16xi32>
          %add3A_228 = arith.addi %add3A_227, %iota3A : vector<16xi32>
          %convert_element_type3A_229 = arith.extui %eq3A_213 : vector<16xi1> to vector<16xi32>
          %broadcast_in_dim3A_230 = arith.constant true
          %broadcast_in_dim3A_231 = vector.broadcast %broadcast_in_dim3A_230 : i1 to vector<16xi1>
          %masked_cumsum3A_232 = tpu.scan <sum>, %convert_element_type3A_229 masked %broadcast_in_dim3A_231 : vector<16xi32>, vector<16xi1> -> vector<16xi32>
          %broadcast_in_dim3A_233 = arith.constant 0 : i32
          %broadcast_in_dim3A_234 = vector.broadcast %broadcast_in_dim3A_233 : i32 to vector<16xi32>
          %add3A_235 = vector.broadcast %add3A_211 : i32 to vector<16xi32>
          %add3A_236 = arith.addi %broadcast_in_dim3A_234, %add3A_235 : vector<16xi32>
          %add3A_237 = arith.addi %add3A_236, %masked_cumsum3A_232 : vector<16xi32>
          %le3A_238 = arith.cmpi sle, %add3A_237, %gather3A_6 : vector<16xi32>
          %and3A_239 = arith.andi %eq3A_213, %le3A_238 : vector<16xi1>
          %swap3A_240 = arith.index_cast %add3A_203 : i32 to index
          %swap3A_241 = tpu.vector_load %arg13[%swap3A_240] masked %gt3A_212 {strides = array<i32>} : memref<272xf32, #tpu.memory_space<vmem>>, vector<16xf32>, vector<16xi1>
          tpu.vector_store %arg13[%swap3A_240], %get3A_88 masked %gt3A_212 {strides = array<i32>} : memref<272xf32, #tpu.memory_space<vmem>>, vector<16xf32>, vector<16xi1>
          %swap3A_242 = arith.index_cast %add3A_203 : i32 to index
          %swap3A_243 = tpu.vector_load %arg14[%swap3A_242] masked %gt3A_212 {strides = array<i32>} : memref<272xi32, #tpu.memory_space<vmem>>, vector<16xi32>, vector<16xi1>
          tpu.vector_store %arg14[%swap3A_242], %add3A_228 masked %gt3A_212 {strides = array<i32>} : memref<272xi32, #tpu.memory_space<vmem>>, vector<16xi32>, vector<16xi1>
          %swap3A_244 = arith.index_cast %add3A_207 : i32 to index
          %swap3A_245 = tpu.vector_load %arg15[%swap3A_244] masked %and3A_239 {strides = array<i32>} : memref<272xf32, #tpu.memory_space<vmem>>, vector<16xf32>, vector<16xi1>
          tpu.vector_store %arg15[%swap3A_244], %get3A_88 masked %and3A_239 {strides = array<i32>} : memref<272xf32, #tpu.memory_space<vmem>>, vector<16xf32>, vector<16xi1>
          %swap3A_246 = arith.index_cast %add3A_207 : i32 to index
          %swap3A_247 = tpu.vector_load %arg16[%swap3A_246] masked %and3A_239 {strides = array<i32>} : memref<272xi32, #tpu.memory_space<vmem>>, vector<16xi32>, vector<16xi1>
          tpu.vector_store %arg16[%swap3A_246], %add3A_228 masked %and3A_239 {strides = array<i32>} : memref<272xi32, #tpu.memory_space<vmem>>, vector<16xi32>, vector<16xi1>
          %all_reduce_population_count3A_248 = tpu.all_reduce %gt3A_212 {dim = 0 : i64, kind = #tpu.reduction_kind<sum>} : vector<16xi1> -> vector<16xi32>
          %slice3A_249 = vector.extract_strided_slice %all_reduce_population_count3A_248 {offsets = [0], sizes = [1], strides = [1]} : vector<16xi32> to vector<1xi32>
          %squeeze3A_250 = vector.extract %slice3A_249[0] : i32 from vector<1xi32>
          %add3A_251 = arith.addi %add3A_203, %squeeze3A_250 : i32
          %all_reduce_population_count3A_252 = tpu.all_reduce %and3A_239 {dim = 0 : i64, kind = #tpu.reduction_kind<sum>} : vector<16xi1> -> vector<16xi32>
          %slice3A_253 = vector.extract_strided_slice %all_reduce_population_count3A_252 {offsets = [0], sizes = [1], strides = [1]} : vector<16xi32> to vector<1xi32>
          %squeeze3A_254 = vector.extract %slice3A_253[0] : i32 from vector<1xi32>
          %add3A_255 = arith.addi %add3A_207, %squeeze3A_254 : i32
          %all_reduce_population_count3A_256 = tpu.all_reduce %eq3A_213 {dim = 0 : i64, kind = #tpu.reduction_kind<sum>} : vector<16xi1> -> vector<16xi32>
          %slice3A_257 = vector.extract_strided_slice %all_reduce_population_count3A_256 {offsets = [0], sizes = [1], strides = [1]} : vector<16xi32> to vector<1xi32>
          %squeeze3A_258 = vector.extract %slice3A_257[0] : i32 from vector<1xi32>
          %add3A_259 = arith.addi %add3A_211, %squeeze3A_258 : i32
          %gt3A_260 = arith.cmpf ogt, %get3A_96, %gather3A : vector<16xf32>
          %eq3A_261 = arith.cmpf oeq, %get3A_96, %gather3A : vector<16xf32>
          %mul3A_262 = arith.constant 4000 : i32
          %mul3A_263 = arith.muli %scan3A_45, %mul3A_262 : i32
          %add3A_264 = arith.addi %mul3A_13, %mul3A_263 : i32
          %mul3A_265 = arith.constant 5 : i32
          %mul3A_266 = arith.muli %scan3A_62, %mul3A_265 : i32
          %add3A_267 = arith.constant 3 : i32
          %add3A_268 = arith.addi %mul3A_266, %add3A_267 : i32
          %mul3A_269 = arith.constant 16 : i32
          %mul3A_270 = arith.muli %add3A_268, %mul3A_269 : i32
          %add3A_271 = arith.addi %add3A_264, %mul3A_270 : i32
          %broadcast_in_dim3A_272 = arith.constant 0 : i32
          %broadcast_in_dim3A_273 = vector.broadcast %broadcast_in_dim3A_272 : i32 to vector<16xi32>
          %add3A_274 = vector.broadcast %add3A_271 : i32 to vector<16xi32>
          %add3A_275 = arith.addi %broadcast_in_dim3A_273, %add3A_274 : vector<16xi32>
          %add3A_276 = arith.addi %add3A_275, %iota3A : vector<16xi32>
          %convert_element_type3A_277 = arith.extui %eq3A_261 : vector<16xi1> to vector<16xi32>
          %broadcast_in_dim3A_278 = arith.constant true
          %broadcast_in_dim3A_279 = vector.broadcast %broadcast_in_dim3A_278 : i1 to vector<16xi1>
          %masked_cumsum3A_280 = tpu.scan <sum>, %convert_element_type3A_277 masked %broadcast_in_dim3A_279 : vector<16xi32>, vector<16xi1> -> vector<16xi32>
          %broadcast_in_dim3A_281 = arith.constant 0 : i32
          %broadcast_in_dim3A_282 = vector.broadcast %broadcast_in_dim3A_281 : i32 to vector<16xi32>
          %add3A_283 = vector.broadcast %add3A_259 : i32 to vector<16xi32>
          %add3A_284 = arith.addi %broadcast_in_dim3A_282, %add3A_283 : vector<16xi32>
          %add3A_285 = arith.addi %add3A_284, %masked_cumsum3A_280 : vector<16xi32>
          %le3A_286 = arith.cmpi sle, %add3A_285, %gather3A_6 : vector<16xi32>
          %and3A_287 = arith.andi %eq3A_261, %le3A_286 : vector<16xi1>
          %swap3A_288 = arith.index_cast %add3A_251 : i32 to index
          %swap3A_289 = tpu.vector_load %arg13[%swap3A_288] masked %gt3A_260 {strides = array<i32>} : memref<272xf32, #tpu.memory_space<vmem>>, vector<16xf32>, vector<16xi1>
          tpu.vector_store %arg13[%swap3A_288], %get3A_96 masked %gt3A_260 {strides = array<i32>} : memref<272xf32, #tpu.memory_space<vmem>>, vector<16xf32>, vector<16xi1>
          %swap3A_290 = arith.index_cast %add3A_251 : i32 to index
          %swap3A_291 = tpu.vector_load %arg14[%swap3A_290] masked %gt3A_260 {strides = array<i32>} : memref<272xi32, #tpu.memory_space<vmem>>, vector<16xi32>, vector<16xi1>
          tpu.vector_store %arg14[%swap3A_290], %add3A_276 masked %gt3A_260 {strides = array<i32>} : memref<272xi32, #tpu.memory_space<vmem>>, vector<16xi32>, vector<16xi1>
          %swap3A_292 = arith.index_cast %add3A_255 : i32 to index
          %swap3A_293 = tpu.vector_load %arg15[%swap3A_292] masked %and3A_287 {strides = array<i32>} : memref<272xf32, #tpu.memory_space<vmem>>, vector<16xf32>, vector<16xi1>
          tpu.vector_store %arg15[%swap3A_292], %get3A_96 masked %and3A_287 {strides = array<i32>} : memref<272xf32, #tpu.memory_space<vmem>>, vector<16xf32>, vector<16xi1>
          %swap3A_294 = arith.index_cast %add3A_255 : i32 to index
          %swap3A_295 = tpu.vector_load %arg16[%swap3A_294] masked %and3A_287 {strides = array<i32>} : memref<272xi32, #tpu.memory_space<vmem>>, vector<16xi32>, vector<16xi1>
          tpu.vector_store %arg16[%swap3A_294], %add3A_276 masked %and3A_287 {strides = array<i32>} : memref<272xi32, #tpu.memory_space<vmem>>, vector<16xi32>, vector<16xi1>
          %all_reduce_population_count3A_296 = tpu.all_reduce %gt3A_260 {dim = 0 : i64, kind = #tpu.reduction_kind<sum>} : vector<16xi1> -> vector<16xi32>
          %slice3A_297 = vector.extract_strided_slice %all_reduce_population_count3A_296 {offsets = [0], sizes = [1], strides = [1]} : vector<16xi32> to vector<1xi32>
          %squeeze3A_298 = vector.extract %slice3A_297[0] : i32 from vector<1xi32>
          %add3A_299 = arith.addi %add3A_251, %squeeze3A_298 : i32
          %all_reduce_population_count3A_300 = tpu.all_reduce %and3A_287 {dim = 0 : i64, kind = #tpu.reduction_kind<sum>} : vector<16xi1> -> vector<16xi32>
          %slice3A_301 = vector.extract_strided_slice %all_reduce_population_count3A_300 {offsets = [0], sizes = [1], strides = [1]} : vector<16xi32> to vector<1xi32>
          %squeeze3A_302 = vector.extract %slice3A_301[0] : i32 from vector<1xi32>
          %add3A_303 = arith.addi %add3A_255, %squeeze3A_302 : i32
          %all_reduce_population_count3A_304 = tpu.all_reduce %eq3A_261 {dim = 0 : i64, kind = #tpu.reduction_kind<sum>} : vector<16xi1> -> vector<16xi32>
          %slice3A_305 = vector.extract_strided_slice %all_reduce_population_count3A_304 {offsets = [0], sizes = [1], strides = [1]} : vector<16xi32> to vector<1xi32>
          %squeeze3A_306 = vector.extract %slice3A_305[0] : i32 from vector<1xi32>
          %add3A_307 = arith.addi %add3A_259, %squeeze3A_306 : i32
          %gt3A_308 = arith.cmpf ogt, %get3A_104, %gather3A : vector<16xf32>
          %eq3A_309 = arith.cmpf oeq, %get3A_104, %gather3A : vector<16xf32>
          %mul3A_310 = arith.constant 4000 : i32
          %mul3A_311 = arith.muli %scan3A_45, %mul3A_310 : i32
          %add3A_312 = arith.addi %mul3A_13, %mul3A_311 : i32
          %mul3A_313 = arith.constant 5 : i32
          %mul3A_314 = arith.muli %scan3A_62, %mul3A_313 : i32
          %add3A_315 = arith.constant 4 : i32
          %add3A_316 = arith.addi %mul3A_314, %add3A_315 : i32
          %mul3A_317 = arith.constant 16 : i32
          %mul3A_318 = arith.muli %add3A_316, %mul3A_317 : i32
          %add3A_319 = arith.addi %add3A_312, %mul3A_318 : i32
          %broadcast_in_dim3A_320 = arith.constant 0 : i32
          %broadcast_in_dim3A_321 = vector.broadcast %broadcast_in_dim3A_320 : i32 to vector<16xi32>
          %add3A_322 = vector.broadcast %add3A_319 : i32 to vector<16xi32>
          %add3A_323 = arith.addi %broadcast_in_dim3A_321, %add3A_322 : vector<16xi32>
          %add3A_324 = arith.addi %add3A_323, %iota3A : vector<16xi32>
          %convert_element_type3A_325 = arith.extui %eq3A_309 : vector<16xi1> to vector<16xi32>
          %broadcast_in_dim3A_326 = arith.constant true
          %broadcast_in_dim3A_327 = vector.broadcast %broadcast_in_dim3A_326 : i1 to vector<16xi1>
          %masked_cumsum3A_328 = tpu.scan <sum>, %convert_element_type3A_325 masked %broadcast_in_dim3A_327 : vector<16xi32>, vector<16xi1> -> vector<16xi32>
          %broadcast_in_dim3A_329 = arith.constant 0 : i32
          %broadcast_in_dim3A_330 = vector.broadcast %broadcast_in_dim3A_329 : i32 to vector<16xi32>
          %add3A_331 = vector.broadcast %add3A_307 : i32 to vector<16xi32>
          %add3A_332 = arith.addi %broadcast_in_dim3A_330, %add3A_331 : vector<16xi32>
          %add3A_333 = arith.addi %add3A_332, %masked_cumsum3A_328 : vector<16xi32>
          %le3A_334 = arith.cmpi sle, %add3A_333, %gather3A_6 : vector<16xi32>
          %and3A_335 = arith.andi %eq3A_309, %le3A_334 : vector<16xi1>
          %swap3A_336 = arith.index_cast %add3A_299 : i32 to index
          %swap3A_337 = tpu.vector_load %arg13[%swap3A_336] masked %gt3A_308 {strides = array<i32>} : memref<272xf32, #tpu.memory_space<vmem>>, vector<16xf32>, vector<16xi1>
          tpu.vector_store %arg13[%swap3A_336], %get3A_104 masked %gt3A_308 {strides = array<i32>} : memref<272xf32, #tpu.memory_space<vmem>>, vector<16xf32>, vector<16xi1>
          %swap3A_338 = arith.index_cast %add3A_299 : i32 to index
          %swap3A_339 = tpu.vector_load %arg14[%swap3A_338] masked %gt3A_308 {strides = array<i32>} : memref<272xi32, #tpu.memory_space<vmem>>, vector<16xi32>, vector<16xi1>
          tpu.vector_store %arg14[%swap3A_338], %add3A_324 masked %gt3A_308 {strides = array<i32>} : memref<272xi32, #tpu.memory_space<vmem>>, vector<16xi32>, vector<16xi1>
          %swap3A_340 = arith.index_cast %add3A_303 : i32 to index
          %swap3A_341 = tpu.vector_load %arg15[%swap3A_340] masked %and3A_335 {strides = array<i32>} : memref<272xf32, #tpu.memory_space<vmem>>, vector<16xf32>, vector<16xi1>
          tpu.vector_store %arg15[%swap3A_340], %get3A_104 masked %and3A_335 {strides = array<i32>} : memref<272xf32, #tpu.memory_space<vmem>>, vector<16xf32>, vector<16xi1>
          %swap3A_342 = arith.index_cast %add3A_303 : i32 to index
          %swap3A_343 = tpu.vector_load %arg16[%swap3A_342] masked %and3A_335 {strides = array<i32>} : memref<272xi32, #tpu.memory_space<vmem>>, vector<16xi32>, vector<16xi1>
          tpu.vector_store %arg16[%swap3A_342], %add3A_324 masked %and3A_335 {strides = array<i32>} : memref<272xi32, #tpu.memory_space<vmem>>, vector<16xi32>, vector<16xi1>
          %all_reduce_population_count3A_344 = tpu.all_reduce %gt3A_308 {dim = 0 : i64, kind = #tpu.reduction_kind<sum>} : vector<16xi1> -> vector<16xi32>
          %slice3A_345 = vector.extract_strided_slice %all_reduce_population_count3A_344 {offsets = [0], sizes = [1], strides = [1]} : vector<16xi32> to vector<1xi32>
          %squeeze3A_346 = vector.extract %slice3A_345[0] : i32 from vector<1xi32>
          %add3A_347 = arith.addi %add3A_299, %squeeze3A_346 : i32
          %all_reduce_population_count3A_348 = tpu.all_reduce %and3A_335 {dim = 0 : i64, kind = #tpu.reduction_kind<sum>} : vector<16xi1> -> vector<16xi32>
          %slice3A_349 = vector.extract_strided_slice %all_reduce_population_count3A_348 {offsets = [0], sizes = [1], strides = [1]} : vector<16xi32> to vector<1xi32>
          %squeeze3A_350 = vector.extract %slice3A_349[0] : i32 from vector<1xi32>
          %add3A_351 = arith.addi %add3A_303, %squeeze3A_350 : i32
          %all_reduce_population_count3A_352 = tpu.all_reduce %eq3A_309 {dim = 0 : i64, kind = #tpu.reduction_kind<sum>} : vector<16xi1> -> vector<16xi32>
          %slice3A_353 = vector.extract_strided_slice %all_reduce_population_count3A_352 {offsets = [0], sizes = [1], strides = [1]} : vector<16xi32> to vector<1xi32>
          %squeeze3A_354 = vector.extract %slice3A_353[0] : i32 from vector<1xi32>
          %add3A_355 = arith.addi %add3A_307, %squeeze3A_354 : i32
          scf.yield %add3A_347, %add3A_351, %add3A_355 : i32, i32, i32
        } else {
          scf.yield %scan3A_63, %scan3A_64, %scan3A_65 : i32, i32, i32
        }
        scf.yield %cond3A_119#0, %cond3A_119#1, %cond3A_119#2 : i32, i32, i32
      }
      %scan3A_61 = arith.constant 50 : i32
      scf.yield %scan3A_60#0, %scan3A_60#1, %scan3A_60#2 : i32, i32, i32
    }
    %scan3A_22 = arith.constant 20 : i32
    %broadcast_in_dim3A_23 = arith.constant 0 : i32
    %broadcast_in_dim3A_24 = vector.broadcast %broadcast_in_dim3A_23 : i32 to vector<16xi32>
    %add3A_25 = vector.broadcast %scan3A_21#0 : i32 to vector<16xi32>
    %add3A_26 = arith.addi %broadcast_in_dim3A_24, %add3A_25 : vector<16xi32>
    %swap3A = arith.constant 0 : index
    %swap3A_27 = tpu.vector_load %arg17[%swap3A] {strides = array<i32>} : memref<32xi32, #tpu.memory_space<vmem>>, vector<16xi32>,
    tpu.vector_store %arg17[%swap3A], %add3A_26 {strides = array<i32>} : memref<32xi32, #tpu.memory_space<vmem>>, vector<16xi32>,
    %broadcast_in_dim3A_28 = arith.constant 0 : i32
    %broadcast_in_dim3A_29 = vector.broadcast %broadcast_in_dim3A_28 : i32 to vector<16xi32>
    %add3A_30 = vector.broadcast %scan3A_21#2 : i32 to vector<16xi32>
    %add3A_31 = arith.addi %broadcast_in_dim3A_29, %add3A_30 : vector<16xi32>
    %swap3A_32 = arith.constant 16 : index
    %swap3A_33 = tpu.vector_load %arg17[%swap3A_32] {strides = array<i32>} : memref<32xi32, #tpu.memory_space<vmem>>, vector<16xi32>,
    tpu.vector_store %arg17[%swap3A_32], %add3A_31 {strides = array<i32>} : memref<32xi32, #tpu.memory_space<vmem>>, vector<16xi32>,
    %mul3A_34 = arith.constant 2 : i32
    %mul3A_35 = arith.muli %arg1, %mul3A_34 : i32
    %add3A_36 = arith.addi %mul3A_35, %arg0 : i32
    %mul3A_37 = arith.constant 272 : i32
    %mul3A_38 = arith.muli %add3A_36, %mul3A_37 : i32
    %multiple_of3A = tpu.assume_multiple %mul3A_38, 8 : i32
    "tpu.region"() ({
      %run_scoped3A = tpu.sem_alloc : memref<!tpu.dma_semaphore, #tpu.memory_space<semaphore_mem>>
      %dma_start3A = tpu.memref_slice %arg5[%multiple_of3A] : memref<8704xf32, #tpu.memory_space<hbm>> -> memref<272xf32, #tpu.memory_space<hbm>>
      %dma_start3A_45 = tpu.memref_slice %arg5[%multiple_of3A] : memref<8704xf32, #tpu.memory_space<hbm>> -> memref<272xf32, #tpu.memory_space<hbm>>
      tpu.enqueue_dma source(%arg13 : memref<272xf32, #tpu.memory_space<vmem>>) target(%dma_start3A_45 : memref<272xf32, #tpu.memory_space<hbm>>) target_semaphore(%run_scoped3A : memref<!tpu.dma_semaphore, #tpu.memory_space<semaphore_mem>>)
      %dma_wait3A = tpu.memref_slice %arg5[%multiple_of3A] : memref<8704xf32, #tpu.memory_space<hbm>> -> memref<272xf32, #tpu.memory_space<hbm>>
      %dma_wait3A_46 = tpu.memref_slice %arg5[%multiple_of3A] : memref<8704xf32, #tpu.memory_space<hbm>> -> memref<272xf32, #tpu.memory_space<hbm>>
      tpu.wait_dma2 semaphore(%run_scoped3A : memref<!tpu.dma_semaphore, #tpu.memory_space<semaphore_mem>>) src(%arg13 : memref<272xf32, #tpu.memory_space<vmem>>) dst(%dma_wait3A_46 : memref<272xf32, #tpu.memory_space<hbm>>)
      tpu.yield
    }) : () -> ()
    "tpu.region"() ({
      %run_scoped3A = tpu.sem_alloc : memref<!tpu.dma_semaphore, #tpu.memory_space<semaphore_mem>>
      %dma_start3A = tpu.memref_slice %arg6[%multiple_of3A] : memref<8704xi32, #tpu.memory_space<hbm>> -> memref<272xi32, #tpu.memory_space<hbm>>
      %dma_start3A_45 = tpu.memref_slice %arg6[%multiple_of3A] : memref<8704xi32, #tpu.memory_space<hbm>> -> memref<272xi32, #tpu.memory_space<hbm>>
      tpu.enqueue_dma source(%arg14 : memref<272xi32, #tpu.memory_space<vmem>>) target(%dma_start3A_45 : memref<272xi32, #tpu.memory_space<hbm>>) target_semaphore(%run_scoped3A : memref<!tpu.dma_semaphore, #tpu.memory_space<semaphore_mem>>)
      %dma_wait3A = tpu.memref_slice %arg6[%multiple_of3A] : memref<8704xi32, #tpu.memory_space<hbm>> -> memref<272xi32, #tpu.memory_space<hbm>>
      %dma_wait3A_46 = tpu.memref_slice %arg6[%multiple_of3A] : memref<8704xi32, #tpu.memory_space<hbm>> -> memref<272xi32, #tpu.memory_space<hbm>>
      tpu.wait_dma2 semaphore(%run_scoped3A : memref<!tpu.dma_semaphore, #tpu.memory_space<semaphore_mem>>) src(%arg14 : memref<272xi32, #tpu.memory_space<vmem>>) dst(%dma_wait3A_46 : memref<272xi32, #tpu.memory_space<hbm>>)
      tpu.yield
    }) : () -> ()
    "tpu.region"() ({
      %run_scoped3A = tpu.sem_alloc : memref<!tpu.dma_semaphore, #tpu.memory_space<semaphore_mem>>
      %dma_start3A = tpu.memref_slice %arg7[%multiple_of3A] : memref<8704xf32, #tpu.memory_space<hbm>> -> memref<272xf32, #tpu.memory_space<hbm>>
      %dma_start3A_45 = tpu.memref_slice %arg7[%multiple_of3A] : memref<8704xf32, #tpu.memory_space<hbm>> -> memref<272xf32, #tpu.memory_space<hbm>>
      tpu.enqueue_dma source(%arg15 : memref<272xf32, #tpu.memory_space<vmem>>) target(%dma_start3A_45 : memref<272xf32, #tpu.memory_space<hbm>>) target_semaphore(%run_scoped3A : memref<!tpu.dma_semaphore, #tpu.memory_space<semaphore_mem>>)
      %dma_wait3A = tpu.memref_slice %arg7[%multiple_of3A] : memref<8704xf32, #tpu.memory_space<hbm>> -> memref<272xf32, #tpu.memory_space<hbm>>
      %dma_wait3A_46 = tpu.memref_slice %arg7[%multiple_of3A] : memref<8704xf32, #tpu.memory_space<hbm>> -> memref<272xf32, #tpu.memory_space<hbm>>
      tpu.wait_dma2 semaphore(%run_scoped3A : memref<!tpu.dma_semaphore, #tpu.memory_space<semaphore_mem>>) src(%arg15 : memref<272xf32, #tpu.memory_space<vmem>>) dst(%dma_wait3A_46 : memref<272xf32, #tpu.memory_space<hbm>>)
      tpu.yield
    }) : () -> ()
    "tpu.region"() ({
      %run_scoped3A = tpu.sem_alloc : memref<!tpu.dma_semaphore, #tpu.memory_space<semaphore_mem>>
      %dma_start3A = tpu.memref_slice %arg8[%multiple_of3A] : memref<8704xi32, #tpu.memory_space<hbm>> -> memref<272xi32, #tpu.memory_space<hbm>>
      %dma_start3A_45 = tpu.memref_slice %arg8[%multiple_of3A] : memref<8704xi32, #tpu.memory_space<hbm>> -> memref<272xi32, #tpu.memory_space<hbm>>
      tpu.enqueue_dma source(%arg16 : memref<272xi32, #tpu.memory_space<vmem>>) target(%dma_start3A_45 : memref<272xi32, #tpu.memory_space<hbm>>) target_semaphore(%run_scoped3A : memref<!tpu.dma_semaphore, #tpu.memory_space<semaphore_mem>>)
      %dma_wait3A = tpu.memref_slice %arg8[%multiple_of3A] : memref<8704xi32, #tpu.memory_space<hbm>> -> memref<272xi32, #tpu.memory_space<hbm>>
      %dma_wait3A_46 = tpu.memref_slice %arg8[%multiple_of3A] : memref<8704xi32, #tpu.memory_space<hbm>> -> memref<272xi32, #tpu.memory_space<hbm>>
      tpu.wait_dma2 semaphore(%run_scoped3A : memref<!tpu.dma_semaphore, #tpu.memory_space<semaphore_mem>>) src(%arg16 : memref<272xi32, #tpu.memory_space<vmem>>) dst(%dma_wait3A_46 : memref<272xi32, #tpu.memory_space<hbm>>)
      tpu.yield
    }) : () -> ()
    %mul3A_39 = arith.constant 2 : i32
    %mul3A_40 = arith.muli %arg1, %mul3A_39 : i32
    %add3A_41 = arith.addi %mul3A_40, %arg0 : i32
    %mul3A_42 = arith.constant 32 : i32
    %mul3A_43 = arith.muli %add3A_41, %mul3A_42 : i32
    %multiple_of3A_44 = tpu.assume_multiple %mul3A_43, 8 : i32
    "tpu.region"() ({
      %run_scoped3A = tpu.sem_alloc : memref<!tpu.dma_semaphore, #tpu.memory_space<semaphore_mem>>
      %dma_start3A = tpu.memref_slice %arg9[%multiple_of3A_44] : memref<1024xi32, #tpu.memory_space<hbm>> -> memref<32xi32, #tpu.memory_space<hbm>>
      %dma_start3A_45 = tpu.memref_slice %arg9[%multiple_of3A_44] : memref<1024xi32, #tpu.memory_space<hbm>> -> memref<32xi32, #tpu.memory_space<hbm>>
      tpu.enqueue_dma source(%arg17 : memref<32xi32, #tpu.memory_space<vmem>>) target(%dma_start3A_45 : memref<32xi32, #tpu.memory_space<hbm>>) target_semaphore(%run_scoped3A : memref<!tpu.dma_semaphore, #tpu.memory_space<semaphore_mem>>)
      %dma_wait3A = tpu.memref_slice %arg9[%multiple_of3A_44] : memref<1024xi32, #tpu.memory_space<hbm>> -> memref<32xi32, #tpu.memory_space<hbm>>
      %dma_wait3A_46 = tpu.memref_slice %arg9[%multiple_of3A_44] : memref<1024xi32, #tpu.memory_space<hbm>> -> memref<32xi32, #tpu.memory_space<hbm>>
      tpu.wait_dma2 semaphore(%run_scoped3A : memref<!tpu.dma_semaphore, #tpu.memory_space<semaphore_mem>>) src(%arg17 : memref<32xi32, #tpu.memory_space<vmem>>) dst(%dma_wait3A_46 : memref<32xi32, #tpu.memory_space<hbm>>)
      tpu.yield
    }) : () -> ()
    return
  }
}

#map = affine_map<(d0, d1) -> (0)>
#map1 = affine_map<(d0, d1) -> (0, 0)>
module attributes {stable_mosaic.version = 14 : i64} {
  func.func @_k7_gather(%arg0: i32, %arg1: i32, %arg2: memref<4096xi32, #tpu.memory_space<hbm>>, %arg3: memref<4096xf32, #tpu.memory_space<hbm>>, %arg4: memref<160000xi32, #tpu.memory_space<hbm>>, %arg5: memref<10000x256xf32, #tpu.memory_space<hbm>>, %arg6: memref<4096x256xf32, #tpu.memory_space<hbm>>, %arg7: memref<128xi32, #tpu.memory_space<vmem>>, %arg8: memref<128xi32, #tpu.memory_space<vmem>>, %arg9: memref<128xf32, #tpu.memory_space<vmem>>, %arg10: memref<128x256xf32, #tpu.memory_space<vmem>>, %arg11: memref<!tpu.dma_semaphore, #tpu.memory_space<semaphore_mem>>) attributes {dimension_semantics = [#tpu.dimension_semantics<core_parallel>, #tpu.dimension_semantics<subcore_parallel>], iteration_bounds = array<i64: 2, 16>, scalar_prefetch = 0 : i64, scratch_operands = 5 : i64, tpu.core_type = #tpu.core_type<sc_vector_subcore>, window_params = [{transform_indices = #map}, {transform_indices = #map}, {transform_indices = #map}, {transform_indices = #map1}, {transform_indices = #map1}]} {
    %mul3A = arith.constant 2 : i32
    %mul3A_0 = arith.muli %arg1, %mul3A : i32
    %add3A = arith.addi %mul3A_0, %arg0 : i32
    %mul3A_1 = arith.constant 128 : i32
    %mul3A_2 = arith.muli %add3A, %mul3A_1 : i32
    %multiple_of3A = tpu.assume_multiple %mul3A_2, 8 : i32
    "tpu.region"() ({
      %run_scoped3A = tpu.sem_alloc : memref<!tpu.dma_semaphore, #tpu.memory_space<semaphore_mem>>
      %dma_start3A_17 = tpu.memref_slice %arg2[%multiple_of3A] : memref<4096xi32, #tpu.memory_space<hbm>> -> memref<128xi32, #tpu.memory_space<hbm>>
      %dma_start3A_18 = tpu.memref_slice %arg2[%multiple_of3A] : memref<4096xi32, #tpu.memory_space<hbm>> -> memref<128xi32, #tpu.memory_space<hbm>>
      tpu.enqueue_dma source(%dma_start3A_18 : memref<128xi32, #tpu.memory_space<hbm>>) target(%arg7 : memref<128xi32, #tpu.memory_space<vmem>>) target_semaphore(%run_scoped3A : memref<!tpu.dma_semaphore, #tpu.memory_space<semaphore_mem>>)
      %dma_wait3A_19 = tpu.memref_slice %arg2[%multiple_of3A] : memref<4096xi32, #tpu.memory_space<hbm>> -> memref<128xi32, #tpu.memory_space<hbm>>
      %dma_wait3A_20 = tpu.memref_slice %arg2[%multiple_of3A] : memref<4096xi32, #tpu.memory_space<hbm>> -> memref<128xi32, #tpu.memory_space<hbm>>
      tpu.wait_dma2 semaphore(%run_scoped3A : memref<!tpu.dma_semaphore, #tpu.memory_space<semaphore_mem>>) src(%dma_wait3A_20 : memref<128xi32, #tpu.memory_space<hbm>>) dst(%arg7 : memref<128xi32, #tpu.memory_space<vmem>>)
      tpu.yield
    }) : () -> ()
    "tpu.region"() ({
      %run_scoped3A = tpu.sem_alloc : memref<!tpu.dma_semaphore, #tpu.memory_space<semaphore_mem>>
      %dma_start3A_17 = tpu.memref_slice %arg3[%multiple_of3A] : memref<4096xf32, #tpu.memory_space<hbm>> -> memref<128xf32, #tpu.memory_space<hbm>>
      %dma_start3A_18 = tpu.memref_slice %arg3[%multiple_of3A] : memref<4096xf32, #tpu.memory_space<hbm>> -> memref<128xf32, #tpu.memory_space<hbm>>
      tpu.enqueue_dma source(%dma_start3A_18 : memref<128xf32, #tpu.memory_space<hbm>>) target(%arg9 : memref<128xf32, #tpu.memory_space<vmem>>) target_semaphore(%run_scoped3A : memref<!tpu.dma_semaphore, #tpu.memory_space<semaphore_mem>>)
      %dma_wait3A_19 = tpu.memref_slice %arg3[%multiple_of3A] : memref<4096xf32, #tpu.memory_space<hbm>> -> memref<128xf32, #tpu.memory_space<hbm>>
      %dma_wait3A_20 = tpu.memref_slice %arg3[%multiple_of3A] : memref<4096xf32, #tpu.memory_space<hbm>> -> memref<128xf32, #tpu.memory_space<hbm>>
      tpu.wait_dma2 semaphore(%run_scoped3A : memref<!tpu.dma_semaphore, #tpu.memory_space<semaphore_mem>>) src(%dma_wait3A_20 : memref<128xf32, #tpu.memory_space<hbm>>) dst(%arg9 : memref<128xf32, #tpu.memory_space<vmem>>)
      tpu.yield
    }) : () -> ()
    %dma_start3A = arith.constant 0 : i32
    %dma_start3A_3 = tpu.memref_slice %arg4[%dma_start3A] : memref<160000xi32, #tpu.memory_space<hbm>> -> memref<160000xi32, #tpu.memory_space<hbm>>
    tpu.enqueue_indirect_dma source(%dma_start3A_3 : memref<160000xi32, #tpu.memory_space<hbm>>) target(%arg8 : memref<128xi32, #tpu.memory_space<vmem>>) offsets(%arg7 : memref<128xi32, #tpu.memory_space<vmem>>) semaphore(%arg11 : memref<!tpu.dma_semaphore, #tpu.memory_space<semaphore_mem>>)
    %dma_wait3A = arith.constant 0 : i32
    %dma_wait3A_4 = tpu.memref_slice %arg4[%dma_wait3A] : memref<160000xi32, #tpu.memory_space<hbm>> -> memref<160000xi32, #tpu.memory_space<hbm>>
    tpu.wait_indirect_dma semaphore(%arg11 : memref<!tpu.dma_semaphore, #tpu.memory_space<semaphore_mem>>) src(%dma_wait3A_4 : memref<160000xi32, #tpu.memory_space<hbm>>) dst(%arg8 : memref<128xi32, #tpu.memory_space<vmem>>)
    %dma_start3A_5 = arith.constant 0 : i32
    %dma_start3A_6 = arith.constant 0 : i32
    %dma_start3A_7 = tpu.memref_slice %arg5[%dma_start3A_5, %dma_start3A_6] : memref<10000x256xf32, #tpu.memory_space<hbm>> -> memref<10000x256xf32, #tpu.memory_space<hbm>>
    tpu.enqueue_indirect_dma source(%dma_start3A_7 : memref<10000x256xf32, #tpu.memory_space<hbm>>) target(%arg10 : memref<128x256xf32, #tpu.memory_space<vmem>>) offsets(%arg8 : memref<128xi32, #tpu.memory_space<vmem>>) semaphore(%arg11 : memref<!tpu.dma_semaphore, #tpu.memory_space<semaphore_mem>>)
    %dma_wait3A_8 = arith.constant 0 : i32
    %dma_wait3A_9 = arith.constant 0 : i32
    %dma_wait3A_10 = tpu.memref_slice %arg5[%dma_wait3A_8, %dma_wait3A_9] : memref<10000x256xf32, #tpu.memory_space<hbm>> -> memref<10000x256xf32, #tpu.memory_space<hbm>>
    tpu.wait_indirect_dma semaphore(%arg11 : memref<!tpu.dma_semaphore, #tpu.memory_space<semaphore_mem>>) src(%dma_wait3A_10 : memref<10000x256xf32, #tpu.memory_space<hbm>>) dst(%arg10 : memref<128x256xf32, #tpu.memory_space<vmem>>)
    %scan3A = arith.constant 0 : i32
    %scan3A_11 = arith.constant 0 : i32
    %scan3A_12 = arith.constant 128 : i32
    %scan3A_13 = arith.addi %scan3A_11, %scan3A_12 : i32
    %scan3A_14 = arith.constant 1 : i32
    %scan3A_15 = scf.for %scan3A_17 = %scan3A_11 to %scan3A_13 step %scan3A_14 iter_args(%scan3A_18 = %scan3A) -> (i32)  : i32 {
      %broadcast_in_dim3A = arith.constant 0 : i32
      %broadcast_in_dim3A_19 = vector.broadcast %broadcast_in_dim3A : i32 to vector<16xi32>
      %add3A_20 = vector.broadcast %scan3A_17 : i32 to vector<16xi32>
      %add3A_21 = arith.addi %broadcast_in_dim3A_19, %add3A_20 : vector<16xi32>
      %gather3A = tpu.vector_load_idx %arg9[%add3A_21] : memref<128xf32, #tpu.memory_space<vmem>>[vector<16xi32>], vector<16xf32>,
      %get3A = arith.index_cast %scan3A_17 : i32 to index
      %get3A_22 = arith.constant 0 : index
      %get3A_23 = tpu.vector_load %arg10[%get3A, %get3A_22] {strides = array<i32>} : memref<128x256xf32, #tpu.memory_space<vmem>>, vector<16xf32>,
      %mul3A_24 = arith.mulf %get3A_23, %gather3A : vector<16xf32>
      %swap3A = arith.index_cast %scan3A_17 : i32 to index
      %swap3A_25 = arith.constant 0 : index
      %swap3A_26 = tpu.vector_load %arg10[%swap3A, %swap3A_25] {strides = array<i32>} : memref<128x256xf32, #tpu.memory_space<vmem>>, vector<16xf32>,
      tpu.vector_store %arg10[%swap3A, %swap3A_25], %mul3A_24 {strides = array<i32>} : memref<128x256xf32, #tpu.memory_space<vmem>>, vector<16xf32>,
      %get3A_27 = arith.index_cast %scan3A_17 : i32 to index
      %get3A_28 = arith.constant 16 : index
      %get3A_29 = tpu.vector_load %arg10[%get3A_27, %get3A_28] {strides = array<i32>} : memref<128x256xf32, #tpu.memory_space<vmem>>, vector<16xf32>,
      %mul3A_30 = arith.mulf %get3A_29, %gather3A : vector<16xf32>
      %swap3A_31 = arith.index_cast %scan3A_17 : i32 to index
      %swap3A_32 = arith.constant 16 : index
      %swap3A_33 = tpu.vector_load %arg10[%swap3A_31, %swap3A_32] {strides = array<i32>} : memref<128x256xf32, #tpu.memory_space<vmem>>, vector<16xf32>,
      tpu.vector_store %arg10[%swap3A_31, %swap3A_32], %mul3A_30 {strides = array<i32>} : memref<128x256xf32, #tpu.memory_space<vmem>>, vector<16xf32>,
      %get3A_34 = arith.index_cast %scan3A_17 : i32 to index
      %get3A_35 = arith.constant 32 : index
      %get3A_36 = tpu.vector_load %arg10[%get3A_34, %get3A_35] {strides = array<i32>} : memref<128x256xf32, #tpu.memory_space<vmem>>, vector<16xf32>,
      %mul3A_37 = arith.mulf %get3A_36, %gather3A : vector<16xf32>
      %swap3A_38 = arith.index_cast %scan3A_17 : i32 to index
      %swap3A_39 = arith.constant 32 : index
      %swap3A_40 = tpu.vector_load %arg10[%swap3A_38, %swap3A_39] {strides = array<i32>} : memref<128x256xf32, #tpu.memory_space<vmem>>, vector<16xf32>,
      tpu.vector_store %arg10[%swap3A_38, %swap3A_39], %mul3A_37 {strides = array<i32>} : memref<128x256xf32, #tpu.memory_space<vmem>>, vector<16xf32>,
      %get3A_41 = arith.index_cast %scan3A_17 : i32 to index
      %get3A_42 = arith.constant 48 : index
      %get3A_43 = tpu.vector_load %arg10[%get3A_41, %get3A_42] {strides = array<i32>} : memref<128x256xf32, #tpu.memory_space<vmem>>, vector<16xf32>,
      %mul3A_44 = arith.mulf %get3A_43, %gather3A : vector<16xf32>
      %swap3A_45 = arith.index_cast %scan3A_17 : i32 to index
      %swap3A_46 = arith.constant 48 : index
      %swap3A_47 = tpu.vector_load %arg10[%swap3A_45, %swap3A_46] {strides = array<i32>} : memref<128x256xf32, #tpu.memory_space<vmem>>, vector<16xf32>,
      tpu.vector_store %arg10[%swap3A_45, %swap3A_46], %mul3A_44 {strides = array<i32>} : memref<128x256xf32, #tpu.memory_space<vmem>>, vector<16xf32>,
      %get3A_48 = arith.index_cast %scan3A_17 : i32 to index
      %get3A_49 = arith.constant 64 : index
      %get3A_50 = tpu.vector_load %arg10[%get3A_48, %get3A_49] {strides = array<i32>} : memref<128x256xf32, #tpu.memory_space<vmem>>, vector<16xf32>,
      %mul3A_51 = arith.mulf %get3A_50, %gather3A : vector<16xf32>
      %swap3A_52 = arith.index_cast %scan3A_17 : i32 to index
      %swap3A_53 = arith.constant 64 : index
      %swap3A_54 = tpu.vector_load %arg10[%swap3A_52, %swap3A_53] {strides = array<i32>} : memref<128x256xf32, #tpu.memory_space<vmem>>, vector<16xf32>,
      tpu.vector_store %arg10[%swap3A_52, %swap3A_53], %mul3A_51 {strides = array<i32>} : memref<128x256xf32, #tpu.memory_space<vmem>>, vector<16xf32>,
      %get3A_55 = arith.index_cast %scan3A_17 : i32 to index
      %get3A_56 = arith.constant 80 : index
      %get3A_57 = tpu.vector_load %arg10[%get3A_55, %get3A_56] {strides = array<i32>} : memref<128x256xf32, #tpu.memory_space<vmem>>, vector<16xf32>,
      %mul3A_58 = arith.mulf %get3A_57, %gather3A : vector<16xf32>
      %swap3A_59 = arith.index_cast %scan3A_17 : i32 to index
      %swap3A_60 = arith.constant 80 : index
      %swap3A_61 = tpu.vector_load %arg10[%swap3A_59, %swap3A_60] {strides = array<i32>} : memref<128x256xf32, #tpu.memory_space<vmem>>, vector<16xf32>,
      tpu.vector_store %arg10[%swap3A_59, %swap3A_60], %mul3A_58 {strides = array<i32>} : memref<128x256xf32, #tpu.memory_space<vmem>>, vector<16xf32>,
      %get3A_62 = arith.index_cast %scan3A_17 : i32 to index
      %get3A_63 = arith.constant 96 : index
      %get3A_64 = tpu.vector_load %arg10[%get3A_62, %get3A_63] {strides = array<i32>} : memref<128x256xf32, #tpu.memory_space<vmem>>, vector<16xf32>,
      %mul3A_65 = arith.mulf %get3A_64, %gather3A : vector<16xf32>
      %swap3A_66 = arith.index_cast %scan3A_17 : i32 to index
      %swap3A_67 = arith.constant 96 : index
      %swap3A_68 = tpu.vector_load %arg10[%swap3A_66, %swap3A_67] {strides = array<i32>} : memref<128x256xf32, #tpu.memory_space<vmem>>, vector<16xf32>,
      tpu.vector_store %arg10[%swap3A_66, %swap3A_67], %mul3A_65 {strides = array<i32>} : memref<128x256xf32, #tpu.memory_space<vmem>>, vector<16xf32>,
      %get3A_69 = arith.index_cast %scan3A_17 : i32 to index
      %get3A_70 = arith.constant 112 : index
      %get3A_71 = tpu.vector_load %arg10[%get3A_69, %get3A_70] {strides = array<i32>} : memref<128x256xf32, #tpu.memory_space<vmem>>, vector<16xf32>,
      %mul3A_72 = arith.mulf %get3A_71, %gather3A : vector<16xf32>
      %swap3A_73 = arith.index_cast %scan3A_17 : i32 to index
      %swap3A_74 = arith.constant 112 : index
      %swap3A_75 = tpu.vector_load %arg10[%swap3A_73, %swap3A_74] {strides = array<i32>} : memref<128x256xf32, #tpu.memory_space<vmem>>, vector<16xf32>,
      tpu.vector_store %arg10[%swap3A_73, %swap3A_74], %mul3A_72 {strides = array<i32>} : memref<128x256xf32, #tpu.memory_space<vmem>>, vector<16xf32>,
      %get3A_76 = arith.index_cast %scan3A_17 : i32 to index
      %get3A_77 = arith.constant 128 : index
      %get3A_78 = tpu.vector_load %arg10[%get3A_76, %get3A_77] {strides = array<i32>} : memref<128x256xf32, #tpu.memory_space<vmem>>, vector<16xf32>,
      %mul3A_79 = arith.mulf %get3A_78, %gather3A : vector<16xf32>
      %swap3A_80 = arith.index_cast %scan3A_17 : i32 to index
      %swap3A_81 = arith.constant 128 : index
      %swap3A_82 = tpu.vector_load %arg10[%swap3A_80, %swap3A_81] {strides = array<i32>} : memref<128x256xf32, #tpu.memory_space<vmem>>, vector<16xf32>,
      tpu.vector_store %arg10[%swap3A_80, %swap3A_81], %mul3A_79 {strides = array<i32>} : memref<128x256xf32, #tpu.memory_space<vmem>>, vector<16xf32>,
      %get3A_83 = arith.index_cast %scan3A_17 : i32 to index
      %get3A_84 = arith.constant 144 : index
      %get3A_85 = tpu.vector_load %arg10[%get3A_83, %get3A_84] {strides = array<i32>} : memref<128x256xf32, #tpu.memory_space<vmem>>, vector<16xf32>,
      %mul3A_86 = arith.mulf %get3A_85, %gather3A : vector<16xf32>
      %swap3A_87 = arith.index_cast %scan3A_17 : i32 to index
      %swap3A_88 = arith.constant 144 : index
      %swap3A_89 = tpu.vector_load %arg10[%swap3A_87, %swap3A_88] {strides = array<i32>} : memref<128x256xf32, #tpu.memory_space<vmem>>, vector<16xf32>,
      tpu.vector_store %arg10[%swap3A_87, %swap3A_88], %mul3A_86 {strides = array<i32>} : memref<128x256xf32, #tpu.memory_space<vmem>>, vector<16xf32>,
      %get3A_90 = arith.index_cast %scan3A_17 : i32 to index
      %get3A_91 = arith.constant 160 : index
      %get3A_92 = tpu.vector_load %arg10[%get3A_90, %get3A_91] {strides = array<i32>} : memref<128x256xf32, #tpu.memory_space<vmem>>, vector<16xf32>,
      %mul3A_93 = arith.mulf %get3A_92, %gather3A : vector<16xf32>
      %swap3A_94 = arith.index_cast %scan3A_17 : i32 to index
      %swap3A_95 = arith.constant 160 : index
      %swap3A_96 = tpu.vector_load %arg10[%swap3A_94, %swap3A_95] {strides = array<i32>} : memref<128x256xf32, #tpu.memory_space<vmem>>, vector<16xf32>,
      tpu.vector_store %arg10[%swap3A_94, %swap3A_95], %mul3A_93 {strides = array<i32>} : memref<128x256xf32, #tpu.memory_space<vmem>>, vector<16xf32>,
      %get3A_97 = arith.index_cast %scan3A_17 : i32 to index
      %get3A_98 = arith.constant 176 : index
      %get3A_99 = tpu.vector_load %arg10[%get3A_97, %get3A_98] {strides = array<i32>} : memref<128x256xf32, #tpu.memory_space<vmem>>, vector<16xf32>,
      %mul3A_100 = arith.mulf %get3A_99, %gather3A : vector<16xf32>
      %swap3A_101 = arith.index_cast %scan3A_17 : i32 to index
      %swap3A_102 = arith.constant 176 : index
      %swap3A_103 = tpu.vector_load %arg10[%swap3A_101, %swap3A_102] {strides = array<i32>} : memref<128x256xf32, #tpu.memory_space<vmem>>, vector<16xf32>,
      tpu.vector_store %arg10[%swap3A_101, %swap3A_102], %mul3A_100 {strides = array<i32>} : memref<128x256xf32, #tpu.memory_space<vmem>>, vector<16xf32>,
      %get3A_104 = arith.index_cast %scan3A_17 : i32 to index
      %get3A_105 = arith.constant 192 : index
      %get3A_106 = tpu.vector_load %arg10[%get3A_104, %get3A_105] {strides = array<i32>} : memref<128x256xf32, #tpu.memory_space<vmem>>, vector<16xf32>,
      %mul3A_107 = arith.mulf %get3A_106, %gather3A : vector<16xf32>
      %swap3A_108 = arith.index_cast %scan3A_17 : i32 to index
      %swap3A_109 = arith.constant 192 : index
      %swap3A_110 = tpu.vector_load %arg10[%swap3A_108, %swap3A_109] {strides = array<i32>} : memref<128x256xf32, #tpu.memory_space<vmem>>, vector<16xf32>,
      tpu.vector_store %arg10[%swap3A_108, %swap3A_109], %mul3A_107 {strides = array<i32>} : memref<128x256xf32, #tpu.memory_space<vmem>>, vector<16xf32>,
      %get3A_111 = arith.index_cast %scan3A_17 : i32 to index
      %get3A_112 = arith.constant 208 : index
      %get3A_113 = tpu.vector_load %arg10[%get3A_111, %get3A_112] {strides = array<i32>} : memref<128x256xf32, #tpu.memory_space<vmem>>, vector<16xf32>,
      %mul3A_114 = arith.mulf %get3A_113, %gather3A : vector<16xf32>
      %swap3A_115 = arith.index_cast %scan3A_17 : i32 to index
      %swap3A_116 = arith.constant 208 : index
      %swap3A_117 = tpu.vector_load %arg10[%swap3A_115, %swap3A_116] {strides = array<i32>} : memref<128x256xf32, #tpu.memory_space<vmem>>, vector<16xf32>,
      tpu.vector_store %arg10[%swap3A_115, %swap3A_116], %mul3A_114 {strides = array<i32>} : memref<128x256xf32, #tpu.memory_space<vmem>>, vector<16xf32>,
      %get3A_118 = arith.index_cast %scan3A_17 : i32 to index
      %get3A_119 = arith.constant 224 : index
      %get3A_120 = tpu.vector_load %arg10[%get3A_118, %get3A_119] {strides = array<i32>} : memref<128x256xf32, #tpu.memory_space<vmem>>, vector<16xf32>,
      %mul3A_121 = arith.mulf %get3A_120, %gather3A : vector<16xf32>
      %swap3A_122 = arith.index_cast %scan3A_17 : i32 to index
      %swap3A_123 = arith.constant 224 : index
      %swap3A_124 = tpu.vector_load %arg10[%swap3A_122, %swap3A_123] {strides = array<i32>} : memref<128x256xf32, #tpu.memory_space<vmem>>, vector<16xf32>,
      tpu.vector_store %arg10[%swap3A_122, %swap3A_123], %mul3A_121 {strides = array<i32>} : memref<128x256xf32, #tpu.memory_space<vmem>>, vector<16xf32>,
      %get3A_125 = arith.index_cast %scan3A_17 : i32 to index
      %get3A_126 = arith.constant 240 : index
      %get3A_127 = tpu.vector_load %arg10[%get3A_125, %get3A_126] {strides = array<i32>} : memref<128x256xf32, #tpu.memory_space<vmem>>, vector<16xf32>,
      %mul3A_128 = arith.mulf %get3A_127, %gather3A : vector<16xf32>
      %swap3A_129 = arith.index_cast %scan3A_17 : i32 to index
      %swap3A_130 = arith.constant 240 : index
      %swap3A_131 = tpu.vector_load %arg10[%swap3A_129, %swap3A_130] {strides = array<i32>} : memref<128x256xf32, #tpu.memory_space<vmem>>, vector<16xf32>,
      tpu.vector_store %arg10[%swap3A_129, %swap3A_130], %mul3A_128 {strides = array<i32>} : memref<128x256xf32, #tpu.memory_space<vmem>>, vector<16xf32>,
      %scan3A_132 = arith.constant 0 : i32
      scf.yield %scan3A_132 : i32
    }
    %scan3A_16 = arith.constant 128 : i32
    "tpu.region"() ({
      %run_scoped3A = tpu.sem_alloc : memref<!tpu.dma_semaphore, #tpu.memory_space<semaphore_mem>>
      %dma_start3A_17 = arith.constant 0 : i32
      %dma_start3A_18 = tpu.memref_slice %arg6[%multiple_of3A, %dma_start3A_17] : memref<4096x256xf32, #tpu.memory_space<hbm>> -> memref<128x256xf32, #tpu.memory_space<hbm>>
      %dma_start3A_19 = arith.constant 0 : i32
      %dma_start3A_20 = tpu.memref_slice %arg6[%multiple_of3A, %dma_start3A_19] : memref<4096x256xf32, #tpu.memory_space<hbm>> -> memref<128x256xf32, #tpu.memory_space<hbm>>
      tpu.enqueue_dma source(%arg10 : memref<128x256xf32, #tpu.memory_space<vmem>>) target(%dma_start3A_20 : memref<128x256xf32, #tpu.memory_space<hbm>>) target_semaphore(%run_scoped3A : memref<!tpu.dma_semaphore, #tpu.memory_space<semaphore_mem>>)
      %dma_wait3A_21 = arith.constant 0 : i32
      %dma_wait3A_22 = tpu.memref_slice %arg6[%multiple_of3A, %dma_wait3A_21] : memref<4096x256xf32, #tpu.memory_space<hbm>> -> memref<128x256xf32, #tpu.memory_space<hbm>>
      %dma_wait3A_23 = arith.constant 0 : i32
      %dma_wait3A_24 = tpu.memref_slice %arg6[%multiple_of3A, %dma_wait3A_23] : memref<4096x256xf32, #tpu.memory_space<hbm>> -> memref<128x256xf32, #tpu.memory_space<hbm>>
      tpu.wait_dma2 semaphore(%run_scoped3A : memref<!tpu.dma_semaphore, #tpu.memory_space<semaphore_mem>>) src(%arg10 : memref<128x256xf32, #tpu.memory_space<vmem>>) dst(%dma_wait3A_24 : memref<128x256xf32, #tpu.memory_space<hbm>>)
      tpu.yield
    }) : () -> ()
    return
  }
}

module attributes {stable_mosaic.version = 14 : i64} {
  func.func @_k4_body(%arg0: memref<16x160000xf32, #tpu.memory_space<vmem>>, %arg1: memref<16x1xf32, #tpu.memory_space<vmem>>, %arg2: memref<16x1xi32, #tpu.memory_space<vmem>>, %arg3: memref<16x1xi32, #tpu.memory_space<vmem>>) attributes {dimension_semantics = [], scalar_prefetch = 0 : i64, scratch_operands = 0 : i64, tpu.core_type = #tpu.core_type<tc>} {
    %broadcast_in_dim3A = arith.constant 1073741824 : i32
    %broadcast_in_dim3A_0 = vector.broadcast %broadcast_in_dim3A : i32 to vector<16x1xi32>
    %broadcast_in_dim3A_1 = arith.constant 0 : i32
    %broadcast_in_dim3A_2 = vector.broadcast %broadcast_in_dim3A_1 : i32 to vector<16x1xi32>
    %scan3A = arith.constant 0 : i32
    %scan3A_3 = arith.constant 2 : i32
    %scan3A_4 = arith.addi %scan3A, %scan3A_3 : i32
    %scan3A_5 = arith.constant 1 : i32
    %scan3A_6 = scf.for %scan3A_40 = %scan3A to %scan3A_4 step %scan3A_5 iter_args(%scan3A_41 = %broadcast_in_dim3A_2) -> (vector<16x1xi32>)  : i32 {
      %mul3A = arith.constant 80000 : i32
      %mul3A_42 = arith.muli %scan3A_40, %mul3A : i32
      %get3A = arith.constant 0 : index
      %get3A_43 = arith.index_cast %mul3A_42 : i32 to index
      %get3A_44 = vector.load %arg0[%get3A, %get3A_43] : memref<16x160000xf32, #tpu.memory_space<vmem>>, vector<16x80000xf32>
      %bitcast_convert_type3A_45 = tpu.bitcast %get3A_44 : vector<16x80000xf32> -> vector<16x80000xi32>
      %ge3A_46 = vector.broadcast %broadcast_in_dim3A_0 : vector<16x1xi32> to vector<16x80000xi32>
      %ge3A_47 = arith.cmpi sge, %bitcast_convert_type3A_45, %ge3A_46 : vector<16x80000xi32>
      %convert_element_type3A = arith.extui %ge3A_47 : vector<16x80000xi1> to vector<16x80000xi32>
      %reduce_sum3A = arith.constant dense<0> : vector<16xi32>
      %reduce_sum3A_48 = vector.multi_reduction <add>, %convert_element_type3A, %reduce_sum3A [1] : vector<16x80000xi32> to vector<16xi32>
      %broadcast_in_dim3A_49 = vector.shape_cast %reduce_sum3A_48 : vector<16xi32> to vector<16x1xi32>
      %add3A_50 = arith.addi %scan3A_41, %broadcast_in_dim3A_49 : vector<16x1xi32>
      scf.yield %add3A_50 : vector<16x1xi32>
    }
    %scan3A_7 = arith.constant 2 : i32
    %ge3A = arith.constant 256 : i32
    %ge3A_8 = vector.broadcast %ge3A : i32 to vector<16x1xi32>
    %ge3A_9 = arith.cmpi sge, %scan3A_6, %ge3A_8 : vector<16x1xi32>
    %broadcast_in_dim3A_10 = arith.constant 1073741824 : i32
    %broadcast_in_dim3A_11 = vector.broadcast %broadcast_in_dim3A_10 : i32 to vector<16x1xi32>
    %broadcast_in_dim3A_12 = arith.constant 0 : i32
    %broadcast_in_dim3A_13 = vector.broadcast %broadcast_in_dim3A_12 : i32 to vector<16x1xi32>
    %select_n3A = arith.select %ge3A_9, %broadcast_in_dim3A_11, %broadcast_in_dim3A_13 : vector<16x1xi1>, vector<16x1xi32>
    %scan3A_14 = arith.constant 0 : i32
    %scan3A_15 = arith.constant 15 : i32
    %scan3A_16 = arith.addi %scan3A_14, %scan3A_15 : i32
    %scan3A_17 = arith.constant 1 : i32
    %scan3A_18 = scf.for %scan3A_40 = %scan3A_14 to %scan3A_16 step %scan3A_17 iter_args(%scan3A_41 = %select_n3A) -> (vector<16x1xi32>)  : i32 {
      %mul3A = arith.constant 2 : i32
      %mul3A_42 = arith.muli %mul3A, %scan3A_40 : i32
      %sub3A_43 = arith.constant 28 : i32
      %sub3A_44 = arith.subi %sub3A_43, %mul3A_42 : i32
      %shift_left3A = arith.constant 1 : i32
      %shift_left3A_45 = arith.shli %shift_left3A, %sub3A_44 : i32
      %or3A = vector.broadcast %shift_left3A_45 : i32 to vector<16x1xi32>
      %or3A_46 = arith.ori %scan3A_41, %or3A : vector<16x1xi32>
      %shift_left3A_47 = arith.constant 2 : i32
      %shift_left3A_48 = arith.shli %shift_left3A_47, %sub3A_44 : i32
      %or3A_49 = vector.broadcast %shift_left3A_48 : i32 to vector<16x1xi32>
      %or3A_50 = arith.ori %scan3A_41, %or3A_49 : vector<16x1xi32>
      %shift_left3A_51 = arith.constant 3 : i32
      %shift_left3A_52 = arith.shli %shift_left3A_51, %sub3A_44 : i32
      %or3A_53 = vector.broadcast %shift_left3A_52 : i32 to vector<16x1xi32>
      %or3A_54 = arith.ori %scan3A_41, %or3A_53 : vector<16x1xi32>
      %broadcast_in_dim3A_55 = arith.constant 0 : i32
      %broadcast_in_dim3A_56 = vector.broadcast %broadcast_in_dim3A_55 : i32 to vector<16x1xi32>
      %scan3A_57 = arith.constant 0 : i32
      %scan3A_58 = arith.constant 2 : i32
      %scan3A_59 = arith.addi %scan3A_57, %scan3A_58 : i32
      %scan3A_60 = arith.constant 1 : i32
      %scan3A_61:3 = scf.for %scan3A_75 = %scan3A_57 to %scan3A_59 step %scan3A_60 iter_args(%scan3A_76 = %broadcast_in_dim3A_56, %scan3A_77 = %broadcast_in_dim3A_56, %scan3A_78 = %broadcast_in_dim3A_56) -> (vector<16x1xi32>, vector<16x1xi32>, vector<16x1xi32>)  : i32 {
        %mul3A_79 = arith.constant 80000 : i32
        %mul3A_80 = arith.muli %scan3A_75, %mul3A_79 : i32
        %get3A = arith.constant 0 : index
        %get3A_81 = arith.index_cast %mul3A_80 : i32 to index
        %get3A_82 = vector.load %arg0[%get3A, %get3A_81] : memref<16x160000xf32, #tpu.memory_space<vmem>>, vector<16x80000xf32>
        %bitcast_convert_type3A_83 = tpu.bitcast %get3A_82 : vector<16x80000xf32> -> vector<16x80000xi32>
        %ge3A_84 = vector.broadcast %or3A_46 : vector<16x1xi32> to vector<16x80000xi32>
        %ge3A_85 = arith.cmpi sge, %bitcast_convert_type3A_83, %ge3A_84 : vector<16x80000xi32>
        %convert_element_type3A = arith.extui %ge3A_85 : vector<16x80000xi1> to vector<16x80000xi32>
        %reduce_sum3A = arith.constant dense<0> : vector<16xi32>
        %reduce_sum3A_86 = vector.multi_reduction <add>, %convert_element_type3A, %reduce_sum3A [1] : vector<16x80000xi32> to vector<16xi32>
        %broadcast_in_dim3A_87 = vector.shape_cast %reduce_sum3A_86 : vector<16xi32> to vector<16x1xi32>
        %add3A_88 = arith.addi %scan3A_76, %broadcast_in_dim3A_87 : vector<16x1xi32>
        %ge3A_89 = vector.broadcast %or3A_50 : vector<16x1xi32> to vector<16x80000xi32>
        %ge3A_90 = arith.cmpi sge, %bitcast_convert_type3A_83, %ge3A_89 : vector<16x80000xi32>
        %convert_element_type3A_91 = arith.extui %ge3A_90 : vector<16x80000xi1> to vector<16x80000xi32>
        %reduce_sum3A_92 = arith.constant dense<0> : vector<16xi32>
        %reduce_sum3A_93 = vector.multi_reduction <add>, %convert_element_type3A_91, %reduce_sum3A_92 [1] : vector<16x80000xi32> to vector<16xi32>
        %broadcast_in_dim3A_94 = vector.shape_cast %reduce_sum3A_93 : vector<16xi32> to vector<16x1xi32>
        %add3A_95 = arith.addi %scan3A_77, %broadcast_in_dim3A_94 : vector<16x1xi32>
        %ge3A_96 = vector.broadcast %or3A_54 : vector<16x1xi32> to vector<16x80000xi32>
        %ge3A_97 = arith.cmpi sge, %bitcast_convert_type3A_83, %ge3A_96 : vector<16x80000xi32>
        %convert_element_type3A_98 = arith.extui %ge3A_97 : vector<16x80000xi1> to vector<16x80000xi32>
        %reduce_sum3A_99 = arith.constant dense<0> : vector<16xi32>
        %reduce_sum3A_100 = vector.multi_reduction <add>, %convert_element_type3A_98, %reduce_sum3A_99 [1] : vector<16x80000xi32> to vector<16xi32>
        %broadcast_in_dim3A_101 = vector.shape_cast %reduce_sum3A_100 : vector<16xi32> to vector<16x1xi32>
        %add3A_102 = arith.addi %scan3A_78, %broadcast_in_dim3A_101 : vector<16x1xi32>
        scf.yield %add3A_88, %add3A_95, %add3A_102 : vector<16x1xi32>, vector<16x1xi32>, vector<16x1xi32>
      }
      %scan3A_62 = arith.constant 2 : i32
      %ge3A_63 = arith.constant 256 : i32
      %ge3A_64 = vector.broadcast %ge3A_63 : i32 to vector<16x1xi32>
      %ge3A_65 = arith.cmpi sge, %scan3A_61#2, %ge3A_64 : vector<16x1xi32>
      %ge3A_66 = arith.constant 256 : i32
      %ge3A_67 = vector.broadcast %ge3A_66 : i32 to vector<16x1xi32>
      %ge3A_68 = arith.cmpi sge, %scan3A_61#1, %ge3A_67 : vector<16x1xi32>
      %ge3A_69 = arith.constant 256 : i32
      %ge3A_70 = vector.broadcast %ge3A_69 : i32 to vector<16x1xi32>
      %ge3A_71 = arith.cmpi sge, %scan3A_61#0, %ge3A_70 : vector<16x1xi32>
      %select_n3A_72 = arith.select %ge3A_71, %or3A_46, %scan3A_41 : vector<16x1xi1>, vector<16x1xi32>
      %select_n3A_73 = arith.select %ge3A_68, %or3A_50, %select_n3A_72 : vector<16x1xi1>, vector<16x1xi32>
      %select_n3A_74 = arith.select %ge3A_65, %or3A_54, %select_n3A_73 : vector<16x1xi1>, vector<16x1xi32>
      scf.yield %select_n3A_74 : vector<16x1xi32>
    }
    %scan3A_19 = arith.constant 15 : i32
    %add3A = arith.constant 1 : i32
    %add3A_20 = vector.broadcast %add3A : i32 to vector<16x1xi32>
    %add3A_21 = arith.addi %scan3A_18, %add3A_20 : vector<16x1xi32>
    %broadcast_in_dim3A_22 = arith.constant 0 : i32
    %broadcast_in_dim3A_23 = vector.broadcast %broadcast_in_dim3A_22 : i32 to vector<16x1xi32>
    %scan3A_24 = arith.constant 0 : i32
    %scan3A_25 = arith.constant 2 : i32
    %scan3A_26 = arith.addi %scan3A_24, %scan3A_25 : i32
    %scan3A_27 = arith.constant 1 : i32
    %scan3A_28 = scf.for %scan3A_40 = %scan3A_24 to %scan3A_26 step %scan3A_27 iter_args(%scan3A_41 = %broadcast_in_dim3A_23) -> (vector<16x1xi32>)  : i32 {
      %mul3A = arith.constant 80000 : i32
      %mul3A_42 = arith.muli %scan3A_40, %mul3A : i32
      %get3A = arith.constant 0 : index
      %get3A_43 = arith.index_cast %mul3A_42 : i32 to index
      %get3A_44 = vector.load %arg0[%get3A, %get3A_43] : memref<16x160000xf32, #tpu.memory_space<vmem>>, vector<16x80000xf32>
      %bitcast_convert_type3A_45 = tpu.bitcast %get3A_44 : vector<16x80000xf32> -> vector<16x80000xi32>
      %ge3A_46 = vector.broadcast %add3A_21 : vector<16x1xi32> to vector<16x80000xi32>
      %ge3A_47 = arith.cmpi sge, %bitcast_convert_type3A_45, %ge3A_46 : vector<16x80000xi32>
      %convert_element_type3A = arith.extui %ge3A_47 : vector<16x80000xi1> to vector<16x80000xi32>
      %reduce_sum3A = arith.constant dense<0> : vector<16xi32>
      %reduce_sum3A_48 = vector.multi_reduction <add>, %convert_element_type3A, %reduce_sum3A [1] : vector<16x80000xi32> to vector<16xi32>
      %broadcast_in_dim3A_49 = vector.shape_cast %reduce_sum3A_48 : vector<16xi32> to vector<16x1xi32>
      %add3A_50 = arith.addi %scan3A_41, %broadcast_in_dim3A_49 : vector<16x1xi32>
      scf.yield %add3A_50 : vector<16x1xi32>
    }
    %scan3A_29 = arith.constant 2 : i32
    %bitcast_convert_type3A = tpu.bitcast %scan3A_18 : vector<16x1xi32> -> vector<16x1xf32>
    %swap3A = arith.constant 0 : index
    %swap3A_30 = arith.constant 0 : index
    %swap3A_31 = vector.load %arg1[%swap3A, %swap3A_30] : memref<16x1xf32, #tpu.memory_space<vmem>>, vector<16x1xf32>
    tpu.vector_store %arg1[%swap3A, %swap3A_30], %bitcast_convert_type3A {strides = array<i32>} : memref<16x1xf32, #tpu.memory_space<vmem>>, vector<16x1xf32>,
    %swap3A_32 = arith.constant 0 : index
    %swap3A_33 = arith.constant 0 : index
    %swap3A_34 = vector.load %arg2[%swap3A_32, %swap3A_33] : memref<16x1xi32, #tpu.memory_space<vmem>>, vector<16x1xi32>
    tpu.vector_store %arg2[%swap3A_32, %swap3A_33], %scan3A_28 {strides = array<i32>} : memref<16x1xi32, #tpu.memory_space<vmem>>, vector<16x1xi32>,
    %sub3A = arith.constant 256 : i32
    %sub3A_35 = vector.broadcast %sub3A : i32 to vector<16x1xi32>
    %sub3A_36 = arith.subi %sub3A_35, %scan3A_28 : vector<16x1xi32>
    %swap3A_37 = arith.constant 0 : index
    %swap3A_38 = arith.constant 0 : index
    %swap3A_39 = vector.load %arg3[%swap3A_37, %swap3A_38] : memref<16x1xi32, #tpu.memory_space<vmem>>, vector<16x1xi32>
    tpu.vector_store %arg3[%swap3A_37, %swap3A_38], %sub3A_36 {strides = array<i32>} : memref<16x1xi32, #tpu.memory_space<vmem>>, vector<16x1xi32>,
    return
  }
}

module attributes {stable_mosaic.version = 14 : i64} {
  func.func @_k6_body(%arg0: i32, %arg1: memref<1x1x1088xf32, #tpu.memory_space<vmem>>, %arg2: memref<1x1088x1xf32, #tpu.memory_space<vmem>>, %arg3: memref<1x1x1088xf32, #tpu.memory_space<vmem>>, %arg4: memref<1x1088x1xf32, #tpu.memory_space<vmem>>, %arg5: memref<1x1x64xi32, #tpu.memory_space<vmem>>, %arg6: memref<1x1x1xf32, #tpu.memory_space<vmem>>, %arg7: memref<1x1x256xf32, #tpu.memory_space<vmem>>, %arg8: memref<1x1x256xf32, #tpu.memory_space<vmem>>) attributes {dimension_semantics = [#tpu.dimension_semantics<arbitrary>], iteration_bounds = array<i64: 16>, scalar_prefetch = 0 : i64, scratch_operands = 0 : i64, tpu.core_type = #tpu.core_type<tc>, window_params = [{transform_indices = @transform_0, window_bounds = array<i64: 1, 1, 1088>}, {transform_indices = @transform_1, window_bounds = array<i64: 1, 1088, 1>}, {transform_indices = @transform_2, window_bounds = array<i64: 1, 1, 1088>}, {transform_indices = @transform_3, window_bounds = array<i64: 1, 1088, 1>}, {transform_indices = @transform_4, window_bounds = array<i64: 1, 1, 64>}, {pipeline_mode = #tpu.pipeline_mode<synchronous>, transform_indices = @transform_5, window_bounds = array<i64: 1, 1, 1>}, {transform_indices = @transform_6, window_bounds = array<i64: 1, 1, 256>}, {transform_indices = @transform_7, window_bounds = array<i64: 1, 1, 256>}]} {
    %get3A = arith.constant 0 : index
    %get3A_0 = arith.constant 0 : index
    %get3A_1 = arith.constant 0 : index
    %get3A_2 = vector.load %arg1[%get3A, %get3A_0, %get3A_1] : memref<1x1x1088xf32, #tpu.memory_space<vmem>>, vector<1x1x1088xf32>
    %get3A_3 = vector.shape_cast %get3A_2 : vector<1x1x1088xf32> to vector<1x1088xf32>
    %get3A_4 = arith.constant 0 : index
    %get3A_5 = arith.constant 0 : index
    %get3A_6 = arith.constant 0 : index
    %get3A_7 = vector.load %arg2[%get3A_4, %get3A_5, %get3A_6] : memref<1x1088x1xf32, #tpu.memory_space<vmem>>, vector<1x1088x1xf32>
    %get3A_8 = vector.shape_cast %get3A_7 : vector<1x1088x1xf32> to vector<1088x1xf32>
    %get3A_9 = arith.constant 0 : index
    %get3A_10 = arith.constant 0 : index
    %get3A_11 = arith.constant 0 : index
    %get3A_12 = vector.load %arg3[%get3A_9, %get3A_10, %get3A_11] : memref<1x1x1088xf32, #tpu.memory_space<vmem>>, vector<1x1x1088xf32>
    %get3A_13 = vector.shape_cast %get3A_12 : vector<1x1x1088xf32> to vector<1x1088xf32>
    %get3A_14 = arith.constant 0 : index
    %get3A_15 = arith.constant 0 : index
    %get3A_16 = arith.constant 0 : index
    %get3A_17 = vector.load %arg4[%get3A_14, %get3A_15, %get3A_16] : memref<1x1088x1xf32, #tpu.memory_space<vmem>>, vector<1x1088x1xf32>
    %get3A_18 = vector.shape_cast %get3A_17 : vector<1x1088x1xf32> to vector<1088x1xf32>
    %get3A_19 = arith.constant 0 : index
    %get3A_20 = arith.constant 0 : index
    %get3A_21 = arith.constant 0 : index
    %get3A_22 = vector.load %arg5[%get3A_19, %get3A_20, %get3A_21] : memref<1x1x64xi32, #tpu.memory_space<vmem>>, vector<1x1x64xi32>
    %get3A_23 = vector.shape_cast %get3A_22 : vector<1x1x64xi32> to vector<1x64xi32>
    %slice3A = vector.extract_strided_slice %get3A_23 {offsets = [0, 0], sizes = [1, 16], strides = [1, 1]} : vector<1x64xi32> to vector<1x16xi32>
    %reduce_max3A = vector.shape_cast %slice3A : vector<1x16xi32> to vector<1x1x16xi32>
    %reduce_max3A_24 = arith.constant dense<-2147483648> : vector<1xi32>
    %reduce_max3A_25 = vector.multi_reduction <maxsi>, %reduce_max3A, %reduce_max3A_24 [1, 2] : vector<1x1x16xi32> to vector<1xi32>
    %reduce_max3A_26 = vector.shape_cast %reduce_max3A_25 : vector<1xi32> to vector<1x1x1xi32>
    %reduce_max3A_27 = vector.extract %reduce_max3A_26[0, 0, 0] : i32 from vector<1x1x1xi32>
    %slice3A_28 = vector.extract_strided_slice %get3A_23 {offsets = [0, 16], sizes = [1, 16], strides = [1, 1]} : vector<1x64xi32> to vector<1x16xi32>
    %reduce_max3A_29 = vector.shape_cast %slice3A_28 : vector<1x16xi32> to vector<1x1x16xi32>
    %reduce_max3A_30 = arith.constant dense<-2147483648> : vector<1xi32>
    %reduce_max3A_31 = vector.multi_reduction <maxsi>, %reduce_max3A_29, %reduce_max3A_30 [1, 2] : vector<1x1x16xi32> to vector<1xi32>
    %reduce_max3A_32 = vector.shape_cast %reduce_max3A_31 : vector<1xi32> to vector<1x1x1xi32>
    %reduce_max3A_33 = vector.extract %reduce_max3A_32[0, 0, 0] : i32 from vector<1x1x1xi32>
    %slice3A_34 = vector.extract_strided_slice %get3A_23 {offsets = [0, 32], sizes = [1, 16], strides = [1, 1]} : vector<1x64xi32> to vector<1x16xi32>
    %reduce_max3A_35 = vector.shape_cast %slice3A_34 : vector<1x16xi32> to vector<1x1x16xi32>
    %reduce_max3A_36 = arith.constant dense<-2147483648> : vector<1xi32>
    %reduce_max3A_37 = vector.multi_reduction <maxsi>, %reduce_max3A_35, %reduce_max3A_36 [1, 2] : vector<1x1x16xi32> to vector<1xi32>
    %reduce_max3A_38 = vector.shape_cast %reduce_max3A_37 : vector<1xi32> to vector<1x1x1xi32>
    %reduce_max3A_39 = vector.extract %reduce_max3A_38[0, 0, 0] : i32 from vector<1x1x1xi32>
    %sub3A = arith.constant 256 : i32
    %sub3A_40 = arith.subi %sub3A, %reduce_max3A_27 : i32
    %sub3A_41 = arith.subi %sub3A_40, %reduce_max3A_39 : i32
    %min3A = arith.minsi %sub3A_41, %reduce_max3A_33 : i32
    %sub3A_42 = arith.subi %sub3A_41, %reduce_max3A_33 : i32
    %iota3A = tpu.iota {dimensions = array<i32: 1>} : vector<1x1088xi32>
    %lt3A = vector.broadcast %reduce_max3A_27 : i32 to vector<1x1088xi32>
    %lt3A_43 = arith.cmpi slt, %iota3A, %lt3A : vector<1x1088xi32>
    %jit3A = arith.constant 1 : i32
    %jit3A_44 = arith.constant 0 : i32
    %broadcast_in_dim3A = vector.broadcast %jit3A : i32 to vector<1x1088xi32>
    %broadcast_in_dim3A_45 = vector.broadcast %jit3A_44 : i32 to vector<1x1088xi32>
    %select_n3A = arith.select %lt3A_43, %broadcast_in_dim3A, %broadcast_in_dim3A_45 : vector<1x1088xi1>, vector<1x1088xi32>
    %sub3A_46 = arith.constant 272 : i32
    %sub3A_47 = vector.broadcast %sub3A_46 : i32 to vector<1x1088xi32>
    %sub3A_48 = arith.subi %iota3A, %sub3A_47 : vector<1x1088xi32>
    %lt3A_49 = vector.broadcast %reduce_max3A_39 : i32 to vector<1x1088xi32>
    %lt3A_50 = arith.cmpi slt, %sub3A_48, %lt3A_49 : vector<1x1088xi32>
    %jit3A_51 = arith.constant 1 : i32
    %jit3A_52 = arith.constant 0 : i32
    %broadcast_in_dim3A_53 = vector.broadcast %jit3A_51 : i32 to vector<1x1088xi32>
    %broadcast_in_dim3A_54 = vector.broadcast %jit3A_52 : i32 to vector<1x1088xi32>
    %select_n3A_55 = arith.select %lt3A_50, %broadcast_in_dim3A_53, %broadcast_in_dim3A_54 : vector<1x1088xi1>, vector<1x1088xi32>
    %sub3A_56 = arith.constant 544 : i32
    %sub3A_57 = vector.broadcast %sub3A_56 : i32 to vector<1x1088xi32>
    %sub3A_58 = arith.subi %iota3A, %sub3A_57 : vector<1x1088xi32>
    %lt3A_59 = vector.broadcast %min3A : i32 to vector<1x1088xi32>
    %lt3A_60 = arith.cmpi slt, %sub3A_58, %lt3A_59 : vector<1x1088xi32>
    %jit3A_61 = arith.constant 1 : i32
    %jit3A_62 = arith.constant 0 : i32
    %broadcast_in_dim3A_63 = vector.broadcast %jit3A_61 : i32 to vector<1x1088xi32>
    %broadcast_in_dim3A_64 = vector.broadcast %jit3A_62 : i32 to vector<1x1088xi32>
    %select_n3A_65 = arith.select %lt3A_60, %broadcast_in_dim3A_63, %broadcast_in_dim3A_64 : vector<1x1088xi1>, vector<1x1088xi32>
    %sub3A_66 = arith.constant 816 : i32
    %sub3A_67 = vector.broadcast %sub3A_66 : i32 to vector<1x1088xi32>
    %sub3A_68 = arith.subi %iota3A, %sub3A_67 : vector<1x1088xi32>
    %lt3A_69 = vector.broadcast %sub3A_42 : i32 to vector<1x1088xi32>
    %lt3A_70 = arith.cmpi slt, %sub3A_68, %lt3A_69 : vector<1x1088xi32>
    %jit3A_71 = arith.constant 1 : i32
    %jit3A_72 = arith.constant 0 : i32
    %broadcast_in_dim3A_73 = vector.broadcast %jit3A_71 : i32 to vector<1x1088xi32>
    %broadcast_in_dim3A_74 = vector.broadcast %jit3A_72 : i32 to vector<1x1088xi32>
    %select_n3A_75 = arith.select %lt3A_70, %broadcast_in_dim3A_73, %broadcast_in_dim3A_74 : vector<1x1088xi1>, vector<1x1088xi32>
    %lt3A_76 = arith.constant 272 : i32
    %lt3A_77 = vector.broadcast %lt3A_76 : i32 to vector<1x1088xi32>
    %lt3A_78 = arith.cmpi slt, %iota3A, %lt3A_77 : vector<1x1088xi32>
    %select_n3A_79 = arith.select %lt3A_78, %select_n3A, %select_n3A_55 : vector<1x1088xi1>, vector<1x1088xi32>
    %lt3A_80 = arith.constant 816 : i32
    %lt3A_81 = vector.broadcast %lt3A_80 : i32 to vector<1x1088xi32>
    %lt3A_82 = arith.cmpi slt, %iota3A, %lt3A_81 : vector<1x1088xi32>
    %select_n3A_83 = arith.select %lt3A_82, %select_n3A_65, %select_n3A_75 : vector<1x1088xi1>, vector<1x1088xi32>
    %lt3A_84 = arith.constant 544 : i32
    %lt3A_85 = vector.broadcast %lt3A_84 : i32 to vector<1x1088xi32>
    %lt3A_86 = arith.cmpi slt, %iota3A, %lt3A_85 : vector<1x1088xi32>
    %select_n3A_87 = arith.select %lt3A_86, %select_n3A_79, %select_n3A_83 : vector<1x1088xi1>, vector<1x1088xi32>
    %iota3A_88 = tpu.iota {dimensions = array<i32: 0>} : vector<1088x1xi32>
    %lt3A_89 = vector.broadcast %reduce_max3A_27 : i32 to vector<1088x1xi32>
    %lt3A_90 = arith.cmpi slt, %iota3A_88, %lt3A_89 : vector<1088x1xi32>
    %jit3A_91 = arith.constant 1 : i32
    %jit3A_92 = arith.constant 0 : i32
    %broadcast_in_dim3A_93 = vector.broadcast %jit3A_91 : i32 to vector<1088x1xi32>
    %broadcast_in_dim3A_94 = vector.broadcast %jit3A_92 : i32 to vector<1088x1xi32>
    %select_n3A_95 = arith.select %lt3A_90, %broadcast_in_dim3A_93, %broadcast_in_dim3A_94 : vector<1088x1xi1>, vector<1088x1xi32>
    %sub3A_96 = arith.constant 272 : i32
    %sub3A_97 = vector.broadcast %sub3A_96 : i32 to vector<1088x1xi32>
    %sub3A_98 = arith.subi %iota3A_88, %sub3A_97 : vector<1088x1xi32>
    %lt3A_99 = vector.broadcast %reduce_max3A_39 : i32 to vector<1088x1xi32>
    %lt3A_100 = arith.cmpi slt, %sub3A_98, %lt3A_99 : vector<1088x1xi32>
    %jit3A_101 = arith.constant 1 : i32
    %jit3A_102 = arith.constant 0 : i32
    %broadcast_in_dim3A_103 = vector.broadcast %jit3A_101 : i32 to vector<1088x1xi32>
    %broadcast_in_dim3A_104 = vector.broadcast %jit3A_102 : i32 to vector<1088x1xi32>
    %select_n3A_105 = arith.select %lt3A_100, %broadcast_in_dim3A_103, %broadcast_in_dim3A_104 : vector<1088x1xi1>, vector<1088x1xi32>
    %sub3A_106 = arith.constant 544 : i32
    %sub3A_107 = vector.broadcast %sub3A_106 : i32 to vector<1088x1xi32>
    %sub3A_108 = arith.subi %iota3A_88, %sub3A_107 : vector<1088x1xi32>
    %lt3A_109 = vector.broadcast %min3A : i32 to vector<1088x1xi32>
    %lt3A_110 = arith.cmpi slt, %sub3A_108, %lt3A_109 : vector<1088x1xi32>
    %jit3A_111 = arith.constant 1 : i32
    %jit3A_112 = arith.constant 0 : i32
    %broadcast_in_dim3A_113 = vector.broadcast %jit3A_111 : i32 to vector<1088x1xi32>
    %broadcast_in_dim3A_114 = vector.broadcast %jit3A_112 : i32 to vector<1088x1xi32>
    %select_n3A_115 = arith.select %lt3A_110, %broadcast_in_dim3A_113, %broadcast_in_dim3A_114 : vector<1088x1xi1>, vector<1088x1xi32>
    %sub3A_116 = arith.constant 816 : i32
    %sub3A_117 = vector.broadcast %sub3A_116 : i32 to vector<1088x1xi32>
    %sub3A_118 = arith.subi %iota3A_88, %sub3A_117 : vector<1088x1xi32>
    %lt3A_119 = vector.broadcast %sub3A_42 : i32 to vector<1088x1xi32>
    %lt3A_120 = arith.cmpi slt, %sub3A_118, %lt3A_119 : vector<1088x1xi32>
    %jit3A_121 = arith.constant 1 : i32
    %jit3A_122 = arith.constant 0 : i32
    %broadcast_in_dim3A_123 = vector.broadcast %jit3A_121 : i32 to vector<1088x1xi32>
    %broadcast_in_dim3A_124 = vector.broadcast %jit3A_122 : i32 to vector<1088x1xi32>
    %select_n3A_125 = arith.select %lt3A_120, %broadcast_in_dim3A_123, %broadcast_in_dim3A_124 : vector<1088x1xi1>, vector<1088x1xi32>
    %lt3A_126 = arith.constant 272 : i32
    %lt3A_127 = vector.broadcast %lt3A_126 : i32 to vector<1088x1xi32>
    %lt3A_128 = arith.cmpi slt, %iota3A_88, %lt3A_127 : vector<1088x1xi32>
    %select_n3A_129 = arith.select %lt3A_128, %select_n3A_95, %select_n3A_105 : vector<1088x1xi1>, vector<1088x1xi32>
    %lt3A_130 = arith.constant 816 : i32
    %lt3A_131 = vector.broadcast %lt3A_130 : i32 to vector<1088x1xi32>
    %lt3A_132 = arith.cmpi slt, %iota3A_88, %lt3A_131 : vector<1088x1xi32>
    %select_n3A_133 = arith.select %lt3A_132, %select_n3A_115, %select_n3A_125 : vector<1088x1xi1>, vector<1088x1xi32>
    %lt3A_134 = arith.constant 544 : i32
    %lt3A_135 = vector.broadcast %lt3A_134 : i32 to vector<1088x1xi32>
    %lt3A_136 = arith.cmpi slt, %iota3A_88, %lt3A_135 : vector<1088x1xi32>
    %select_n3A_137 = arith.select %lt3A_136, %select_n3A_129, %select_n3A_133 : vector<1088x1xi1>, vector<1088x1xi32>
    %gt3A = vector.broadcast %get3A_3 : vector<1x1088xf32> to vector<1088x1088xf32>
    %gt3A_138 = vector.broadcast %get3A_8 : vector<1088x1xf32> to vector<1088x1088xf32>
    %gt3A_139 = arith.cmpf ogt, %gt3A, %gt3A_138 : vector<1088x1088xf32>
    %jit3A_140 = arith.constant 1 : i32
    %jit3A_141 = arith.constant 0 : i32
    %broadcast_in_dim3A_142 = vector.broadcast %jit3A_140 : i32 to vector<1088x1088xi32>
    %broadcast_in_dim3A_143 = vector.broadcast %jit3A_141 : i32 to vector<1088x1088xi32>
    %select_n3A_144 = arith.select %gt3A_139, %broadcast_in_dim3A_142, %broadcast_in_dim3A_143 : vector<1088x1088xi1>, vector<1088x1088xi32>
    %eq3A = vector.broadcast %get3A_3 : vector<1x1088xf32> to vector<1088x1088xf32>
    %eq3A_145 = vector.broadcast %get3A_8 : vector<1088x1xf32> to vector<1088x1088xf32>
    %eq3A_146 = arith.cmpf oeq, %eq3A, %eq3A_145 : vector<1088x1088xf32>
    %jit3A_147 = arith.constant 1 : i32
    %jit3A_148 = arith.constant 0 : i32
    %broadcast_in_dim3A_149 = vector.broadcast %jit3A_147 : i32 to vector<1088x1088xi32>
    %broadcast_in_dim3A_150 = vector.broadcast %jit3A_148 : i32 to vector<1088x1088xi32>
    %select_n3A_151 = arith.select %eq3A_146, %broadcast_in_dim3A_149, %broadcast_in_dim3A_150 : vector<1088x1088xi1>, vector<1088x1088xi32>
    %lt3A_152 = vector.broadcast %get3A_13 : vector<1x1088xf32> to vector<1088x1088xf32>
    %lt3A_153 = vector.broadcast %get3A_18 : vector<1088x1xf32> to vector<1088x1088xf32>
    %lt3A_154 = arith.cmpf olt, %lt3A_152, %lt3A_153 : vector<1088x1088xf32>
    %jit3A_155 = arith.constant 1 : i32
    %jit3A_156 = arith.constant 0 : i32
    %broadcast_in_dim3A_157 = vector.broadcast %jit3A_155 : i32 to vector<1088x1088xi32>
    %broadcast_in_dim3A_158 = vector.broadcast %jit3A_156 : i32 to vector<1088x1088xi32>
    %select_n3A_159 = arith.select %lt3A_154, %broadcast_in_dim3A_157, %broadcast_in_dim3A_158 : vector<1088x1088xi1>, vector<1088x1088xi32>
    %mul3A = arith.muli %select_n3A_151, %select_n3A_159 : vector<1088x1088xi32>
    %add3A = arith.addi %select_n3A_144, %mul3A : vector<1088x1088xi32>
    %mul3A_160 = vector.broadcast %select_n3A_87 : vector<1x1088xi32> to vector<1088x1088xi32>
    %mul3A_161 = arith.muli %add3A, %mul3A_160 : vector<1088x1088xi32>
    %reduce_sum3A = arith.constant dense<0> : vector<1088xi32>
    %reduce_sum3A_162 = vector.multi_reduction <add>, %mul3A_161, %reduce_sum3A [1] : vector<1088x1088xi32> to vector<1088xi32>
    %broadcast_in_dim3A_163 = vector.shape_cast %reduce_sum3A_162 : vector<1088xi32> to vector<1088x1xi32>
    %iota3A_164 = tpu.iota {dimensions = array<i32: 1>} : vector<1x256xi32>
    %eq3A_165 = vector.broadcast %broadcast_in_dim3A_163 : vector<1088x1xi32> to vector<1088x256xi32>
    %eq3A_166 = vector.broadcast %iota3A_164 : vector<1x256xi32> to vector<1088x256xi32>
    %eq3A_167 = arith.cmpi eq, %eq3A_165, %eq3A_166 : vector<1088x256xi32>
    %jit3A_168 = arith.constant 1 : i32
    %jit3A_169 = arith.constant 0 : i32
    %broadcast_in_dim3A_170 = vector.broadcast %jit3A_168 : i32 to vector<1088x256xi32>
    %broadcast_in_dim3A_171 = vector.broadcast %jit3A_169 : i32 to vector<1088x256xi32>
    %select_n3A_172 = arith.select %eq3A_167, %broadcast_in_dim3A_170, %broadcast_in_dim3A_171 : vector<1088x256xi1>, vector<1088x256xi32>
    %mul3A_173 = vector.broadcast %select_n3A_137 : vector<1088x1xi32> to vector<1088x256xi32>
    %mul3A_174 = arith.muli %select_n3A_172, %mul3A_173 : vector<1088x256xi32>
    %convert_element_type3A = arith.sitofp %mul3A_174 : vector<1088x256xi32> to vector<1088x256xf32>
    %mul3A_175 = vector.broadcast %get3A_8 : vector<1088x1xf32> to vector<1088x256xf32>
    %mul3A_176 = arith.mulf %mul3A_175, %convert_element_type3A : vector<1088x256xf32>
    %reduce_sum3A_177 = arith.constant dense<0.000000e+00> : vector<256xf32>
    %reduce_sum3A_178 = vector.multi_reduction <add>, %mul3A_176, %reduce_sum3A_177 [0] : vector<1088x256xf32> to vector<256xf32>
    %broadcast_in_dim3A_179 = vector.shape_cast %reduce_sum3A_178 : vector<256xf32> to vector<1x256xf32>
    %mul3A_180 = vector.broadcast %get3A_18 : vector<1088x1xf32> to vector<1088x256xf32>
    %mul3A_181 = arith.mulf %mul3A_180, %convert_element_type3A : vector<1088x256xf32>
    %reduce_sum3A_182 = arith.constant dense<0.000000e+00> : vector<256xf32>
    %reduce_sum3A_183 = vector.multi_reduction <add>, %mul3A_181, %reduce_sum3A_182 [0] : vector<1088x256xf32> to vector<256xf32>
    %broadcast_in_dim3A_184 = vector.shape_cast %reduce_sum3A_183 : vector<256xf32> to vector<1x256xf32>
    %get3A_185 = arith.constant 0 : index
    %get3A_186 = arith.constant 0 : index
    %get3A_187 = arith.constant 0 : index
    %get3A_188 = vector.load %arg6[%get3A_185, %get3A_186, %get3A_187] : memref<1x1x1xf32, #tpu.memory_space<vmem>>, vector<1x1x1xf32>
    %get3A_189 = vector.extract %get3A_188[0, 0, 0] : f32 from vector<1x1x1xf32>
    %add3A_190 = vector.broadcast %get3A_189 : f32 to vector<1x256xf32>
    %add3A_191 = arith.addf %broadcast_in_dim3A_179, %add3A_190 : vector<1x256xf32>
    %swap3A = arith.constant 0 : index
    %swap3A_192 = arith.constant 0 : index
    %swap3A_193 = arith.constant 0 : index
    %swap3A_194 = vector.load %arg7[%swap3A, %swap3A_192, %swap3A_193] : memref<1x1x256xf32, #tpu.memory_space<vmem>>, vector<1x1x256xf32>
    %swap3A_195 = vector.shape_cast %swap3A_194 : vector<1x1x256xf32> to vector<1x256xf32>
    %swap3A_196 = vector.shape_cast %add3A_191 : vector<1x256xf32> to vector<1x1x256xf32>
    tpu.vector_store %arg7[%swap3A, %swap3A_192, %swap3A_193], %swap3A_196 {strides = array<i32>} : memref<1x1x256xf32, #tpu.memory_space<vmem>>, vector<1x1x256xf32>,
    %swap3A_197 = arith.constant 0 : index
    %swap3A_198 = arith.constant 0 : index
    %swap3A_199 = arith.constant 0 : index
    %swap3A_200 = vector.load %arg8[%swap3A_197, %swap3A_198, %swap3A_199] : memref<1x1x256xf32, #tpu.memory_space<vmem>>, vector<1x1x256xf32>
    %swap3A_201 = vector.shape_cast %swap3A_200 : vector<1x1x256xf32> to vector<1x256xf32>
    %swap3A_202 = vector.shape_cast %broadcast_in_dim3A_184 : vector<1x256xf32> to vector<1x1x256xf32>
    tpu.vector_store %arg8[%swap3A_197, %swap3A_198, %swap3A_199], %swap3A_202 {strides = array<i32>} : memref<1x1x256xf32, #tpu.memory_space<vmem>>, vector<1x1x256xf32>,
    return
  }
  func.func @transform_0(%arg0: i32) -> (i32, i32, i32) {
    %c0_i32 = arith.constant 0 : i32
    %c0_i32_0 = arith.constant 0 : i32
    %c0_i32_1 = arith.constant 0 : i32
    return %arg0, %c0_i32, %c0_i32_0 : i32, i32, i32
  }
  func.func @transform_1(%arg0: i32) -> (i32, i32, i32) {
    %c0_i32 = arith.constant 0 : i32
    %c0_i32_0 = arith.constant 0 : i32
    %c0_i32_1 = arith.constant 0 : i32
    return %arg0, %c0_i32, %c0_i32_0 : i32, i32, i32
  }
  func.func @transform_2(%arg0: i32) -> (i32, i32, i32) {
    %c0_i32 = arith.constant 0 : i32
    %c0_i32_0 = arith.constant 0 : i32
    %c0_i32_1 = arith.constant 0 : i32
    return %arg0, %c0_i32, %c0_i32_0 : i32, i32, i32
  }
  func.func @transform_3(%arg0: i32) -> (i32, i32, i32) {
    %c0_i32 = arith.constant 0 : i32
    %c0_i32_0 = arith.constant 0 : i32
    %c0_i32_1 = arith.constant 0 : i32
    return %arg0, %c0_i32, %c0_i32_0 : i32, i32, i32
  }
  func.func @transform_4(%arg0: i32) -> (i32, i32, i32) {
    %c0_i32 = arith.constant 0 : i32
    %c0_i32_0 = arith.constant 0 : i32
    %c0_i32_1 = arith.constant 0 : i32
    return %arg0, %c0_i32, %c0_i32_0 : i32, i32, i32
  }
  func.func @transform_5(%arg0: i32) -> (i32, i32, i32) {
    %c0_i32 = arith.constant 0 : i32
    %c0_i32_0 = arith.constant 0 : i32
    %c0_i32_1 = arith.constant 0 : i32
    %c0_i32_2 = arith.constant 0 : i32
    return %c0_i32, %c0_i32_0, %c0_i32_1 : i32, i32, i32
  }
  func.func @transform_6(%arg0: i32) -> (i32, i32, i32) {
    %c0_i32 = arith.constant 0 : i32
    %c0_i32_0 = arith.constant 0 : i32
    %c0_i32_1 = arith.constant 0 : i32
    return %arg0, %c0_i32, %c0_i32_0 : i32, i32, i32
  }
  func.func @transform_7(%arg0: i32) -> (i32, i32, i32) {
    %c0_i32 = arith.constant 0 : i32
    %c0_i32_0 = arith.constant 0 : i32
    %c0_i32_1 = arith.constant 0 : i32
    return %arg0, %c0_i32, %c0_i32_0 : i32, i32, i32
  }
}

</mosaic_0001>

<sc_bundles>
// kernel: kernel.10.cloned.1.call-start
scs
__scs_entry_jumppad:
0x0: {  	(pc) =	sbr.rel $0x88, $3  }
0x1: {  	(tag) =	ssettag $0x0;
	lr =	simm.s32 $0x1  }
0x2: {  	[smem:$0x3F9A] =	sst lr;
	_ =	strace $0xD0000000  }
0x3: {  	_ = 	snop  }
0x4: {  	_ = 	snop  }
0x5: {  	_ = 	snop  }
0x6: {  	_ = 	snop  }
0x7: {  	_ = 	snop  }
__scs_overlays_trampoline_lowered:
0x8: {  	[smem:$0x3FA9] =	sst s0  }
0x9: {  	[smem:$0x3FAA] =	sst s1  }
0xa: {  	[smem:$0x3FAB] =	sst s2  }
0xb: {  	[smem:$0x3FAC] =	sst s3  }
0xc: {  	[smem:$0x3FAD] =	sst s4  }
0xd: {  	[smem:$0x3FAE] =	sst s5  }
0xe: {  	[smem:$0x3FAF] =	sst s6  }
0xf: {  	[smem:$0x3FB0] =	sst s7  }
0x10: {  	[smem:$0x3FB1] =	sst s8  }
0x11: {  	[smem:$0x3FB2] =	sst s9;
	s0 =	simm.s32 @!p0 $0x0  }
0x12: {  	s1 =	sld [smem:$0x3F98];
	s0 =	simm.s32 @p0 $0x1  }
0x13: {  	[smem:$0x3FB3] =	sst s0;
	s0 =	simm.s32 @!p1 $0x0  }
0x14: {  	s2 =	sld [smem:$0x3F97];
	s0 =	simm.s32 @p1 $0x1  }
0x15: {  	[smem:$0x3FB4] =	sst s0;
	s0 =	simm.s32 @!p2 $0x0  }
0x16: {  	s3 =	sld [smem:$0x3FDB];
	s0 =	simm.s32 @p2 $0x1  }
0x17: {  	s4 =	simm.s32 $0x1BF5;
	[smem:$0x3FB6] =	sst s0  }
0x18: {  	s0 =	sld [smem:$0x3F99];
	_ =	swait.ge [sflag:s4], $0x0  }
0x19: {  	s7 =	sld [smem:$0x3F9A]  }
0x1a: {  	s8 =	sadd.s32 $0xFFFFE003, lr  }
0x1b: {  	s9 =	sadd.s32 $0xFFFFFEF7, lr;
	s5 =	simm.s32 $0xFFFFFFFF;
	p2 =	slt.u32 s8, $0xFFFFF086  }
0x1c: {  	p1 =	slt.u32 s9, $0xF7A;
	s5 =	simm.s32 @!p2 $0x0  }
0x1d: {  	s5 =	simm.s32 @p1 $0x1;
	p0 =	seq.s32 s7, s2  }
0x1e: {  	s7 =	smul.u32 @!p0 $0xF7A, s2;
	p2 =	seq.s32 @!p0 s5, $0x0  }
0x1f: {  	s9 =	smul.u32 $0xF7A, s1;
	s8 =	simm.s32 @!p0 $0x1BF5;
	p2 =	por !p2, p0  }
0x20: {  	[sflag:s8] =	ssyncset.s32 @!p0 $0xFFFFF086;
	s6 =	sadd.s32 @!p0 s3, s7;
	s7 =	simm.s32 @!p0 $0x108  }
0x21: {  	s3 =	sadd.s32 s3, s9;
	s6 =	sadd.s32 @!p0 $0x88, s6;
	s7 =	simm.s32 @p2 $0x1082  }
0x22: {  	[simem:s7], [sflag:s8] =	dma.local @!p0 [hbm:s6], $0xF7A  }
0x23: {  	s9 =	sor.u32 $0xD0000000, s2;
	s6 =	simm.s32 $0x108;
	_ =	swait.ge @!p0 [sflag:s8], $0x0  }
0x24: {  	s3 =	sadd.s32 $0x88, s3;
	s6 =	simm.s32 @!p1 $0x1082;
	[sflag:s4] =	ssyncset.s32 $0xFFFFF086  }
0x25: {  	[simem:s6], [sflag:s4] =	dma.local [hbm:s3], $0xF7A  }
0x26: {  	[smem:$0x3F9A] =	sst s1;
	(tag) =	ssettag s2;
	_ =	strace s9  }
0x27: {  	s1 =	sld [smem:$0x3FAA]  }
0x28: {  	s2 =	sld [smem:$0x3FAB]  }
0x29: {  	s4 =	sld [smem:$0x3FAD]  }
0x2a: {  	p0 =	seq.s32 s5, $0x0;
	s5 =	sld [smem:$0x3FAE]  }
0x2b: {  	s6 =	sld [smem:$0x3FAF]  }
0x2c: {  	s7 =	sld [smem:$0x3FB0]  }
0x2d: {  	s3 =	simm.s32 $0x108;
	s8 =	sld [smem:$0x3FB1]  }
0x2e: {  	s3 =	simm.s32 @!p0 $0x1082;
	s9 =	sld [smem:$0x3FB2]  }
0x2f: {  	lr =	sadd.s32 s0, s3;
	s0 =	sld [smem:$0x3FA9]  }
0x30: {  	s3 =	sld [smem:$0x3FAC]  }
0x31: {  	[smem:$0x3FB5] =	sst s10  }
0x32: {  	s10 =	sld [smem:$0x3FB3];
	_ =	sdelay $0x3  }
0x33: {  	p0 =	seq.s32 s10, $0x1;
	s10 =	sld [smem:$0x3FB5];
	_ =	sdelay $0x3  }
0x34: {  	[smem:$0x3FB5] =	sst s10  }
0x35: {  	s10 =	sld [smem:$0x3FB4];
	_ =	sdelay $0x3  }
0x36: {  	p1 =	seq.s32 s10, $0x1;
	s10 =	sld [smem:$0x3FB5];
	_ =	sdelay $0x3  }
0x37: {  	[smem:$0x3FB5] =	sst s10  }
0x38: {  	s10 =	sld [smem:$0x3FB6]  }
0x39: {  	_ = 	snop;
	(pc) =	sbr.ind lr, $3  }
0x3a: {  	_ = 	snop  }
0x3b: {  	_ = 	snop  }
0x3c: {  	p2 =	seq.s32 s10, $0x1;
	s10 =	sld [smem:$0x3FB5]  }
0x3d: {  	_ =	shalt  }
0x3e: {  	_ =	shalt  }
0x3f: {  	_ =	shalt  }
0x40: {  	_ =	shalt  }
0x41: {  	_ =	shalt  }
0x42: {  	_ =	shalt  }
0x43: {  	_ =	shalt  }
0x44: {  	_ =	shalt  }
0x45: {  	_ =	shalt  }
0x46: {  	_ =	shalt  }
0x47: {  	_ =	shalt  }
0x48: {  	_ =	shalt  }
0x49: {  	_ =	shalt  }
0x4a: {  	_ =	shalt  }
0x4b: {  	_ =	shalt  }
0x4c: {  	_ =	shalt  }
0x4d: {  	_ =	shalt  }
0x4e: {  	_ =	shalt  }
0x4f: {  	_ =	shalt  }
0x50: {  	_ =	shalt  }
0x51: {  	_ =	shalt  }
0x52: {  	_ =	shalt  }
0x53: {  	_ =	shalt  }
0x54: {  	_ =	shalt  }
0x55: {  	_ =	shalt  }
0x56: {  	_ =	shalt  }
0x57: {  	_ =	shalt  }
0x58: {  	_ =	shalt  }
0x59: {  	_ =	shalt  }
0x5a: {  	_ =	shalt  }
0x5b: {  	_ =	shalt  }
0x5c: {  	_ =	shalt  }
0x5d: {  	_ =	shalt  }
0x5e: {  	_ =	shalt  }
0x5f: {  	_ =	shalt  }
0x60: {  	_ =	shalt  }
0x61: {  	_ =	shalt  }
0x62: {  	_ =	shalt  }
0x63: {  	_ =	shalt  }
0x64: {  	_ =	shalt  }
0x65: {  	_ =	shalt  }
0x66: {  	_ =	shalt  }
0x67: {  	_ =	shalt  }
0x68: {  	_ =	shalt  }
0x69: {  	_ =	shalt  }
0x6a: {  	_ =	shalt  }
0x6b: {  	_ =	shalt  }
0x6c: {  	_ =	shalt  }
0x6d: {  	_ =	shalt  }
0x6e: {  	_ =	shalt  }
0x6f: {  	_ =	shalt  }
0x70: {  	_ =	shalt  }
0x71: {  	_ =	shalt  }
0x72: {  	_ =	shalt  }
0x73: {  	_ =	shalt  }
0x74: {  	_ =	shalt  }
0x75: {  	_ =	shalt  }
0x76: {  	_ =	shalt  }
0x77: {  	_ =	shalt  }
0x78: {  	_ =	shalt  }
0x79: {  	_ =	shalt  }
0x7a: {  	_ =	shalt  }
0x7b: {  	_ =	shalt  }
0x7c: {  	_ =	shalt  }
0x7d: {  	_ =	shalt  }
0x7e: {  	_ =	shalt  }
0x7f: {  	_ =	shalt  }
0x80: {  	_ =	shalt  }
0x81: {  	_ =	shalt  }
0x82: {  	_ =	shalt  }
0x83: {  	_ =	shalt  }
0x84: {  	_ =	shalt  }
0x85: {  	_ =	shalt  }
0x86: {  	_ =	shalt  }
0x87: {  	_ =	shalt  }
.Lfunc_end0:
.L_simem_size_0:
called_computation.1_lowered:
.L_overlay_start_0:
0x88: {  	s2 =	sld [smem:$0x3FD9]  }
0x89: {  	s3 =	sld [smem:$0x3FFE];
	_ =	sdelay $0x1  }
0x8a: {  	s1 =	srdreg.scid  }
0x8b: {  	s0 =	sand.u32 $0x1, s1  }
0x8c: {  	s17 =	sshll.u32 s0, $0xA;
	s2 =	sadd.s32 s3, s2  }
0x8d: {  	s2 =	sadd.s32 s2, s17  }
0x8e: {  	[smem:$0x3FC1] =	sst s2  }
0x8f: {  	_ = 	snop  }
0x90: {  	s2 =	sld [smem:$0x3FD0];
	(tm) =	ssettm $0x1  }
0x91: {  	s18 =	sld [smem:$0x3FFB];
	_ =	sdelay $0x3  }
0x92: {  	_ =	strace s18  }
0x93: {  	s3 =	sld [smem:$0x3FFC];
	_ =	sdelay $0x3  }
0x94: {  	_ =	strace s3  }
0x95: {  	s3 =	sld [smem:$0x3FFD];
	_ =	sdelay $0x3  }
0x96: {  	_ =	strace s3  }
0x97: {  	_ =	strace $0x8FFFFFFF  }
0x98: {  	s19 =	sld [smem:$0x3FDB];
	_ =	sdelay $0x1  }
0x99: {  	s4 =	simm.s32 $_scs_section_size  }
0x9a: {  	s5 =	simm.s32 $_size__tile_overlayer_lowered;
	s6 =	simm.s32 $_tile_overlayer_lowered  }
0x9b: {  	s22 =	simm.s32 $0x1BFF;
	s21 =	sshll.u32 s6, $0x1;
	s3 =	sadd.s32 s4, s19  }
0x9c: {  	s7 =	simm.s32 $0x0;
	s20 =	sshll.u32 s5, $0x1;
	s5 =	sadd.s32 s21, s3  }
0x9d: {  	[timem:s7], [sflag:s22] =	dma.local [hbm:s5], s20  }
0x9e: {  	_ =	swait.ge [sflag:s22], s20  }
0x9f: {  	s4 =	ssub.s32 $0x0, s20;
	[sflag:s22] =	ssyncset.done $0x0  }
0xa0: {  	[sflag:s22] =	ssyncadd.s32 s4;
	_ =	sdelay $0x1  }
0xa1: {  	s23 =	simm.s32 $0x1B8B  }
0xa2: {  	_ =	swait.ge [sflag:s23], $0x1  }
0xa3: {  	[sflag:s23] =	ssyncset.done $0x0  }
0xa4: {  	s25 =	simm.s32 $0x1B8E;
	s24 =	sld [smem:$0x3FFE];
	[sflag:s23] =	ssyncadd.s32 $0xFFFFFFFF  }
0xa5: {  	s26 =	simm.s32 $execute0_lowered;
	[smem:$0x3FD2] =	sst s25  }
0xa6: {  	s5 =	sshll.u32 s26, $0x1;
	_ =	strace $0x80000049;
	[dreg:$0x1] =	wrdreg $0xFFFFFFFF  }
0xa7: {  	s28 =	simm.s32 $_size_execute0_lowered;
	s3 =	sadd.s32 s3, s5;
	[dreg:$0x0] =	wrdreg $0x0  }
0xa8: {  	s5 =	sshll.u32 s28, $0x1;
	[dreg:$0x2] =	wrdreg s3  }
0xa9: {  	[dreg:$0x3] =	wrdreg s5  }
0xaa: {  	[dreg:$0x4] =	wrdreg $0xC0  }
0xab: {  	_ =	task [dreg:s7], $0x5FFFF  }
0xac: {  	[dreg:$0x1] =	wrdreg $0xFFFFFFFF  }
0xad: {  	[dreg:$0x0] =	wrdreg $0x60  }
0xae: {  	[dreg:$0x2] =	wrdreg s24  }
0xaf: {  	[dreg:$0x3] =	wrdreg s2  }
0xb0: {  	[dreg:$0x4] =	wrdreg $0x9  }
0xb1: {  	_ =	task.clear_ibuf [dreg:s7], $0x5FFFF;
	_ =	strace $0x90000049  }
0xb2: {  	s29 =	simm.s32 $0x9;
	_ =	strace $0x8000004B  }
0xb3: {  	_ =	swait.ge [sflag:s29], $0x1  }
0xb4: {  	[sflag:s29] =	ssyncadd.s32 $0xFFFFFFFF  }
0xb5: {  	_ =	strace $0x9000004B  }
0xb6: {  	_ =	sfence  }
0xb7: {  	s30 =	sld [smem:$0x0];
	_ =	sdelay $0x2  }
0xb8: {  	s31 =	sshll.u32 s1, $0xD;
	s1 =	sshrl.u32 s1, $0x2  }
0xb9: {  	s3 =	sand.u32 $0x4000, s31;
	s1 =	sadd.s32 s1, s30  }
0xba: {  	s0 =	sor.u32 s3, s0;
	s1 =	sshll.u32 s1, $0x11  }
0xbb: {  	s0 =	sor.u32 s1, s0  }
0xbc: {  	s0 =	sadd.s32 $0x8F2B, s0  }
0xbd: {  	[sflag:s0] =	ssyncadd.remote.s32 $0x1  }
0xbe: {  	_ =	sfence.sel $0xFFFF  }
0xbf: {  	[dreg:$0x0] =	wrdreg $0xFFFFFFFF;
	(pc) =	sbr.abs _section_cstart, $3  }
0xc0: {  	[dreg:$0x1] =	wrdreg $0xFFFFFFFF  }
0xc1: {  	_ =	task.clear_ibuf [dreg:s7], $0x2FFFF;
	_ =	strace $0x9FFFFFFF  }
0xc2: {  	(tm) =	ssettm $0x7FFFFFFF  }
0xc3: {  	_ =	shalt  }
tec
execute0_lowered:
.L_overlay_start_1:
0x0: {  	(tag) =	ssettag $0x1  }
0x1: {  	s6 =	rddreg [dreg:$0x0];
	s0 =	srdreg.scid  }
0x2: {  	s2 =	stileid.u32;
	s1 =	rddreg [dreg:$0x1];
	s3 =	simm.s32 $0x0  }
0x3: {  	s14 =	simm.s32 $0x1;
	s15 =	simm.s32 $0x80;
	s16 =	simm.s32 $0x100  }
0x4: {  	s22 =	simm.s32 $0x0;
	s23 =	simm.s32 $0x0;
	s0 =	sand.u32 $0x1, s0  }
0x5: {  	s4 =	sshll.u32 s2, $0x1;
	[smem:$0x7FF] =	sst s3;
	s31 =	smul.u32 $0x27100, s2  }
0x6: {  	s9 =	sadd.s32 $0x5200, s6;
	s7 =	sor.u32 s0, s4;
	s5 =	smul.u32 $0x13880, s0  }
0x7: {  	_ =	strace $0x8000004A;
	s4 =	sadd.s32 $0x5600, s6;
	s8 =	smul.u32 $0x22, s7  }
.Ltmp0:
0x8: {  	s0 =	ssub.s32 $0x2, s0;
	s7 =	sshll.u32 s7, $0x2;
	(pc) =	sbr.rel .LBB2_1-.Ltmp0, $4  }
0x9: {  	[dreg:$0x3] =	wrdreg s9;
	s10 =	sshrl.u32 s0, $0x1;
	s12 =	sadd.s32 s7, s6  }
0xa: {  	s0 =	ssub.s32 s0, s10;
	s7 =	sadd.s32 s31, s5;
	s11 =	sadd.s32 s8, s6  }
0xb: {  	v1 =	vimm.f32 $0.0e+00;
	s8 =	sadd.s32 s1, s8;
	s12 =	sadd.s32 $0x54A00, s12;
	s13 =	smax.u32 s0, $0x1  }
0xc: {  	v2 =	vimm.s32 $0x0;
	v3 =	vlaneseq.u32;
	v0 =	vmov s2;
	s9 =	sadd.s32 $0x53800, s11;
	s10 =	sadd.s32 $0x54400, s11;
	s11 =	sadd.s32 $0x53E00, s11  }
.LBB2_9:
0xd: {  	v4 =	vmov s30  }
0xe: {  	[tilespmem:$0x1700] =	vst v4;
	v4 =	vmov s31  }
0xf: {  	s0 =	simm.s32 $0x1100;
	[tilespmem:$0x1710] =	vst v4  }
0x10: {  	[hbm4b:s8+s3] =	stream.linear.scatter [tilespmem:s0], [sflag:$0x1], $0x110, $0x38;
	[tilespmem:$0x1780] =	vst v63  }
0x11: {  	_ =	swait.ge [sflag:s14], $0x110  }
0x12: {  	[sflag:s14] =	ssyncset.done $0x0  }
0x13: {  	s28 =	simm.s32 $0x1280;
	[sflag:s14] =	ssyncadd.s32 $0xFFFFFEF0  }
0x14: {  	[hbm4b:s9+s3] =	stream.linear.scatter [tilespmem:s28], [sflag:$0x1], $0x110, $0x38;
	[tilespmem:$0x1780] =	vst v63  }
0x15: {  	_ =	swait.ge [sflag:s14], $0x110  }
0x16: {  	[sflag:s14] =	ssyncset.done $0x0  }
0x17: {  	s29 =	simm.s32 $0x1400;
	[sflag:s14] =	ssyncadd.s32 $0xFFFFFEF0  }
0x18: {  	[hbm4b:s10+s3] =	stream.linear.scatter [tilespmem:s29], [sflag:$0x1], $0x110, $0x38;
	[tilespmem:$0x1780] =	vst v63  }
0x19: {  	_ =	swait.ge [sflag:s14], $0x110  }
0x1a: {  	[sflag:s14] =	ssyncset.done $0x0  }
0x1b: {  	s30 =	simm.s32 $0x1580;
	[sflag:s14] =	ssyncadd.s32 $0xFFFFFEF0  }
0x1c: {  	[hbm4b:s11+s3] =	stream.linear.scatter [tilespmem:s30], [sflag:$0x1], $0x110, $0x38;
	[tilespmem:$0x1780] =	vst v63  }
0x1d: {  	s22 =	sadd.s32 $0x1, s22;
	_ =	swait.ge [sflag:s14], $0x110  }
0x1e: {  	p0 =	sne.s32 s22, s13;
	[sflag:s14] =	ssyncset.done $0x0  }
.Ltmp1:
0x1f: {  	s31 =	simm.s32 $0x1700;
	[sflag:s14] =	ssyncadd.s32 $0xFFFFFEF0;
	(pc) =	sbr.rel @!p0 .LBB2_10-.Ltmp1, $4  }
0x20: {  	[hbm4b:s12+s3] =	stream.linear.scatter [tilespmem:s31], [sflag:$0x1], $0x20, $0x38;
	[tilespmem:$0x1780] =	vst v63  }
0x21: {  	_ =	swait.ge [sflag:s14], $0x20  }
0x22: {  	[sflag:s14] =	ssyncset.done $0x0  }
0x23: {  	[sflag:s14] =	ssyncadd.s32 $0xFFFFFFE0  }
.LBB2_1:
0x24: {  	s0 =	rddreg [dreg:$0x3]  }
0x25: {  	[tilespmem:s3], [sflag:$0x1] =	stream.linear.gather [hbm4b:s0+s3], $0x80, $0x38;
	[tilespmem:$0x1780] =	vst v63  }
0x26: {  	_ =	swait.ge [sflag:s14], $0x80  }
0x27: {  	[sflag:s14] =	ssyncset.done $0x0  }
0x28: {  	[sflag:s14] =	ssyncadd.s32 $0xFFFFFF80  }
0x29: {  	s31 =	rddreg [dreg:$0x0]  }
0x2a: {  	[tilespmem:s15], [sflag:$0x1] =	stream.linear.gather [hbm4b:s31+s3], $0x80, $0x38;
	[tilespmem:$0x1780] =	vst v63  }
0x2b: {  	_ =	swait.ge [sflag:s14], $0x80  }
0x2c: {  	[sflag:s14] =	ssyncset.done $0x0  }
0x2d: {  	[sflag:s14] =	ssyncadd.s32 $0xFFFFFF80  }
0x2e: {  	v4 =	vld.idx.msk [tilespmem:v0+s3+$0x0], $0xffff  }
0x2f: {  	s1 =	simm.s32 $0x40;
	s0 =	simm.s32 $0x0;
	v5 =	vld.idx.msk [tilespmem:v0+s15+$0x0], $0xffff  }
.LBB2_2:
0x30: {  	p0 =	sne.s32 s1, $0x400;
	[tilespmem:s0+$0x1580] =	vst v2;
	s17 =	smov.u32 s1;
	s1 =	sadd.s32 $0x40, s1  }
.Ltmp2:
0x31: {  	[tilespmem:s0+$0x1400] =	vst v1;
	(pc) =	sbr.rel @p0 .LBB2_2-.Ltmp2, $3  }
0x32: {  	[tilespmem:s0+$0x1100] =	vst v1  }
0x33: {  	[tilespmem:s0+$0x1280] =	vst v2;
	_ =	sdelay $0x1  }
0x34: {  	s0 =	sshra.s32 s17, $0x2  }
.Ltmp3:
0x35: {  	(pc) =	sbr.rel .LBB2_4-.Ltmp3, $4  }
0x36: {  	[tilespmem:s0+$0x1580] =	vst v2  }
0x37: {  	[tilespmem:s0+$0x1400] =	vst v1  }
0x38: {  	[tilespmem:s0+$0x1100] =	vst v1;
	s31 =	simm.s32 $0x0;
	s24 =	smov.u32 s5  }
0x39: {  	[tilespmem:s0+$0x1280] =	vst v2;
	s29 =	simm.s32 $0x0;
	s30 =	simm.s32 $0x0;
	s25 =	simm.s32 $0x0  }
.LBB2_8:
0x3a: {  	s25 =	sadd.s32 $0x1, s25  }
0x3b: {  	p0 =	sne.s32 s25, $0x14  }
.Ltmp4:
0x3c: {  	_ = 	snop;
	(pc) =	sbr.rel @!p0 .LBB2_9-.Ltmp4, $2  }
0x3d: {  	_ =	sdelay $0x2  }
0x3e: {  	s24 =	sadd.s32 $0xFA0, s24  }
.LBB2_4:
0x3f: {  	s0 =	smul.u32 $0xFA0, s25;
	_ =	sdelay $0x1  }
0x40: {  	s0 =	sadd.s32 s7, s0  }
0x41: {  	s0 =	sshrl.u32 s0, $0x3  }
.Ltmp5:
0x42: {  	s0 =	sadd.s32 s4, s0;
	(pc) =	sbr.rel .LBB2_5-.Ltmp5, $4  }
0x43: {  	[tilespmem:s16], [sflag:$0x1] =	stream.linear.gather [hbm4b:s0+s23], $0xFA0, $0x38;
	[tilespmem:$0x1780] =	vst v63  }
0x44: {  	_ =	swait.ge [sflag:s14], $0xFA0  }
0x45: {  	[sflag:s14] =	ssyncset.done $0x0  }
0x46: {  	s26 =	simm.s32 $0x120;
	s28 =	simm.s32 $0x0;
	[sflag:s14] =	ssyncadd.s32 $0xFFFFF060  }
.LBB2_7:
0x47: {  	s28 =	sadd.s32 $0x50, s28  }
0x48: {  	p0 =	sne.s32 s28, $0xFA0  }
.Ltmp6:
0x49: {  	_ = 	snop;
	(pc) =	sbr.rel @!p0 .LBB2_8-.Ltmp6, $2  }
0x4a: {  	_ =	sdelay $0x2  }
0x4b: {  	s26 =	sadd.s32 $0x50, s26  }
.LBB2_5:
0x4c: {  	v10 =	vld [tilespmem:s26+$0xFFFFFFE0]  }
0x4d: {  	v9 =	vld [tilespmem:s26+$0xFFFFFFF0]  }
0x4e: {  	v8 =	vld [tilespmem:s26+$0x0]  }
0x4f: {  	v7 =	vld [tilespmem:s26+$0x10]  }
0x50: {  	v6 =	vld [tilespmem:s26+$0x20];
	_ =	sdelay $0x1  }
0x51: {  	vm0 =	vge.f32 v10, v4;
	vm1 =	vge.f32 v9, v4  }
0x52: {  	vm13 =	vge.f32 v8, v4;
	v11 =	vmpcnt.ones.xlane vm0;
	v12 =	vmpcnt.ones.xlane vm1  }
0x53: {  	vm14 =	vge.f32 v7, v4;
	v13 =	vmpcnt.ones.xlane vm13  }
0x54: {  	vm15 =	vge.f32 v6, v4;
	v62 =	vmpcnt.ones.xlane vm14;
	v11 =	vadd.s32 v11, v12  }
0x55: {  	v63 =	vmpcnt.ones.xlane vm15;
	v11 =	vadd.s32 v13, v11  }
0x56: {  	v11 =	vadd.s32 v62, v11  }
0x57: {  	v11 =	vadd.s32 v63, v11  }
0x58: {  	(v2sf) =	vpush v11, $0x0;
	_ =	sdelay $0xe  }
0x59: {  	s0 =	spop (v2sf)  }
0x5a: {  	p0 =	slt.s32 s0, $0x1  }
.Ltmp7:
0x5b: {  	_ = 	snop;
	(pc) =	sbr.rel @p0 .LBB2_7-.Ltmp7, $1  }
0x5c: {  	_ =	sdelay $0x3  }
0x5d: {  	vm2 =	veq.f32 v10, v4  }
0x5e: {  	v11 =	vsel vm2, $0x1, v2  }
0x5f: {  	(xrf0) =	vadd.scan.msk.s32 $0xffff, v11;
	_ =	sdelay $0x5  }
0x60: {  	v11, _, _ =	vpop (xrf0)  }
0x61: {  	v11 =	vadd.s32 s31, v11  }
0x62: {  	vm1 =	vgt.f32 v10, v4;
	vm0 =	vle.s32 v11, v5  }
0x63: {  	v44 =	vmpcnt.ones.xlane vm1;
	vm0 =	vmand vm2, vm0  }
0x64: {  	v12 =	vmpcnt.ones.xlane vm0  }
0x65: {  	v45 =	vmpcnt.ones.xlane vm2;
	(v2sf) =	vpush v44, $0x0  }
0x66: {  	(v2sf) =	vpush v12, $0x0  }
0x67: {  	(v2sf) =	vpush v45, $0x0;
	_ =	sdelay $0x7  }
0x68: {  	vm4 =	veq.f32 v9, v4  }
0x69: {  	v46 =	vsel vm4, $0x1, v2  }
0x6a: {  	(xrf0) =	vadd.scan.msk.s32 $0xffff, v46;
	_ =	sdelay $0x2  }
0x6b: {  	s0 =	spop (v2sf)  }
0x6c: {  	s1 =	spop (v2sf)  }
0x6d: {  	s17 =	spop (v2sf)  }
0x6e: {  	v11, _, _ =	vpop (xrf0);
	s18 =	sadd.s32 s31, s17  }
0x6f: {  	v11 =	vadd.s32 s18, v11  }
0x70: {  	vm12 =	vgt.f32 v9, v4;
	vm3 =	vle.s32 v11, v5  }
0x71: {  	v47 =	vmpcnt.ones.xlane vm12;
	vm3 =	vmand vm4, vm3  }
0x72: {  	v48 =	vmpcnt.ones.xlane vm3  }
0x73: {  	v49 =	vmpcnt.ones.xlane vm4;
	(v2sf) =	vpush v47, $0x0  }
0x74: {  	(v2sf) =	vpush v48, $0x0  }
0x75: {  	(v2sf) =	vpush v49, $0x0;
	_ =	sdelay $0x7  }
0x76: {  	vm6 =	veq.f32 v8, v4  }
0x77: {  	v50 =	vsel vm6, $0x1, v2  }
0x78: {  	(xrf0) =	vadd.scan.msk.s32 $0xffff, v50;
	_ =	sdelay $0x2  }
0x79: {  	s17 =	spop (v2sf)  }
0x7a: {  	s31 =	spop (v2sf)  }
0x7b: {  	s2 =	spop (v2sf)  }
0x7c: {  	v11, _, _ =	vpop (xrf0);
	s2 =	sadd.s32 s18, s2  }
0x7d: {  	v11 =	vadd.s32 s2, v11  }
0x7e: {  	vm13 =	vgt.f32 v8, v4;
	vm5 =	vle.s32 v11, v5  }
0x7f: {  	v51 =	vmpcnt.ones.xlane vm13;
	vm5 =	vmand vm6, vm5  }
0x80: {  	v52 =	vmpcnt.ones.xlane vm5  }
0x81: {  	v53 =	vmpcnt.ones.xlane vm6;
	(v2sf) =	vpush v51, $0x0  }
0x82: {  	(v2sf) =	vpush v52, $0x0  }
0x83: {  	(v2sf) =	vpush v53, $0x0;
	_ =	sdelay $0x7  }
0x84: {  	vm8 =	veq.f32 v7, v4  }
0x85: {  	v54 =	vsel vm8, $0x1, v2  }
0x86: {  	(xrf0) =	vadd.scan.msk.s32 $0xffff, v54;
	_ =	sdelay $0x2  }
0x87: {  	s18 =	spop (v2sf)  }
0x88: {  	s19 =	spop (v2sf)  }
0x89: {  	s20 =	spop (v2sf)  }
0x8a: {  	v11, _, _ =	vpop (xrf0);
	s2 =	sadd.s32 s2, s20  }
0x8b: {  	v11 =	vadd.s32 s2, v11  }
0x8c: {  	vm14 =	vgt.f32 v7, v4;
	vm7 =	vle.s32 v11, v5  }
0x8d: {  	v55 =	vmpcnt.ones.xlane vm14;
	vm7 =	vmand vm8, vm7  }
0x8e: {  	v56 =	vmpcnt.ones.xlane vm7  }
0x8f: {  	v57 =	vmpcnt.ones.xlane vm8;
	(v2sf) =	vpush v55, $0x0  }
0x90: {  	(v2sf) =	vpush v56, $0x0  }
0x91: {  	(v2sf) =	vpush v57, $0x0;
	_ =	sdelay $0x7  }
0x92: {  	vm10 =	veq.f32 v6, v4  }
0x93: {  	v58 =	vsel vm10, $0x1, v2  }
0x94: {  	(xrf0) =	vadd.scan.msk.s32 $0xffff, v58;
	_ =	sdelay $0x2  }
0x95: {  	s20 =	spop (v2sf)  }
0x96: {  	s21 =	spop (v2sf)  }
0x97: {  	s6 =	spop (v2sf)  }
0x98: {  	v11, _, _ =	vpop (xrf0);
	s2 =	sadd.s32 s2, s6  }
0x99: {  	v11 =	vadd.s32 s2, v11  }
0x9a: {  	vm9 =	vgt.f32 v6, v4;
	vm15 =	vle.s32 v11, v5  }
0x9b: {  	v59 =	vmpcnt.ones.xlane vm9;
	s6 =	sadd.s32 s28, s24;
	vm8 =	vmand vm10, vm15  }
0x9c: {  	[tilespmem:s30+$0x1100] =	vst.msk vm1, v10;
	v60 =	vor.u32 s6, v3;
	v13 =	vmpcnt.ones.xlane vm8  }
0x9d: {  	v14 =	vmpcnt.ones.xlane vm10;
	(v2sf) =	vpush v59, $0x0;
	[tilespmem:s30+$0x1280] =	vst.msk vm1, v60  }
0x9e: {  	[tilespmem:s29+$0x1400] =	vst.msk vm0, v10;
	(v2sf) =	vpush v13, $0x0  }
0x9f: {  	s0 =	sadd.s32 s30, s0;
	s30 =	sadd.s32 $0x10, s6;
	[tilespmem:s29+$0x1580] =	vst.msk vm0, v60;
	(v2sf) =	vpush v14, $0x0  }
0xa0: {  	v61 =	vor.u32 s30, v3;
	[tilespmem:s0+$0x1100] =	vst.msk vm12, v9  }
0xa1: {  	s1 =	sadd.s32 s29, s1;
	[tilespmem:s0+$0x1280] =	vst.msk vm12, v61  }
0xa2: {  	[tilespmem:s1+$0x1400] =	vst.msk vm3, v9  }
0xa3: {  	s0 =	sadd.s32 s0, s17;
	s17 =	sadd.s32 $0x20, s6;
	[tilespmem:s1+$0x1580] =	vst.msk vm3, v61  }
0xa4: {  	v62 =	vor.u32 s17, v3;
	[tilespmem:s0+$0x1100] =	vst.msk vm13, v8  }
0xa5: {  	s1 =	sadd.s32 s1, s31;
	[tilespmem:s0+$0x1280] =	vst.msk vm13, v62  }
0xa6: {  	[tilespmem:s1+$0x1400] =	vst.msk vm5, v8  }
0xa7: {  	s0 =	sadd.s32 s0, s18;
	s18 =	sadd.s32 $0x30, s6;
	[tilespmem:s1+$0x1580] =	vst.msk vm5, v62  }
0xa8: {  	v63 =	vor.u32 s18, v3;
	[tilespmem:s0+$0x1100] =	vst.msk vm14, v7  }
0xa9: {  	s1 =	sadd.s32 s1, s19;
	[tilespmem:s0+$0x1280] =	vst.msk vm14, v63  }
0xaa: {  	[tilespmem:s1+$0x1400] =	vst.msk vm7, v7  }
.Ltmp8:
0xab: {  	s6 =	sadd.s32 $0x40, s6;
	s0 =	sadd.s32 s0, s20;
	[tilespmem:s1+$0x1580] =	vst.msk vm7, v63;
	(pc) =	sbr.rel .LBB2_7-.Ltmp8, $4  }
0xac: {  	s19 =	spop (v2sf);
	v7 =	vor.u32 s6, v3;
	[tilespmem:s0+$0x1100] =	vst.msk vm9, v6  }
0xad: {  	s1 =	sadd.s32 s1, s21;
	[tilespmem:s0+$0x1280] =	vst.msk vm9, v7;
	s20 =	spop (v2sf)  }
0xae: {  	[tilespmem:s1+$0x1400] =	vst.msk vm8, v6;
	s21 =	spop (v2sf)  }
0xaf: {  	s30 =	sadd.s32 s0, s19;
	[tilespmem:s1+$0x1580] =	vst.msk vm8, v7;
	s29 =	sadd.s32 s1, s20;
	s31 =	sadd.s32 s2, s21  }
.LBB2_10:
0xb0: {  	_ =	sfence.sel $0x180000  }
0xb1: {  	[bflag:$0x0] =	sbarrier.arrive $0xFFFF  }
0xb2: {  	_ =	strace $0x9000004A  }
0xb3: {  	s0 =	stileid.u32;
	[bflag:$0x2] =	sbarrier.arrive $0xFFFF  }
0xb4: {  	p0 =	sne.s32 s0, $0x0;
	s0 =	rddreg [dreg:$0x2]  }
0xb5: {  	s0 =	sadd.s32 @!p0 $0x100000, s0  }
0xb6: {  	[sflag:s0] =	ssyncadd.tile.s32 @!p0 $0x1;
	_ =	shalt  }
.Lfunc_end2:
_tile_overlayer_lowered:
.L_overlay_start_2:
0xb7: {  	(tag) =	ssettag $0x2  }
0xb8: {  	s0 =	rddreg [dreg:$0x0];
	s2 =	stileid.u32  }
0xb9: {  	s1 =	rddreg [dreg:$0x1];
	p0 =	sne.s32 s2, $0x0  }
0xba: {  	s3 =	rddreg [dreg:$0x2];
	[bflag:$0x3] =	sbarrier.arrive $0xFFFF;
	s2 =	simm.s32 @!p0 $0x1C01  }
0xbb: {  	[timem:s3], [sflag:s2] =	dma.local @!p0 [hbm:s0], s1  }
0xbc: {  	s0 =	simm.s32 @!p0 $0x1  }
0xbd: {  	_ =	swait.ge @!p0 [sflag:s0], s1  }
0xbe: {  	s1 =	ssub.s32 @!p0 $0x0, s1;
	[sflag:s0] =	ssyncset.done @!p0 $0x0  }
0xbf: {  	[sflag:s0] =	ssyncadd.s32 @!p0 s1  }
0xc0: {  	[bflag:$0x3] =	sbarrier.arrive $0xFFFF  }
0xc1: {  	_ =	shalt  }

// kernel: kernel.13.cloned.1.call-start
scs
__scs_entry_jumppad:
0x0: {  	(pc) =	sbr.rel $0x88, $3  }
0x1: {  	(tag) =	ssettag $0x0;
	lr =	simm.s32 $0x1  }
0x2: {  	[smem:$0x3F9A] =	sst lr;
	_ =	strace $0xD0000000  }
0x3: {  	_ = 	snop  }
0x4: {  	_ = 	snop  }
0x5: {  	_ = 	snop  }
0x6: {  	_ = 	snop  }
0x7: {  	_ = 	snop  }
__scs_overlays_trampoline_lowered:
0x8: {  	[smem:$0x3FA9] =	sst s0  }
0x9: {  	[smem:$0x3FAA] =	sst s1  }
0xa: {  	[smem:$0x3FAB] =	sst s2  }
0xb: {  	[smem:$0x3FAC] =	sst s3  }
0xc: {  	[smem:$0x3FAD] =	sst s4  }
0xd: {  	[smem:$0x3FAE] =	sst s5  }
0xe: {  	[smem:$0x3FAF] =	sst s6  }
0xf: {  	[smem:$0x3FB0] =	sst s7  }
0x10: {  	[smem:$0x3FB1] =	sst s8  }
0x11: {  	[smem:$0x3FB2] =	sst s9;
	s0 =	simm.s32 @!p0 $0x0  }
0x12: {  	s1 =	sld [smem:$0x3F98];
	s0 =	simm.s32 @p0 $0x1  }
0x13: {  	[smem:$0x3FB3] =	sst s0;
	s0 =	simm.s32 @!p1 $0x0  }
0x14: {  	s2 =	sld [smem:$0x3F97];
	s0 =	simm.s32 @p1 $0x1  }
0x15: {  	[smem:$0x3FB4] =	sst s0;
	s0 =	simm.s32 @!p2 $0x0  }
0x16: {  	s3 =	sld [smem:$0x3FDB];
	s0 =	simm.s32 @p2 $0x1  }
0x17: {  	s4 =	simm.s32 $0x1BF5;
	[smem:$0x3FB6] =	sst s0  }
0x18: {  	s0 =	sld [smem:$0x3F99];
	_ =	swait.ge [sflag:s4], $0x0  }
0x19: {  	s7 =	sld [smem:$0x3F9A]  }
0x1a: {  	s8 =	sadd.s32 $0xFFFFE003, lr  }
0x1b: {  	s9 =	sadd.s32 $0xFFFFFEF7, lr;
	s5 =	simm.s32 $0xFFFFFFFF;
	p2 =	slt.u32 s8, $0xFFFFF086  }
0x1c: {  	p1 =	slt.u32 s9, $0xF7A;
	s5 =	simm.s32 @!p2 $0x0  }
0x1d: {  	s5 =	simm.s32 @p1 $0x1;
	p0 =	seq.s32 s7, s2  }
0x1e: {  	s7 =	smul.u32 @!p0 $0xF7A, s2;
	p2 =	seq.s32 @!p0 s5, $0x0  }
0x1f: {  	s9 =	smul.u32 $0xF7A, s1;
	s8 =	simm.s32 @!p0 $0x1BF5;
	p2 =	por !p2, p0  }
0x20: {  	[sflag:s8] =	ssyncset.s32 @!p0 $0xFFFFF086;
	s6 =	sadd.s32 @!p0 s3, s7;
	s7 =	simm.s32 @!p0 $0x108  }
0x21: {  	s3 =	sadd.s32 s3, s9;
	s6 =	sadd.s32 @!p0 $0x88, s6;
	s7 =	simm.s32 @p2 $0x1082  }
0x22: {  	[simem:s7], [sflag:s8] =	dma.local @!p0 [hbm:s6], $0xF7A  }
0x23: {  	s9 =	sor.u32 $0xD0000000, s2;
	s6 =	simm.s32 $0x108;
	_ =	swait.ge @!p0 [sflag:s8], $0x0  }
0x24: {  	s3 =	sadd.s32 $0x88, s3;
	s6 =	simm.s32 @!p1 $0x1082;
	[sflag:s4] =	ssyncset.s32 $0xFFFFF086  }
0x25: {  	[simem:s6], [sflag:s4] =	dma.local [hbm:s3], $0xF7A  }
0x26: {  	[smem:$0x3F9A] =	sst s1;
	(tag) =	ssettag s2;
	_ =	strace s9  }
0x27: {  	s1 =	sld [smem:$0x3FAA]  }
0x28: {  	s2 =	sld [smem:$0x3FAB]  }
0x29: {  	s4 =	sld [smem:$0x3FAD]  }
0x2a: {  	p0 =	seq.s32 s5, $0x0;
	s5 =	sld [smem:$0x3FAE]  }
0x2b: {  	s6 =	sld [smem:$0x3FAF]  }
0x2c: {  	s7 =	sld [smem:$0x3FB0]  }
0x2d: {  	s3 =	simm.s32 $0x108;
	s8 =	sld [smem:$0x3FB1]  }
0x2e: {  	s3 =	simm.s32 @!p0 $0x1082;
	s9 =	sld [smem:$0x3FB2]  }
0x2f: {  	lr =	sadd.s32 s0, s3;
	s0 =	sld [smem:$0x3FA9]  }
0x30: {  	s3 =	sld [smem:$0x3FAC]  }
0x31: {  	[smem:$0x3FB5] =	sst s10  }
0x32: {  	s10 =	sld [smem:$0x3FB3];
	_ =	sdelay $0x3  }
0x33: {  	p0 =	seq.s32 s10, $0x1;
	s10 =	sld [smem:$0x3FB5];
	_ =	sdelay $0x3  }
0x34: {  	[smem:$0x3FB5] =	sst s10  }
0x35: {  	s10 =	sld [smem:$0x3FB4];
	_ =	sdelay $0x3  }
0x36: {  	p1 =	seq.s32 s10, $0x1;
	s10 =	sld [smem:$0x3FB5];
	_ =	sdelay $0x3  }
0x37: {  	[smem:$0x3FB5] =	sst s10  }
0x38: {  	s10 =	sld [smem:$0x3FB6]  }
0x39: {  	_ = 	snop;
	(pc) =	sbr.ind lr, $3  }
0x3a: {  	_ = 	snop  }
0x3b: {  	_ = 	snop  }
0x3c: {  	p2 =	seq.s32 s10, $0x1;
	s10 =	sld [smem:$0x3FB5]  }
0x3d: {  	_ =	shalt  }
0x3e: {  	_ =	shalt  }
0x3f: {  	_ =	shalt  }
0x40: {  	_ =	shalt  }
0x41: {  	_ =	shalt  }
0x42: {  	_ =	shalt  }
0x43: {  	_ =	shalt  }
0x44: {  	_ =	shalt  }
0x45: {  	_ =	shalt  }
0x46: {  	_ =	shalt  }
0x47: {  	_ =	shalt  }
0x48: {  	_ =	shalt  }
0x49: {  	_ =	shalt  }
0x4a: {  	_ =	shalt  }
0x4b: {  	_ =	shalt  }
0x4c: {  	_ =	shalt  }
0x4d: {  	_ =	shalt  }
0x4e: {  	_ =	shalt  }
0x4f: {  	_ =	shalt  }
0x50: {  	_ =	shalt  }
0x51: {  	_ =	shalt  }
0x52: {  	_ =	shalt  }
0x53: {  	_ =	shalt  }
0x54: {  	_ =	shalt  }
0x55: {  	_ =	shalt  }
0x56: {  	_ =	shalt  }
0x57: {  	_ =	shalt  }
0x58: {  	_ =	shalt  }
0x59: {  	_ =	shalt  }
0x5a: {  	_ =	shalt  }
0x5b: {  	_ =	shalt  }
0x5c: {  	_ =	shalt  }
0x5d: {  	_ =	shalt  }
0x5e: {  	_ =	shalt  }
0x5f: {  	_ =	shalt  }
0x60: {  	_ =	shalt  }
0x61: {  	_ =	shalt  }
0x62: {  	_ =	shalt  }
0x63: {  	_ =	shalt  }
0x64: {  	_ =	shalt  }
0x65: {  	_ =	shalt  }
0x66: {  	_ =	shalt  }
0x67: {  	_ =	shalt  }
0x68: {  	_ =	shalt  }
0x69: {  	_ =	shalt  }
0x6a: {  	_ =	shalt  }
0x6b: {  	_ =	shalt  }
0x6c: {  	_ =	shalt  }
0x6d: {  	_ =	shalt  }
0x6e: {  	_ =	shalt  }
0x6f: {  	_ =	shalt  }
0x70: {  	_ =	shalt  }
0x71: {  	_ =	shalt  }
0x72: {  	_ =	shalt  }
0x73: {  	_ =	shalt  }
0x74: {  	_ =	shalt  }
0x75: {  	_ =	shalt  }
0x76: {  	_ =	shalt  }
0x77: {  	_ =	shalt  }
0x78: {  	_ =	shalt  }
0x79: {  	_ =	shalt  }
0x7a: {  	_ =	shalt  }
0x7b: {  	_ =	shalt  }
0x7c: {  	_ =	shalt  }
0x7d: {  	_ =	shalt  }
0x7e: {  	_ =	shalt  }
0x7f: {  	_ =	shalt  }
0x80: {  	_ =	shalt  }
0x81: {  	_ =	shalt  }
0x82: {  	_ =	shalt  }
0x83: {  	_ =	shalt  }
0x84: {  	_ =	shalt  }
0x85: {  	_ =	shalt  }
0x86: {  	_ =	shalt  }
0x87: {  	_ =	shalt  }
.Lfunc_end0:
.L_simem_size_0:
called_computation.2_lowered:
.L_overlay_start_0:
0x88: {  	s2 =	sld [smem:$0x3FD9]  }
0x89: {  	s3 =	sld [smem:$0x3FFE];
	_ =	sdelay $0x1  }
0x8a: {  	s1 =	srdreg.scid  }
0x8b: {  	s0 =	sand.u32 $0x1, s1  }
0x8c: {  	s17 =	sshll.u32 s0, $0xA;
	s2 =	sadd.s32 s3, s2  }
0x8d: {  	s2 =	sadd.s32 s2, s17  }
0x8e: {  	[smem:$0x3FC1] =	sst s2  }
0x8f: {  	_ = 	snop  }
0x90: {  	s2 =	sld [smem:$0x3FC4]  }
0x91: {  	s18 =	sld [smem:$0x3FD0];
	(tm) =	ssettm $0x1  }
0x92: {  	s4 =	sld [smem:$0x3FFB];
	_ =	sdelay $0x3  }
0x93: {  	_ =	strace s4  }
0x94: {  	s4 =	sld [smem:$0x3FFC];
	_ =	sdelay $0x3  }
0x95: {  	_ =	strace s4  }
0x96: {  	s4 =	sld [smem:$0x3FFD];
	_ =	sdelay $0x3  }
0x97: {  	_ =	strace s4  }
0x98: {  	_ =	strace $0x8FFFFFFF  }
0x99: {  	s19 =	sld [smem:$0x3FDB];
	_ =	sdelay $0x1  }
0x9a: {  	s5 =	simm.s32 $_scs_section_size  }
0x9b: {  	s6 =	simm.s32 $_size__tile_overlayer_lowered;
	s7 =	simm.s32 $_tile_overlayer_lowered  }
0x9c: {  	s22 =	simm.s32 $0x1BFF;
	s21 =	sshll.u32 s7, $0x1;
	s4 =	sadd.s32 s5, s19  }
0x9d: {  	s8 =	simm.s32 $0x0;
	s20 =	sshll.u32 s6, $0x1;
	s6 =	sadd.s32 s21, s4  }
0x9e: {  	[timem:s8], [sflag:s22] =	dma.local [hbm:s6], s20  }
0x9f: {  	_ =	swait.ge [sflag:s22], s20  }
0xa0: {  	s5 =	ssub.s32 $0x0, s20;
	[sflag:s22] =	ssyncset.done $0x0  }
0xa1: {  	[sflag:s22] =	ssyncadd.s32 s5;
	_ =	sdelay $0x1  }
0xa2: {  	s23 =	simm.s32 $0x1B8B  }
0xa3: {  	_ =	swait.ge [sflag:s23], $0x1  }
0xa4: {  	[sflag:s23] =	ssyncset.done $0x0  }
0xa5: {  	s25 =	simm.s32 $0x1B8E;
	s24 =	sld [smem:$0x3FFE];
	[sflag:s23] =	ssyncadd.s32 $0xFFFFFFFF  }
0xa6: {  	s26 =	simm.s32 $execute0_lowered;
	[smem:$0x3FD2] =	sst s25  }
0xa7: {  	s6 =	sshll.u32 s26, $0x1;
	_ =	strace $0x8000004C;
	[dreg:$0x1] =	wrdreg $0xFFFFFFFF  }
0xa8: {  	s28 =	simm.s32 $_size_execute0_lowered;
	s4 =	sadd.s32 s4, s6;
	[dreg:$0x0] =	wrdreg $0x0  }
0xa9: {  	s6 =	sshll.u32 s28, $0x1;
	[dreg:$0x2] =	wrdreg s4  }
0xaa: {  	[dreg:$0x3] =	wrdreg s6  }
0xab: {  	[dreg:$0x4] =	wrdreg $0xC0  }
0xac: {  	_ =	task [dreg:s8], $0x5FFFF  }
0xad: {  	[dreg:$0x1] =	wrdreg $0xFFFFFFFF  }
0xae: {  	[dreg:$0x0] =	wrdreg $0x60  }
0xaf: {  	[dreg:$0x2] =	wrdreg s24  }
0xb0: {  	[dreg:$0x3] =	wrdreg s2  }
0xb1: {  	[dreg:$0x4] =	wrdreg s18  }
0xb2: {  	[dreg:$0x5] =	wrdreg $0x9  }
0xb3: {  	_ =	task.clear_ibuf [dreg:s8], $0x6FFFF;
	_ =	strace $0x9000004C  }
0xb4: {  	s29 =	simm.s32 $0x9;
	_ =	strace $0x8000004E  }
0xb5: {  	_ =	swait.ge [sflag:s29], $0x1  }
0xb6: {  	[sflag:s29] =	ssyncadd.s32 $0xFFFFFFFF  }
0xb7: {  	_ =	strace $0x9000004E  }
0xb8: {  	_ =	sfence  }
0xb9: {  	s30 =	sld [smem:$0x0];
	_ =	sdelay $0x2  }
0xba: {  	s31 =	sshll.u32 s1, $0xD;
	s1 =	sshrl.u32 s1, $0x2  }
0xbb: {  	s3 =	sand.u32 $0x4000, s31;
	s1 =	sadd.s32 s1, s30  }
0xbc: {  	s0 =	sor.u32 s3, s0;
	s1 =	sshll.u32 s1, $0x11  }
0xbd: {  	s0 =	sor.u32 s1, s0  }
0xbe: {  	s0 =	sadd.s32 $0x8F2B, s0  }
0xbf: {  	[sflag:s0] =	ssyncadd.remote.s32 $0x1  }
0xc0: {  	_ =	sfence.sel $0xFFFF  }
0xc1: {  	[dreg:$0x0] =	wrdreg $0xFFFFFFFF;
	(pc) =	sbr.abs _section_cstart, $3  }
0xc2: {  	[dreg:$0x1] =	wrdreg $0xFFFFFFFF  }
0xc3: {  	_ =	task.clear_ibuf [dreg:s8], $0x2FFFF;
	_ =	strace $0x9FFFFFFF  }
0xc4: {  	(tm) =	ssettm $0x7FFFFFFF  }
0xc5: {  	_ =	shalt  }
tec
execute0_lowered:
.L_overlay_start_1:
0x0: {  	(tag) =	ssettag $0x1  }
0x1: {  	s0 =	rddreg [dreg:$0x0]  }
0x2: {  	s2 =	rddreg [dreg:$0x1]  }
0x3: {  	s1 =	rddreg [dreg:$0x2]  }
0x4: {  	s3 =	srdreg.scid;
	s5 =	stileid.u32  }
0x5: {  	s9 =	simm.s32 $0x2;
	s10 =	simm.s32 $0x100;
	s12 =	simm.s32 $0x1  }
0x6: {  	s13 =	simm.s32 $0x180;
	s16 =	simm.s32 $0x1980;
	s17 =	simm.s32 $0x2180  }
0x7: {  	s18 =	simm.s32 $0x2980;
	s19 =	simm.s32 $0x3180;
	s20 =	simm.s32 $0x3980  }
0x8: {  	s21 =	simm.s32 $0x4180;
	s22 =	simm.s32 $0x4980;
	s23 =	simm.s32 $0x5180  }
0x9: {  	s24 =	simm.s32 $0x5980;
	s25 =	simm.s32 $0x6180;
	s28 =	simm.s32 $0x7180  }
0xa: {  	s29 =	simm.s32 $0x7980;
	s30 =	simm.s32 $0x0;
	s4 =	sand.u32 $0x1, s3  }
0xb: {  	s3 =	simm.s32 $0x0;
	s5 =	sshll.u32 s5, $0x8;
	s6 =	sshll.u32 s4, $0x7  }
0xc: {  	[smem:$0x7FF] =	sst s3;
	s7 =	ssub.s32 $0x2, s4;
	s6 =	sor.u32 s6, s5  }
0xd: {  	s4 =	sadd.s32 $0x200, s0;
	_ =	strace $0x8000004D;
	s5 =	sshrl.u32 s6, $0x3  }
0xe: {  	v2 =	vlaneseq.u32;
	s26 =	sshrl.u32 s7, $0x1;
	s31 =	sshll.u32 s6, $0x5;
	s8 =	sadd.s32 s5, s0  }
0xf: {  	vm0 =	vmmov $0xffff;
	v1 =	vshrl.u32 v2, $0x3;
	s0 =	ssub.s32 s7, s26;
	s7 =	sadd.s32 s1, s31;
	s26 =	simm.s32 $0x6980  }
0x10: {  	v0 =	vand.u32 $0x7, v2;
	v2 =	vor.u32 $0x8, v2;
	v1 =	vmul.u32 $0x8, v1;
	s5 =	sadd.s32 $0x5400, s8;
	s6 =	sadd.s32 $0x5200, s8;
	s8 =	smax.u32 s0, $0x1  }
.LBB2_1:
0x11: {  	[tilespmem:s3], [sflag:$0x2] =	stream.linear.gather [hbm4b:s5+s3], $0x80, $0x38;
	[tilespmem:$0x8180] =	vst v63  }
0x12: {  	_ =	swait.ge [sflag:s9], $0x80  }
0x13: {  	[sflag:s9] =	ssyncset.done $0x0  }
0x14: {  	[sflag:s9] =	ssyncadd.s32 $0xFFFFFF80  }
0x15: {  	[tilespmem:s10], [sflag:$0x2] =	stream.linear.gather [hbm4b:s6+s3], $0x80, $0x38;
	[tilespmem:$0x8180] =	vst v63  }
0x16: {  	_ =	swait.ge [sflag:s9], $0x80  }
0x17: {  	[sflag:s9] =	ssyncset.done $0x0  }
0x18: {  	s0 =	simm.s32 $0x80;
	[sflag:s9] =	ssyncadd.s32 $0xFFFFFF80  }
0x19: {  	[tilespmem:s0], [sflag:$0x1] =	stream.indirect.gather [hbm4b:s4+s0], $0x1, s3, s0, $0xb8;
	[tilespmem:$0x8180] =	vst v63  }
0x1a: {  	_ =	swait.ge [sflag:s12], $0x80  }
0x1b: {  	[sflag:s12] =	ssyncset.done $0x0  }
0x1c: {  	[sflag:s12] =	ssyncadd.s32 $0xFFFFFF80  }
0x1d: {  	v3 =	vld [tilespmem:$0x80];
	_ =	sdelay $0x4  }
0x1e: {  	v4 =	vshll.u32 v3, $0x1  }
0x1f: {  	v3 =	vand.u32 $0x7, v3;
	v4 =	vand.u32 $0xFFFFFFF0, v4  }
0x20: {  	v3 =	vor.u32 v3, v4  }
0x21: {  	v4 =	vperm.xlane v3, v0;
	_ =	sdelay $0x1  }
0x22: {  	v3 =	vperm.xlane v3, v2;
	v4 =	vadd.s32 v1, v4;
	_ =	sdelay $0x1  }
0x23: {  	v3 =	vadd.s32 v1, v3;
	_ =	sdelay $0x2  }
0x24: {  	[tilespmem:s13], [sflag:$0x1] =	stream.indirect_vreg.gather [hbm4b:s2+s3], $0x80, v4, vm0, $0xb8;
	[tilespmem:$0x8180] =	vst v63  }
0x25: {  	s11 =	simm.s32 $0x980  }
0x26: {  	[tilespmem:s11], [sflag:$0x1] =	stream.indirect_vreg.gather [hbm4b:s2+s3], $0x80, v3, vm0, $0xb8;
	[tilespmem:$0x8180] =	vst v63  }
0x27: {  	v3 =	vld [tilespmem:$0x90];
	_ =	sdelay $0x4  }
0x28: {  	v4 =	vshll.u32 v3, $0x1  }
0x29: {  	v3 =	vand.u32 $0x7, v3;
	v4 =	vand.u32 $0xFFFFFFF0, v4  }
0x2a: {  	v3 =	vor.u32 v3, v4  }
0x2b: {  	v4 =	vperm.xlane v3, v0;
	_ =	sdelay $0x1  }
0x2c: {  	v3 =	vperm.xlane v3, v2;
	v4 =	vadd.s32 v1, v4;
	_ =	sdelay $0x1  }
0x2d: {  	v3 =	vadd.s32 v1, v3;
	_ =	sdelay $0x1  }
0x2e: {  	s14 =	simm.s32 $0x1180  }
0x2f: {  	[tilespmem:s14], [sflag:$0x1] =	stream.indirect_vreg.gather [hbm4b:s2+s3], $0x80, v4, vm0, $0xb8;
	[tilespmem:$0x8180] =	vst v63  }
0x30: {  	_ = 	snop  }
0x31: {  	[tilespmem:s16], [sflag:$0x1] =	stream.indirect_vreg.gather [hbm4b:s2+s3], $0x80, v3, vm0, $0xb8;
	[tilespmem:$0x8180] =	vst v63  }
0x32: {  	v3 =	vld [tilespmem:$0xA0];
	_ =	sdelay $0x4  }
0x33: {  	v4 =	vshll.u32 v3, $0x1  }
0x34: {  	v3 =	vand.u32 $0x7, v3;
	v4 =	vand.u32 $0xFFFFFFF0, v4  }
0x35: {  	v3 =	vor.u32 v3, v4  }
0x36: {  	v4 =	vperm.xlane v3, v0;
	_ =	sdelay $0x1  }
0x37: {  	v3 =	vperm.xlane v3, v2;
	v4 =	vadd.s32 v1, v4;
	_ =	sdelay $0x1  }
0x38: {  	v3 =	vadd.s32 v1, v3;
	_ =	sdelay $0x2  }
0x39: {  	[tilespmem:s17], [sflag:$0x1] =	stream.indirect_vreg.gather [hbm4b:s2+s3], $0x80, v4, vm0, $0xb8;
	[tilespmem:$0x8180] =	vst v63  }
0x3a: {  	_ = 	snop  }
0x3b: {  	[tilespmem:s18], [sflag:$0x1] =	stream.indirect_vreg.gather [hbm4b:s2+s3], $0x80, v3, vm0, $0xb8;
	[tilespmem:$0x8180] =	vst v63  }
0x3c: {  	v3 =	vld [tilespmem:$0xB0];
	_ =	sdelay $0x4  }
0x3d: {  	v4 =	vshll.u32 v3, $0x1  }
0x3e: {  	v3 =	vand.u32 $0x7, v3;
	v4 =	vand.u32 $0xFFFFFFF0, v4  }
0x3f: {  	v3 =	vor.u32 v3, v4  }
0x40: {  	v4 =	vperm.xlane v3, v0;
	_ =	sdelay $0x1  }
0x41: {  	v3 =	vperm.xlane v3, v2;
	v4 =	vadd.s32 v1, v4;
	_ =	sdelay $0x1  }
0x42: {  	v3 =	vadd.s32 v1, v3;
	_ =	sdelay $0x2  }
0x43: {  	[tilespmem:s19], [sflag:$0x1] =	stream.indirect_vreg.gather [hbm4b:s2+s3], $0x80, v4, vm0, $0xb8;
	[tilespmem:$0x8180] =	vst v63  }
0x44: {  	_ = 	snop  }
0x45: {  	[tilespmem:s20], [sflag:$0x1] =	stream.indirect_vreg.gather [hbm4b:s2+s3], $0x80, v3, vm0, $0xb8;
	[tilespmem:$0x8180] =	vst v63  }
0x46: {  	v3 =	vld [tilespmem:$0xC0];
	_ =	sdelay $0x4  }
0x47: {  	v4 =	vshll.u32 v3, $0x1  }
0x48: {  	v3 =	vand.u32 $0x7, v3;
	v4 =	vand.u32 $0xFFFFFFF0, v4  }
0x49: {  	v3 =	vor.u32 v3, v4  }
0x4a: {  	v4 =	vperm.xlane v3, v0;
	_ =	sdelay $0x1  }
0x4b: {  	v3 =	vperm.xlane v3, v2;
	v4 =	vadd.s32 v1, v4;
	_ =	sdelay $0x1  }
0x4c: {  	v3 =	vadd.s32 v1, v3;
	_ =	sdelay $0x2  }
0x4d: {  	[tilespmem:s21], [sflag:$0x1] =	stream.indirect_vreg.gather [hbm4b:s2+s3], $0x80, v4, vm0, $0xb8;
	[tilespmem:$0x8180] =	vst v63  }
0x4e: {  	_ = 	snop  }
0x4f: {  	[tilespmem:s22], [sflag:$0x1] =	stream.indirect_vreg.gather [hbm4b:s2+s3], $0x80, v3, vm0, $0xb8;
	[tilespmem:$0x8180] =	vst v63  }
0x50: {  	v3 =	vld [tilespmem:$0xD0];
	_ =	sdelay $0x4  }
0x51: {  	v4 =	vshll.u32 v3, $0x1  }
0x52: {  	v3 =	vand.u32 $0x7, v3;
	v4 =	vand.u32 $0xFFFFFFF0, v4  }
0x53: {  	v3 =	vor.u32 v3, v4  }
0x54: {  	v4 =	vperm.xlane v3, v0;
	_ =	sdelay $0x1  }
0x55: {  	v3 =	vperm.xlane v3, v2;
	v4 =	vadd.s32 v1, v4;
	_ =	sdelay $0x1  }
0x56: {  	v3 =	vadd.s32 v1, v3;
	_ =	sdelay $0x2  }
0x57: {  	[tilespmem:s23], [sflag:$0x1] =	stream.indirect_vreg.gather [hbm4b:s2+s3], $0x80, v4, vm0, $0xb8;
	[tilespmem:$0x8180] =	vst v63  }
0x58: {  	_ = 	snop  }
0x59: {  	[tilespmem:s24], [sflag:$0x1] =	stream.indirect_vreg.gather [hbm4b:s2+s3], $0x80, v3, vm0, $0xb8;
	[tilespmem:$0x8180] =	vst v63  }
0x5a: {  	v3 =	vld [tilespmem:$0xE0];
	_ =	sdelay $0x4  }
0x5b: {  	v4 =	vshll.u32 v3, $0x1  }
0x5c: {  	v3 =	vand.u32 $0x7, v3;
	v4 =	vand.u32 $0xFFFFFFF0, v4  }
0x5d: {  	v3 =	vor.u32 v3, v4  }
0x5e: {  	v4 =	vperm.xlane v3, v0;
	_ =	sdelay $0x1  }
0x5f: {  	v3 =	vperm.xlane v3, v2;
	v4 =	vadd.s32 v1, v4;
	_ =	sdelay $0x1  }
0x60: {  	v3 =	vadd.s32 v1, v3;
	_ =	sdelay $0x2  }
0x61: {  	[tilespmem:s25], [sflag:$0x1] =	stream.indirect_vreg.gather [hbm4b:s2+s3], $0x80, v4, vm0, $0xb8;
	[tilespmem:$0x8180] =	vst v63  }
0x62: {  	_ = 	snop  }
0x63: {  	[tilespmem:s26], [sflag:$0x1] =	stream.indirect_vreg.gather [hbm4b:s2+s3], $0x80, v3, vm0, $0xb8;
	[tilespmem:$0x8180] =	vst v63  }
0x64: {  	v3 =	vld [tilespmem:$0xF0];
	_ =	sdelay $0x4  }
0x65: {  	v4 =	vshll.u32 v3, $0x1  }
0x66: {  	v3 =	vand.u32 $0x7, v3;
	v4 =	vand.u32 $0xFFFFFFF0, v4  }
0x67: {  	v3 =	vor.u32 v3, v4  }
0x68: {  	v4 =	vperm.xlane v3, v0;
	_ =	sdelay $0x1  }
0x69: {  	v3 =	vperm.xlane v3, v2;
	v4 =	vadd.s32 v1, v4;
	_ =	sdelay $0x1  }
0x6a: {  	v3 =	vadd.s32 v1, v3;
	_ =	sdelay $0x2  }
0x6b: {  	[tilespmem:s28], [sflag:$0x1] =	stream.indirect_vreg.gather [hbm4b:s2+s3], $0x80, v4, vm0, $0xb8;
	[tilespmem:$0x8180] =	vst v63  }
0x6c: {  	_ = 	snop  }
0x6d: {  	[tilespmem:s29], [sflag:$0x1] =	stream.indirect_vreg.gather [hbm4b:s2+s3], $0x80, v3, vm0, $0xb8;
	[tilespmem:$0x8180] =	vst v63  }
0x6e: {  	_ =	swait.ge [sflag:s12], $0x8000  }
0x6f: {  	s15 =	sand.u32 $0x7800, s3;
	s1 =	sand.u32 $0x380, s3;
	[sflag:s12] =	ssyncset.done $0x0  }
0x70: {  	s31 =	sor.u32 s1, s15;
	[sflag:s12] =	ssyncadd.s32 $0xFFFF8000  }
0x71: {  	v5 =	vld [tilespmem:s31+$0x1B0]  }
0x72: {  	v3 =	vmov s3;
	v7 =	vld [tilespmem:s31+$0x1D0]  }
0x73: {  	v6 =	vld [tilespmem:s31+$0x5C0]  }
0x74: {  	v4 =	vld [tilespmem:s31+$0x5D0]  }
0x75: {  	v8 =	vld [tilespmem:s31+$0x5F0]  }
0x76: {  	v10 =	vld [tilespmem:s31+$0x1C0]  }
0x77: {  	v3 =	vld.idx.msk [tilespmem:v3+s10+$0x0], $0xffff  }
0x78: {  	s1 =	simm.s32 $0x0;
	s0 =	simm.s32 $0x1;
	s11 =	simm.s32 $0x0;
	v9 =	vld [tilespmem:s31+$0x1E0]  }
.LBB2_2:
0x79: {  	p0 =	sne.s32 s0, $0x7F;
	v11 =	vld [tilespmem:s31+$0x580];
	s1 =	sadd.s32 $0x80, s1;
	s11 =	sadd.s32 $0x100, s11  }
0x7a: {  	s14 =	smov.u32 s0;
	s0 =	sadd.s32 $0x1, s0;
	v12 =	vld [tilespmem:s31+$0x1A0]  }
0x7b: {  	v13 =	vld [tilespmem:s31+$0x5E0]  }
0x7c: {  	v7 =	vmul.f32 v7, v3;
	v10 =	vmul.f32 v10, v3;
	v14 =	vld [tilespmem:s31+$0x5A0]  }
0x7d: {  	v8 =	vmul.f32 v8, v3;
	v9 =	vmul.f32 v9, v3;
	v15 =	vld [tilespmem:s31+$0x590]  }
0x7e: {  	v5 =	vmul.f32 v5, v3;
	v6 =	vmul.f32 v6, v3;
	[tilespmem:s31+$0x1C0] =	vst v10;
	v10 =	vld [tilespmem:s31+$0x5B0]  }
0x7f: {  	v16 =	vld [tilespmem:s31+$0x190];
	[tilespmem:s31+$0x1E0] =	vst v9  }
0x80: {  	[tilespmem:s31+$0x1D0] =	vst v7;
	v7 =	vld [tilespmem:s31+$0x1F0]  }
0x81: {  	v9 =	vld [tilespmem:s31+$0x180];
	[tilespmem:s31+$0x5F0] =	vst v8  }
0x82: {  	v4 =	vmul.f32 v4, v3;
	[tilespmem:s31+$0x1B0] =	vst v5;
	v5 =	vmul.f32 v13, v3  }
0x83: {  	v8 =	vmul.f32 v12, v3;
	v10 =	vmul.f32 v10, v3;
	[tilespmem:s31+$0x5C0] =	vst v6  }
0x84: {  	s15 =	sand.u32 $0x380, s1;
	v12 =	vmov s14;
	s14 =	sand.u32 $0x7800, s11;
	v6 =	vmul.f32 v11, v3;
	v11 =	vmul.f32 v14, v3;
	[tilespmem:s31+$0x5D0] =	vst v4  }
0x85: {  	s14 =	sor.u32 s15, s14;
	v14 =	vmul.f32 v15, v3;
	v13 =	vmul.f32 v7, v3;
	[tilespmem:s31+$0x5E0] =	vst v5  }
0x86: {  	v5 =	vld [tilespmem:s14+$0x1B0];
	v9 =	vmul.f32 v9, v3;
	v3 =	vmul.f32 v16, v3;
	[tilespmem:s31+$0x1A0] =	vst v8  }
0x87: {  	v7 =	vld [tilespmem:s14+$0x1D0];
	[tilespmem:s31+$0x580] =	vst v6  }
0x88: {  	v6 =	vld [tilespmem:s14+$0x5C0];
	[tilespmem:s31+$0x5A0] =	vst v11  }
0x89: {  	[tilespmem:s31+$0x5B0] =	vst v10  }
0x8a: {  	v4 =	vld [tilespmem:s14+$0x5D0];
	[tilespmem:s31+$0x590] =	vst v14  }
0x8b: {  	[tilespmem:s31+$0x1F0] =	vst v13  }
.Ltmp0:
0x8c: {  	[tilespmem:s31+$0x190] =	vst v3;
	(pc) =	sbr.rel @p0 .LBB2_2-.Ltmp0, $4  }
0x8d: {  	v8 =	vld [tilespmem:s14+$0x5F0];
	[tilespmem:s31+$0x180] =	vst v9;
	s31 =	smov.u32 s14  }
0x8e: {  	v3 =	vld.idx.msk [tilespmem:v12+s10+$0x0], $0xffff  }
0x8f: {  	v10 =	vld [tilespmem:s31+$0x1C0]  }
0x90: {  	v9 =	vld [tilespmem:s31+$0x1E0]  }
0x91: {  	_ =	sdelay $0x1  }
0x92: {  	v7 =	vmul.f32 v7, v3  }
0x93: {  	v8 =	vmul.f32 v8, v3  }
0x94: {  	v13 =	vld [tilespmem:s31+$0x5E0];
	v5 =	vmul.f32 v5, v3;
	[tilespmem:s31+$0x1D0] =	vst v7  }
0x95: {  	v12 =	vld [tilespmem:s31+$0x1A0];
	v6 =	vmul.f32 v6, v3;
	[tilespmem:s31+$0x5F0] =	vst v8  }
0x96: {  	v11 =	vld [tilespmem:s31+$0x580];
	v4 =	vmul.f32 v4, v3;
	[tilespmem:s31+$0x1B0] =	vst v5  }
0x97: {  	v14 =	vld [tilespmem:s31+$0x5A0];
	v10 =	vmul.f32 v10, v3;
	[tilespmem:s31+$0x5C0] =	vst v6  }
0x98: {  	v56 =	vld [tilespmem:s31+$0x5B0];
	v9 =	vmul.f32 v9, v3;
	[tilespmem:s31+$0x5D0] =	vst v4  }
0x99: {  	v53 =	vld [tilespmem:s31+$0x590];
	[tilespmem:s31+$0x1C0] =	vst v10;
	v57 =	vmul.f32 v13, v3  }
0x9a: {  	v58 =	vld [tilespmem:s31+$0x1F0];
	v12 =	vmul.f32 v12, v3;
	[tilespmem:s31+$0x1E0] =	vst v9  }
0x9b: {  	v54 =	vld [tilespmem:s31+$0x190];
	v59 =	vmul.f32 v11, v3;
	[tilespmem:s31+$0x5E0] =	vst v57  }
0x9c: {  	v55 =	vld [tilespmem:s31+$0x180];
	v60 =	vmul.f32 v14, v3;
	[tilespmem:s31+$0x1A0] =	vst v12  }
0x9d: {  	v8 =	vmul.f32 v56, v3;
	[tilespmem:s31+$0x580] =	vst v59  }
0x9e: {  	v61 =	vmul.f32 v53, v3;
	[tilespmem:s31+$0x5A0] =	vst v60  }
0x9f: {  	v62 =	vmul.f32 v58, v3;
	[tilespmem:s31+$0x5B0] =	vst v8  }
0xa0: {  	v63 =	vmul.f32 v54, v3;
	[tilespmem:s31+$0x590] =	vst v61  }
0xa1: {  	s30 =	sadd.s32 $0x1, s30;
	v3 =	vmul.f32 v55, v3;
	[tilespmem:s31+$0x1F0] =	vst v62  }
0xa2: {  	p0 =	sne.s32 s30, s8;
	[tilespmem:s31+$0x190] =	vst v63  }
.Ltmp1:
0xa3: {  	[tilespmem:s31+$0x180] =	vst v3;
	(pc) =	sbr.rel @p0 .LBB2_1-.Ltmp1, $4  }
0xa4: {  	[hbm4b:s7+s3] =	stream.linear.scatter [tilespmem:s13], [sflag:$0x2], $0x8000, $0x38;
	[tilespmem:$0x8180] =	vst v63  }
0xa5: {  	_ =	swait.ge [sflag:s9], $0x8000  }
0xa6: {  	[sflag:s9] =	ssyncset.done $0x0  }
0xa7: {  	[sflag:s9] =	ssyncadd.s32 $0xFFFF8000  }
0xa8: {  	_ =	sfence.sel $0x180000  }
0xa9: {  	[bflag:$0x0] =	sbarrier.arrive $0xFFFF  }
0xaa: {  	_ =	strace $0x9000004D  }
0xab: {  	s0 =	stileid.u32;
	[bflag:$0x2] =	sbarrier.arrive $0xFFFF  }
0xac: {  	p0 =	sne.s32 s0, $0x0;
	s0 =	rddreg [dreg:$0x3]  }
0xad: {  	s0 =	sadd.s32 @!p0 $0x100000, s0  }
0xae: {  	[sflag:s0] =	ssyncadd.tile.s32 @!p0 $0x1;
	_ =	shalt  }
.Lfunc_end2:
_tile_overlayer_lowered:
.L_overlay_start_2:
0xaf: {  	(tag) =	ssettag $0x2  }
0xb0: {  	s0 =	rddreg [dreg:$0x0];
	s2 =	stileid.u32  }
0xb1: {  	s1 =	rddreg [dreg:$0x1];
	p0 =	sne.s32 s2, $0x0  }
0xb2: {  	s3 =	rddreg [dreg:$0x2];
	[bflag:$0x3] =	sbarrier.arrive $0xFFFF;
	s2 =	simm.s32 @!p0 $0x1C02  }
0xb3: {  	[timem:s3], [sflag:s2] =	dma.local @!p0 [hbm:s0], s1  }
0xb4: {  	s0 =	simm.s32 @!p0 $0x2  }
0xb5: {  	_ =	swait.ge @!p0 [sflag:s0], s1  }
0xb6: {  	s1 =	ssub.s32 @!p0 $0x0, s1;
	[sflag:s0] =	ssyncset.done @!p0 $0x0  }
0xb7: {  	[sflag:s0] =	ssyncadd.s32 @!p0 s1  }
0xb8: {  	[bflag:$0x3] =	sbarrier.arrive $0xFFFF  }
0xb9: {  	_ =	shalt  }

// kernel: kernel.7.cloned.1.call-start
scs
__scs_entry_jumppad:
0x0: {  	(pc) =	sbr.rel $0x88, $3  }
0x1: {  	(tag) =	ssettag $0x0;
	lr =	simm.s32 $0x1  }
0x2: {  	[smem:$0x3F9A] =	sst lr;
	_ =	strace $0xD0000000  }
0x3: {  	_ = 	snop  }
0x4: {  	_ = 	snop  }
0x5: {  	_ = 	snop  }
0x6: {  	_ = 	snop  }
0x7: {  	_ = 	snop  }
__scs_overlays_trampoline_lowered:
0x8: {  	[smem:$0x3FA9] =	sst s0  }
0x9: {  	[smem:$0x3FAA] =	sst s1  }
0xa: {  	[smem:$0x3FAB] =	sst s2  }
0xb: {  	[smem:$0x3FAC] =	sst s3  }
0xc: {  	[smem:$0x3FAD] =	sst s4  }
0xd: {  	[smem:$0x3FAE] =	sst s5  }
0xe: {  	[smem:$0x3FAF] =	sst s6  }
0xf: {  	[smem:$0x3FB0] =	sst s7  }
0x10: {  	[smem:$0x3FB1] =	sst s8  }
0x11: {  	[smem:$0x3FB2] =	sst s9;
	s0 =	simm.s32 @!p0 $0x0  }
0x12: {  	s1 =	sld [smem:$0x3F98];
	s0 =	simm.s32 @p0 $0x1  }
0x13: {  	[smem:$0x3FB3] =	sst s0;
	s0 =	simm.s32 @!p1 $0x0  }
0x14: {  	s2 =	sld [smem:$0x3F97];
	s0 =	simm.s32 @p1 $0x1  }
0x15: {  	[smem:$0x3FB4] =	sst s0;
	s0 =	simm.s32 @!p2 $0x0  }
0x16: {  	s3 =	sld [smem:$0x3FDB];
	s0 =	simm.s32 @p2 $0x1  }
0x17: {  	s4 =	simm.s32 $0x1BF5;
	[smem:$0x3FB6] =	sst s0  }
0x18: {  	s0 =	sld [smem:$0x3F99];
	_ =	swait.ge [sflag:s4], $0x0  }
0x19: {  	s7 =	sld [smem:$0x3F9A]  }
0x1a: {  	s8 =	sadd.s32 $0xFFFFE003, lr  }
0x1b: {  	s9 =	sadd.s32 $0xFFFFFEF7, lr;
	s5 =	simm.s32 $0xFFFFFFFF;
	p2 =	slt.u32 s8, $0xFFFFF086  }
0x1c: {  	p1 =	slt.u32 s9, $0xF7A;
	s5 =	simm.s32 @!p2 $0x0  }
0x1d: {  	s5 =	simm.s32 @p1 $0x1;
	p0 =	seq.s32 s7, s2  }
0x1e: {  	s7 =	smul.u32 @!p0 $0xF7A, s2;
	p2 =	seq.s32 @!p0 s5, $0x0  }
0x1f: {  	s9 =	smul.u32 $0xF7A, s1;
	s8 =	simm.s32 @!p0 $0x1BF5;
	p2 =	por !p2, p0  }
0x20: {  	[sflag:s8] =	ssyncset.s32 @!p0 $0xFFFFF086;
	s6 =	sadd.s32 @!p0 s3, s7;
	s7 =	simm.s32 @!p0 $0x108  }
0x21: {  	s3 =	sadd.s32 s3, s9;
	s6 =	sadd.s32 @!p0 $0x88, s6;
	s7 =	simm.s32 @p2 $0x1082  }
0x22: {  	[simem:s7], [sflag:s8] =	dma.local @!p0 [hbm:s6], $0xF7A  }
0x23: {  	s9 =	sor.u32 $0xD0000000, s2;
	s6 =	simm.s32 $0x108;
	_ =	swait.ge @!p0 [sflag:s8], $0x0  }
0x24: {  	s3 =	sadd.s32 $0x88, s3;
	s6 =	simm.s32 @!p1 $0x1082;
	[sflag:s4] =	ssyncset.s32 $0xFFFFF086  }
0x25: {  	[simem:s6], [sflag:s4] =	dma.local [hbm:s3], $0xF7A  }
0x26: {  	[smem:$0x3F9A] =	sst s1;
	(tag) =	ssettag s2;
	_ =	strace s9  }
0x27: {  	s1 =	sld [smem:$0x3FAA]  }
0x28: {  	s2 =	sld [smem:$0x3FAB]  }
0x29: {  	s4 =	sld [smem:$0x3FAD]  }
0x2a: {  	p0 =	seq.s32 s5, $0x0;
	s5 =	sld [smem:$0x3FAE]  }
0x2b: {  	s6 =	sld [smem:$0x3FAF]  }
0x2c: {  	s7 =	sld [smem:$0x3FB0]  }
0x2d: {  	s3 =	simm.s32 $0x108;
	s8 =	sld [smem:$0x3FB1]  }
0x2e: {  	s3 =	simm.s32 @!p0 $0x1082;
	s9 =	sld [smem:$0x3FB2]  }
0x2f: {  	lr =	sadd.s32 s0, s3;
	s0 =	sld [smem:$0x3FA9]  }
0x30: {  	s3 =	sld [smem:$0x3FAC]  }
0x31: {  	[smem:$0x3FB5] =	sst s10  }
0x32: {  	s10 =	sld [smem:$0x3FB3];
	_ =	sdelay $0x3  }
0x33: {  	p0 =	seq.s32 s10, $0x1;
	s10 =	sld [smem:$0x3FB5];
	_ =	sdelay $0x3  }
0x34: {  	[smem:$0x3FB5] =	sst s10  }
0x35: {  	s10 =	sld [smem:$0x3FB4];
	_ =	sdelay $0x3  }
0x36: {  	p1 =	seq.s32 s10, $0x1;
	s10 =	sld [smem:$0x3FB5];
	_ =	sdelay $0x3  }
0x37: {  	[smem:$0x3FB5] =	sst s10  }
0x38: {  	s10 =	sld [smem:$0x3FB6]  }
0x39: {  	_ = 	snop;
	(pc) =	sbr.ind lr, $3  }
0x3a: {  	_ = 	snop  }
0x3b: {  	_ = 	snop  }
0x3c: {  	p2 =	seq.s32 s10, $0x1;
	s10 =	sld [smem:$0x3FB5]  }
0x3d: {  	_ =	shalt  }
0x3e: {  	_ =	shalt  }
0x3f: {  	_ =	shalt  }
0x40: {  	_ =	shalt  }
0x41: {  	_ =	shalt  }
0x42: {  	_ =	shalt  }
0x43: {  	_ =	shalt  }
0x44: {  	_ =	shalt  }
0x45: {  	_ =	shalt  }
0x46: {  	_ =	shalt  }
0x47: {  	_ =	shalt  }
0x48: {  	_ =	shalt  }
0x49: {  	_ =	shalt  }
0x4a: {  	_ =	shalt  }
0x4b: {  	_ =	shalt  }
0x4c: {  	_ =	shalt  }
0x4d: {  	_ =	shalt  }
0x4e: {  	_ =	shalt  }
0x4f: {  	_ =	shalt  }
0x50: {  	_ =	shalt  }
0x51: {  	_ =	shalt  }
0x52: {  	_ =	shalt  }
0x53: {  	_ =	shalt  }
0x54: {  	_ =	shalt  }
0x55: {  	_ =	shalt  }
0x56: {  	_ =	shalt  }
0x57: {  	_ =	shalt  }
0x58: {  	_ =	shalt  }
0x59: {  	_ =	shalt  }
0x5a: {  	_ =	shalt  }
0x5b: {  	_ =	shalt  }
0x5c: {  	_ =	shalt  }
0x5d: {  	_ =	shalt  }
0x5e: {  	_ =	shalt  }
0x5f: {  	_ =	shalt  }
0x60: {  	_ =	shalt  }
0x61: {  	_ =	shalt  }
0x62: {  	_ =	shalt  }
0x63: {  	_ =	shalt  }
0x64: {  	_ =	shalt  }
0x65: {  	_ =	shalt  }
0x66: {  	_ =	shalt  }
0x67: {  	_ =	shalt  }
0x68: {  	_ =	shalt  }
0x69: {  	_ =	shalt  }
0x6a: {  	_ =	shalt  }
0x6b: {  	_ =	shalt  }
0x6c: {  	_ =	shalt  }
0x6d: {  	_ =	shalt  }
0x6e: {  	_ =	shalt  }
0x6f: {  	_ =	shalt  }
0x70: {  	_ =	shalt  }
0x71: {  	_ =	shalt  }
0x72: {  	_ =	shalt  }
0x73: {  	_ =	shalt  }
0x74: {  	_ =	shalt  }
0x75: {  	_ =	shalt  }
0x76: {  	_ =	shalt  }
0x77: {  	_ =	shalt  }
0x78: {  	_ =	shalt  }
0x79: {  	_ =	shalt  }
0x7a: {  	_ =	shalt  }
0x7b: {  	_ =	shalt  }
0x7c: {  	_ =	shalt  }
0x7d: {  	_ =	shalt  }
0x7e: {  	_ =	shalt  }
0x7f: {  	_ =	shalt  }
0x80: {  	_ =	shalt  }
0x81: {  	_ =	shalt  }
0x82: {  	_ =	shalt  }
0x83: {  	_ =	shalt  }
0x84: {  	_ =	shalt  }
0x85: {  	_ =	shalt  }
0x86: {  	_ =	shalt  }
0x87: {  	_ =	shalt  }
.Lfunc_end0:
.L_simem_size_0:
called_computation_lowered:
.L_overlay_start_0:
0x88: {  	s2 =	sld [smem:$0x3FD9]  }
0x89: {  	s3 =	sld [smem:$0x3FFE];
	_ =	sdelay $0x1  }
0x8a: {  	s1 =	srdreg.scid  }
0x8b: {  	s0 =	sand.u32 $0x1, s1  }
0x8c: {  	s17 =	sshll.u32 s0, $0xA;
	s2 =	sadd.s32 s3, s2  }
0x8d: {  	s2 =	sadd.s32 s2, s17  }
0x8e: {  	[smem:$0x3FC1] =	sst s2  }
0x8f: {  	_ = 	snop  }
0x90: {  	s2 =	sld [smem:$0x3FC5]  }
0x91: {  	s18 =	sld [smem:$0x3FD0];
	(tm) =	ssettm $0x1  }
0x92: {  	s4 =	sld [smem:$0x3FFB];
	_ =	sdelay $0x3  }
0x93: {  	_ =	strace s4  }
0x94: {  	s4 =	sld [smem:$0x3FFC];
	_ =	sdelay $0x3  }
0x95: {  	_ =	strace s4  }
0x96: {  	s4 =	sld [smem:$0x3FFD];
	_ =	sdelay $0x3  }
0x97: {  	_ =	strace s4  }
0x98: {  	_ =	strace $0x8FFFFFFF  }
0x99: {  	s19 =	sld [smem:$0x3FDB];
	_ =	sdelay $0x1  }
0x9a: {  	s5 =	simm.s32 $_scs_section_size  }
0x9b: {  	s6 =	simm.s32 $_size__tile_overlayer_lowered;
	s7 =	simm.s32 $_tile_overlayer_lowered  }
0x9c: {  	s22 =	simm.s32 $0x1BFF;
	s21 =	sshll.u32 s7, $0x1;
	s4 =	sadd.s32 s5, s19  }
0x9d: {  	s8 =	simm.s32 $0x0;
	s20 =	sshll.u32 s6, $0x1;
	s6 =	sadd.s32 s21, s4  }
0x9e: {  	[timem:s8], [sflag:s22] =	dma.local [hbm:s6], s20  }
0x9f: {  	_ =	swait.ge [sflag:s22], s20  }
0xa0: {  	s5 =	ssub.s32 $0x0, s20;
	[sflag:s22] =	ssyncset.done $0x0  }
0xa1: {  	[sflag:s22] =	ssyncadd.s32 s5;
	_ =	sdelay $0x1  }
0xa2: {  	s23 =	simm.s32 $0x1B8B  }
0xa3: {  	_ =	swait.ge [sflag:s23], $0x1  }
0xa4: {  	[sflag:s23] =	ssyncset.done $0x0  }
0xa5: {  	s25 =	simm.s32 $0x1B8E;
	s24 =	sld [smem:$0x3FFE];
	[sflag:s23] =	ssyncadd.s32 $0xFFFFFFFF  }
0xa6: {  	s26 =	simm.s32 $execute0_lowered;
	[smem:$0x3FD2] =	sst s25  }
0xa7: {  	s6 =	sshll.u32 s26, $0x1;
	_ =	strace $0x80000046;
	[dreg:$0x1] =	wrdreg $0xFFFFFFFF  }
0xa8: {  	s28 =	simm.s32 $_size_execute0_lowered;
	s4 =	sadd.s32 s4, s6;
	[dreg:$0x0] =	wrdreg $0x0  }
0xa9: {  	s6 =	sshll.u32 s28, $0x1;
	[dreg:$0x2] =	wrdreg s4  }
0xaa: {  	[dreg:$0x3] =	wrdreg s6  }
0xab: {  	[dreg:$0x4] =	wrdreg $0xC0  }
0xac: {  	_ =	task [dreg:s8], $0x5FFFF  }
0xad: {  	[dreg:$0x1] =	wrdreg $0xFFFFFFFF  }
0xae: {  	[dreg:$0x0] =	wrdreg $0x60  }
0xaf: {  	[dreg:$0x2] =	wrdreg s24  }
0xb0: {  	[dreg:$0x3] =	wrdreg s18  }
0xb1: {  	[dreg:$0x4] =	wrdreg s2  }
0xb2: {  	[dreg:$0x5] =	wrdreg $0x9  }
0xb3: {  	_ =	task.clear_ibuf [dreg:s8], $0x6FFFF;
	_ =	strace $0x90000046  }
0xb4: {  	s29 =	simm.s32 $0x9;
	_ =	strace $0x80000048  }
0xb5: {  	_ =	swait.ge [sflag:s29], $0x1  }
0xb6: {  	[sflag:s29] =	ssyncadd.s32 $0xFFFFFFFF  }
0xb7: {  	_ =	strace $0x90000048  }
0xb8: {  	_ =	sfence  }
0xb9: {  	s30 =	sld [smem:$0x0];
	_ =	sdelay $0x2  }
0xba: {  	s31 =	sshll.u32 s1, $0xD;
	s1 =	sshrl.u32 s1, $0x2  }
0xbb: {  	s3 =	sand.u32 $0x4000, s31;
	s1 =	sadd.s32 s1, s30  }
0xbc: {  	s0 =	sor.u32 s3, s0;
	s1 =	sshll.u32 s1, $0x11  }
0xbd: {  	s0 =	sor.u32 s1, s0  }
0xbe: {  	s0 =	sadd.s32 $0x8F2B, s0  }
0xbf: {  	[sflag:s0] =	ssyncadd.remote.s32 $0x1  }
0xc0: {  	_ =	sfence.sel $0xFFFF  }
0xc1: {  	[dreg:$0x0] =	wrdreg $0xFFFFFFFF;
	(pc) =	sbr.abs _section_cstart, $3  }
0xc2: {  	[dreg:$0x1] =	wrdreg $0xFFFFFFFF  }
0xc3: {  	_ =	task.clear_ibuf [dreg:s8], $0x2FFFF;
	_ =	strace $0x9FFFFFFF  }
0xc4: {  	(tm) =	ssettm $0x7FFFFFFF  }
0xc5: {  	_ =	shalt  }
tec
execute0_lowered:
.L_overlay_start_1:
0x0: {  	(tag) =	ssettag $0x1  }
0x1: {  	s8 =	rddreg [dreg:$0x0]  }
0x2: {  	s2 =	rddreg [dreg:$0x1]  }
0x3: {  	s4 =	rddreg [dreg:$0x2];
	s5 =	simm.s32 $0x0;
	s9 =	stileid.u32  }
0x4: {  	s0 =	srdreg.scid;
	s17 =	simm.s32 $0x3;
	s20 =	simm.s32 $0x200  }
0x5: {  	s21 =	simm.s32 $0x180;
	s22 =	simm.s32 $0x2980;
	s23 =	simm.s32 $0x5100  }
0x6: {  	s28 =	simm.s32 $0x8100;
	s29 =	simm.s32 $0x9100;
	s30 =	simm.s32 $0xA100  }
0x7: {  	s31 =	simm.s32 $0xB100;
	s18 =	simm.s32 $0x0;
	[smem:$0x7FF] =	sst s5  }
0x8: {  	s1 =	sshll.u32 s9, $0x2;
	s0 =	sand.u32 $0x1, s0;
	s7 =	sadd.s32 $0x200, s8  }
0x9: {  	s9 =	smul.u32 $0x27100, s9;
	_ =	strace $0x80000047;
	s1 =	sadd.s32 s1, s8  }
0xa: {  	vm0 =	vmmov $0xf;
	v0 =	vimm.f32 $0.0e+00;
	v1 =	vimm.s32 $0x1;
	s3 =	ssub.s32 $0x2, s0;
	s6 =	smul.u32 $0x13880, s0;
	s8 =	sadd.s32 $0x5600, s8  }
0xb: {  	v2 =	vimm.s32 $0x2;
	v3 =	vimm.s32 $0x3;
	v4 =	vimm.s32 $0x4;
	s24 =	sshrl.u32 s3, $0x1;
	s10 =	sadd.s32 $0x5200, s1;
	s1 =	sadd.s32 $0x5400, s1  }
0xc: {  	v5 =	vimm.s32 $0x5;
	v6 =	vimm.s32 $0x6;
	v7 =	vimm.s32 $0x7;
	s0 =	ssub.s32 s3, s24;
	s25 =	sshrl.u32 s6, $0x3;
	[dreg:$0x4] =	wrdreg s10  }
0xd: {  	v8 =	vimm.s32 $0x8;
	v9 =	vimm.s32 $0x9;
	v10 =	vimm.s32 $0xA;
	[dreg:$0x5] =	wrdreg s1;
	s14 =	sadd.s32 s6, s9;
	s15 =	sadd.s32 $0x1F40, s6  }
0xe: {  	v11 =	vimm.s32 $0xB;
	v12 =	vimm.s32 $0xC;
	v13 =	vimm.s32 $0xD;
	s24 =	simm.s32 $0x6100;
	s3 =	simm.s32 $0x0;
	s26 =	sadd.s32 s7, s25  }
0xf: {  	v14 =	vimm.s32 $0xE;
	v15 =	vimm.s32 $0xF;
	v16 =	vimm.s32 $0x10;
	s12 =	sadd.s32 s2, s25;
	s13 =	sadd.s32 s4, s25;
	s16 =	smax.u32 s0, $0x1  }
0x10: {  	v17 =	vimm.s32 $0x11;
	v18 =	vimm.s32 $0x12;
	v19 =	vimm.s32 $0x13;
	s0 =	simm.s32 $0x2;
	[dreg:$0x6] =	wrdreg s26;
	s26 =	simm.s32 $0x1  }
.LBB2_1:
0x11: {  	s1 =	rddreg [dreg:$0x4]  }
0x12: {  	[tilespmem:s5], [sflag:$0x3] =	stream.linear.gather [hbm4b:s1+s5], $0x20, $0x38;
	[tilespmem:$0xC100] =	vst v63  }
0x13: {  	_ =	swait.ge [sflag:s17], $0x20  }
0x14: {  	[sflag:s17] =	ssyncset.done $0x0  }
0x15: {  	s9 =	simm.s32 $0x80;
	s11 =	rddreg [dreg:$0x5];
	[sflag:s17] =	ssyncadd.s32 $0xFFFFFFE0  }
0x16: {  	[tilespmem:s9], [sflag:$0x3] =	stream.linear.gather [hbm4b:s11+s5], $0x20, $0x38;
	[tilespmem:$0xC100] =	vst v63  }
0x17: {  	_ =	swait.ge [sflag:s17], $0x20  }
0x18: {  	[sflag:s17] =	ssyncset.done $0x0  }
0x19: {  	[sflag:s17] =	ssyncadd.s32 $0xFFFFFFE0  }
0x1a: {  	s25 =	simm.s32 $0x100;
	s19 =	rddreg [dreg:$0x0]  }
0x1b: {  	[tilespmem:s25], [sflag:$0x3] =	stream.linear.gather [hbm4b:s19+s5], $0x80, $0x38;
	[tilespmem:$0xC100] =	vst v63  }
0x1c: {  	_ =	swait.ge [sflag:s17], $0x80  }
0x1d: {  	[sflag:s17] =	ssyncset.done $0x0  }
0x1e: {  	[sflag:s17] =	ssyncadd.s32 $0xFFFFFF80  }
0x1f: {  	v20 =	vld [tilespmem:$0x80]  }
0x20: {  	v21 =	vld [tilespmem:$0x100];
	_ =	sdelay $0x4  }
0x21: {  	v20 =	vmul.f32 v21, v20;
	_ =	sdelay $0x1  }
0x22: {  	v20 =	vsub.f32 $0.0e+00, v20;
	_ =	sdelay $0x1  }
0x23: {  	v20 =	vmul.f32 $1.442695020e+00, v20;
	_ =	sdelay $0x1  }
0x24: {  	(erf) = vpow2.f32 v20  }
0x25: {  	v61 =	vld [tilespmem:$0x110]  }
0x26: {  	v20 =	vld [tilespmem:$0x90];
	_ =	sdelay $0x4  }
0x27: {  	v20 =	vmul.f32 v61, v20;
	_ =	sdelay $0x1  }
0x28: {  	v20 =	vsub.f32 $0.0e+00, v20;
	v62 =	vpop (erf)  }
0x29: {  	v21 =	vadd.f32 $1.000000000e+00, v62  }
0x2a: {  	v20 =	vmul.f32 $1.442695020e+00, v20  }
0x2b: {  	(erf) = vrcp.f32 v21  }
0x2c: {  	(erf) = vpow2.f32 v20;
	_ =	sdelay $0x7  }
0x2d: {  	v20 =	vpop (erf)  }
0x2e: {  	v63 =	vpop (erf)  }
0x2f: {  	v21 =	vadd.f32 $1.000000000e+00, v63;
	_ =	sdelay $0x1  }
0x30: {  	(erf) = vrcp.f32 v21;
	_ =	sdelay $0x8  }
0x31: {  	v21 =	vpop (erf)  }
0x32: {  	vm1 =	vge.f32 v20, $5.000000000e-01;
	vm2 =	vge.f32 v21, $5.000000000e-01  }
0x33: {  	v20 =	vnsel vm1, $0x0, v20;
	v21 =	vnsel vm2, $0x0, v21  }
0x34: {  	[tilespmem:$0x180] =	vst v20;
	v20 =	vnsel vm0, $0x0, v21  }
0x35: {  	s1 =	simm.s32 $0x40;
	s9 =	simm.s32 $0x0;
	[tilespmem:$0x190] =	vst v20  }
.LBB2_2:
0x36: {  	p0 =	sne.s32 s1, $0x9C00;
	[tilespmem:s9+$0x200] =	vst v0;
	s9 =	smov.u32 s1;
	s1 =	sadd.s32 $0x40, s1  }
.Ltmp0:
0x37: {  	(pc) =	sbr.rel @p0 .LBB2_2-.Ltmp0, $2  }
0x38: {  	_ =	sdelay $0x2  }
0x39: {  	s9 =	sshra.s32 s9, $0x2  }
0x3a: {  	[tilespmem:s9+$0x200] =	vst v0  }
0x3b: {  	v20 =	vld [tilespmem:$0x0];
	_ =	sdelay $0x2  }
0x3c: {  	v21 =	vld [tilespmem:$0x180];
	_ =	sdelay $0x4  }
0x3d: {  	[tilespmem:v20+s20+$0x0] =	vst.idx.add.f32.msk $0xffff, v21  }
0x3e: {  	v20 =	vld [tilespmem:$0x10];
	_ =	sdelay $0x2  }
0x3f: {  	v21 =	vld [tilespmem:$0x190];
	_ =	sdelay $0x4  }
0x40: {  	[tilespmem:v20+s20+$0x0] =	vst.idx.add.f32.msk $0xffff, v21  }
0x41: {  	v20 =	vld [tilespmem:$0x0]  }
0x42: {  	v22 =	vld.msk [tilespmem:s18+$0x0], $0xffff  }
0x43: {  	v23 =	vld.msk [tilespmem:s21+$0x0], $0xffff  }
0x44: {  	v24 =	vld.idx.msk [tilespmem:v1+s18+$0x0], $0xffff  }
0x45: {  	v21 =	vld [tilespmem:$0x10]  }
0x46: {  	v25 =	vld.idx.msk [tilespmem:v1+s21+$0x0], $0xffff  }
0x47: {  	v26 =	vld.idx.msk [tilespmem:v2+s18+$0x0], $0xffff  }
0x48: {  	v27 =	vld.idx.msk [tilespmem:v2+s21+$0x0], $0xffff;
	v23 =	vadd.f32 $0.0e+00, v23  }
0x49: {  	v28 =	vld.idx.msk [tilespmem:v3+s18+$0x0], $0xffff;
	vm1 =	veq.s32 v20, v22  }
0x4a: {  	v30 =	vld.idx.msk [tilespmem:v3+s21+$0x0], $0xffff;
	vm2 =	veq.s32 v21, v22;
	v29 =	vnsel vm1, $0x0, v23;
	vm1 =	veq.s32 v20, v24  }
0x4b: {  	v31 =	vld.idx.msk [tilespmem:v4+s18+$0x0], $0xffff;
	v23 =	vnsel vm2, $0x0, v23;
	v22 =	vnsel vm1, $0x0, v25;
	vm1 =	veq.s32 v21, v24  }
0x4c: {  	v58 =	vld.idx.msk [tilespmem:v4+s21+$0x0], $0xffff;
	v22 =	vadd.f32 v22, v29;
	v24 =	vnsel vm1, $0x0, v25;
	vm1 =	veq.s32 v20, v26  }
0x4d: {  	v32 =	vld.idx.msk [tilespmem:v5+s18+$0x0], $0xffff;
	v59 =	vnsel vm1, $0x0, v27;
	v23 =	vadd.f32 v24, v23;
	vm1 =	veq.s32 v21, v26  }
0x4e: {  	v61 =	vld.idx.msk [tilespmem:v5+s21+$0x0], $0xffff;
	v22 =	vadd.f32 v59, v22;
	v60 =	vnsel vm1, $0x0, v27;
	vm1 =	veq.s32 v20, v28  }
0x4f: {  	v63 =	vld.idx.msk [tilespmem:v6+s18+$0x0], $0xffff;
	v62 =	vnsel vm1, $0x0, v30;
	v23 =	vadd.f32 v23, v60;
	vm1 =	veq.s32 v21, v28  }
0x50: {  	v37 =	vld.idx.msk [tilespmem:v6+s21+$0x0], $0xffff;
	v22 =	vadd.f32 v62, v22;
	v36 =	vnsel vm1, $0x0, v30;
	vm1 =	veq.s32 v20, v31  }
0x51: {  	v39 =	vld.idx.msk [tilespmem:v7+s18+$0x0], $0xffff;
	v38 =	vnsel vm1, $0x0, v58;
	v23 =	vadd.f32 v23, v36;
	vm1 =	veq.s32 v21, v31  }
0x52: {  	v41 =	vld.idx.msk [tilespmem:v7+s21+$0x0], $0xffff;
	v22 =	vadd.f32 v38, v22;
	v40 =	vnsel vm1, $0x0, v58;
	vm1 =	veq.s32 v20, v32  }
0x53: {  	v43 =	vld.idx.msk [tilespmem:v8+s18+$0x0], $0xffff;
	v42 =	vnsel vm1, $0x0, v61;
	v23 =	vadd.f32 v23, v40;
	vm1 =	veq.s32 v21, v32  }
0x54: {  	v45 =	vld.idx.msk [tilespmem:v8+s21+$0x0], $0xffff;
	v22 =	vadd.f32 v42, v22;
	v44 =	vnsel vm1, $0x0, v61;
	vm1 =	veq.s32 v20, v63  }
0x55: {  	v47 =	vld.idx.msk [tilespmem:v9+s18+$0x0], $0xffff;
	v46 =	vnsel vm1, $0x0, v37;
	v23 =	vadd.f32 v23, v44;
	vm1 =	veq.s32 v21, v63  }
0x56: {  	v49 =	vld.idx.msk [tilespmem:v9+s21+$0x0], $0xffff;
	v22 =	vadd.f32 v46, v22;
	v48 =	vnsel vm1, $0x0, v37;
	vm1 =	veq.s32 v20, v39  }
0x57: {  	v51 =	vld.idx.msk [tilespmem:v10+s18+$0x0], $0xffff;
	v50 =	vnsel vm1, $0x0, v41;
	v23 =	vadd.f32 v23, v48;
	vm1 =	veq.s32 v21, v39  }
0x58: {  	v53 =	vld.idx.msk [tilespmem:v10+s21+$0x0], $0xffff;
	v22 =	vadd.f32 v50, v22;
	v52 =	vnsel vm1, $0x0, v41;
	vm1 =	veq.s32 v20, v43  }
0x59: {  	v55 =	vld.idx.msk [tilespmem:v11+s18+$0x0], $0xffff;
	v54 =	vnsel vm1, $0x0, v45;
	v23 =	vadd.f32 v23, v52;
	vm1 =	veq.s32 v21, v43  }
0x5a: {  	v57 =	vld.idx.msk [tilespmem:v11+s21+$0x0], $0xffff;
	v22 =	vadd.f32 v54, v22;
	v56 =	vnsel vm1, $0x0, v45;
	vm1 =	veq.s32 v20, v47  }
0x5b: {  	v59 =	vld.idx.msk [tilespmem:v12+s18+$0x0], $0xffff;
	v58 =	vnsel vm1, $0x0, v49;
	v23 =	vadd.f32 v23, v56;
	vm1 =	veq.s32 v21, v47  }
0x5c: {  	v61 =	vld.idx.msk [tilespmem:v12+s21+$0x0], $0xffff;
	v22 =	vadd.f32 v58, v22;
	v60 =	vnsel vm1, $0x0, v49;
	vm1 =	veq.s32 v20, v51  }
0x5d: {  	v63 =	vld.idx.msk [tilespmem:v13+s18+$0x0], $0xffff;
	v62 =	vnsel vm1, $0x0, v53;
	v23 =	vadd.f32 v23, v60;
	vm1 =	veq.s32 v21, v51  }
0x5e: {  	v35 =	vld.idx.msk [tilespmem:v13+s21+$0x0], $0xffff;
	v22 =	vadd.f32 v62, v22;
	v34 =	vnsel vm1, $0x0, v53;
	vm1 =	veq.s32 v20, v55  }
0x5f: {  	v37 =	vld.idx.msk [tilespmem:v14+s18+$0x0], $0xffff;
	v36 =	vnsel vm1, $0x0, v57;
	v23 =	vadd.f32 v23, v34;
	vm1 =	veq.s32 v21, v55  }
0x60: {  	v39 =	vld.idx.msk [tilespmem:v14+s21+$0x0], $0xffff;
	v22 =	vadd.f32 v36, v22;
	v38 =	vnsel vm1, $0x0, v57;
	vm1 =	veq.s32 v20, v59  }
0x61: {  	v41 =	vld.idx.msk [tilespmem:v15+s18+$0x0], $0xffff;
	v40 =	vnsel vm1, $0x0, v61;
	v23 =	vadd.f32 v23, v38;
	vm1 =	veq.s32 v21, v59  }
0x62: {  	v43 =	vld.idx.msk [tilespmem:v15+s21+$0x0], $0xffff;
	v22 =	vadd.f32 v40, v22;
	v42 =	vnsel vm1, $0x0, v61;
	vm1 =	veq.s32 v20, v63  }
0x63: {  	v45 =	vld.idx.msk [tilespmem:v16+s18+$0x0], $0xffff;
	v44 =	vnsel vm1, $0x0, v35;
	v23 =	vadd.f32 v23, v42;
	vm1 =	veq.s32 v21, v63  }
0x64: {  	v47 =	vld.idx.msk [tilespmem:v16+s21+$0x0], $0xffff;
	v22 =	vadd.f32 v44, v22;
	v46 =	vnsel vm1, $0x0, v35;
	vm1 =	veq.s32 v20, v37  }
0x65: {  	v49 =	vld.idx.msk [tilespmem:v17+s18+$0x0], $0xffff;
	v48 =	vnsel vm1, $0x0, v39;
	v23 =	vadd.f32 v23, v46;
	vm1 =	veq.s32 v21, v37  }
0x66: {  	v51 =	vld.idx.msk [tilespmem:v17+s21+$0x0], $0xffff;
	v22 =	vadd.f32 v48, v22;
	v50 =	vnsel vm1, $0x0, v39;
	vm1 =	veq.s32 v20, v41  }
0x67: {  	v53 =	vld.idx.msk [tilespmem:v18+s18+$0x0], $0xffff;
	v52 =	vnsel vm1, $0x0, v43;
	v23 =	vadd.f32 v23, v50;
	vm1 =	veq.s32 v21, v41  }
0x68: {  	v55 =	vld.idx.msk [tilespmem:v18+s21+$0x0], $0xffff;
	v22 =	vadd.f32 v52, v22;
	v54 =	vnsel vm1, $0x0, v43;
	vm1 =	veq.s32 v20, v45  }
0x69: {  	v57 =	vld.idx.msk [tilespmem:v19+s18+$0x0], $0xffff;
	v56 =	vnsel vm1, $0x0, v47;
	v23 =	vadd.f32 v23, v54;
	vm1 =	veq.s32 v21, v45  }
0x6a: {  	v59 =	vld.idx.msk [tilespmem:v19+s21+$0x0], $0xffff;
	v22 =	vadd.f32 v56, v22;
	v58 =	vnsel vm1, $0x0, v47;
	vm1 =	veq.s32 v20, v49  }
0x6b: {  	v60 =	vnsel vm1, $0x0, v51;
	v23 =	vadd.f32 v23, v58;
	vm1 =	veq.s32 v21, v49  }
0x6c: {  	v22 =	vadd.f32 v60, v22;
	v61 =	vnsel vm1, $0x0, v51;
	vm1 =	veq.s32 v20, v53  }
0x6d: {  	v62 =	vnsel vm1, $0x0, v55;
	v23 =	vadd.f32 v23, v61;
	vm1 =	veq.s32 v21, v53  }
0x6e: {  	v22 =	vadd.f32 v62, v22;
	v63 =	vnsel vm1, $0x0, v55;
	vm1 =	veq.s32 v20, v57  }
0x6f: {  	v20 =	vnsel vm1, $0x0, v59;
	v23 =	vadd.f32 v23, v63;
	vm1 =	veq.s32 v21, v57  }
0x70: {  	v20 =	vadd.f32 v20, v22;
	v21 =	vnsel vm1, $0x0, v59  }
0x71: {  	v21 =	vadd.f32 v23, v21  }
0x72: {  	v20 =	vmul.f32 $2.500000000e-01, v20  }
0x73: {  	v21 =	vmul.f32 $2.500000000e-01, v21  }
0x74: {  	vm1 =	vge.f32 v20, $5.000000000e-01  }
0x75: {  	v20 =	vnsel vm1, $0x0, v20;
	vm1 =	vge.f32 v21, $5.000000000e-01  }
0x76: {  	v21 =	vnsel vm1, $0x0, v21;
	vm1 =	vgt.f32 v20, $0.0e+00  }
0x77: {  	v22 =	vmpcnt.ones.xlane vm1;
	vm1 =	vgt.f32 v21, $0.0e+00  }
0x78: {  	v23 =	vmpcnt.ones.xlane vm1  }
0x79: {  	v22 =	vxor.u32 $0x80000000, v22  }
0x7a: {  	(xrf0) =	vmax.scan.msk.u32 $0xffff, v22;
	v22 =	vxor.u32 $0x80000000, v23  }
0x7b: {  	(xrf0) =	vmax.scan.msk.u32 $0xffff, v22;
	_ =	sdelay $0x4  }
0x7c: {  	v22, _, _ =	vpop (xrf0)  }
0x7d: {  	(v2sf) =	vpush v22, $0xF;
	v22, _, _ =	vpop (xrf0)  }
0x7e: {  	(v2sf) =	vpush v22, $0xF;
	_ =	sdelay $0xd  }
0x7f: {  	s1 =	spop (v2sf)  }
0x80: {  	s25 =	spop (v2sf)  }
0x81: {  	s1 =	sadd.s32 s1, s25  }
0x82: {  	p0 =	slt.s32 s1, $0x1  }
.Ltmp1:
0x83: {  	_ = 	snop;
	(pc) =	sbr.rel @p0 .LBB2_10-.Ltmp1, $1  }
0x84: {  	_ =	sdelay $0x3  }
0x85: {  	s1 =	simm.s32 $0x40;
	s9 =	simm.s32 $0x0  }
.LBB2_5:
0x86: {  	p0 =	sne.s32 s1, $0x9C00;
	[tilespmem:s9+$0x2980] =	vst v0;
	s9 =	smov.u32 s1;
	s1 =	sadd.s32 $0x40, s1  }
.Ltmp2:
0x87: {  	(pc) =	sbr.rel @p0 .LBB2_5-.Ltmp2, $2  }
0x88: {  	_ =	sdelay $0x2  }
0x89: {  	s9 =	sshra.s32 s9, $0x2  }
0x8a: {  	[tilespmem:s9+$0x2980] =	vst v0  }
0x8b: {  	v22 =	vld [tilespmem:$0x0];
	_ =	sdelay $0x7  }
0x8c: {  	[tilespmem:v22+s22+$0x0] =	vst.idx.msk $0xffff, v20  }
0x8d: {  	v20 =	vld [tilespmem:$0x10];
	_ =	sdelay $0x7  }
0x8e: {  	s1 =	simm.s32 $0x0;
	s9 =	simm.s32 $0x0;
	[tilespmem:v20+s22+$0x0] =	vst.idx.msk $0xffff, v21  }
.LBB2_7:
0x8f: {  	s10 =	smul.u32 $0x1F4, s9;
	_ =	sdelay $0x1  }
0x90: {  	s11 =	sadd.s32 s7, s10  }
0x91: {  	[tilespmem:s23], [sflag:$0x3] =	stream.linear.gather [hbm4b:s11+s1], $0xFA0, $0x38;
	[tilespmem:$0xC100] =	vst v63  }
0x92: {  	_ =	swait.ge [sflag:s17], $0xFA0  }
0x93: {  	[sflag:s17] =	ssyncset.done $0x0  }
0x94: {  	s10 =	sadd.s32 s2, s10;
	[sflag:s17] =	ssyncadd.s32 $0xFFFFF060  }
0x95: {  	[tilespmem:s24], [sflag:$0x3] =	stream.linear.gather [hbm4b:s10+s1], $0xFA0, $0x38;
	[tilespmem:$0xC100] =	vst v63  }
0x96: {  	_ =	swait.ge [sflag:s17], $0xFA0  }
0x97: {  	[sflag:s17] =	ssyncset.done $0x0  }
0x98: {  	s11 =	simm.s32 $0x0;
	[sflag:s17] =	ssyncadd.s32 $0xFFFFF060  }
0x99: {  	s10 =	simm.s32 $0x40;
	v20 =	vld [tilespmem:s11+$0x5100]  }
.LBB2_8:
0x9a: {  	p0 =	sne.s32 s10, $0x3E40;
	v21 =	vld [tilespmem:s11+$0x6100];
	_ =	sdelay $0x6  }
0x9b: {  	v22 =	vld.idx.msk [tilespmem:v20+s22+$0x0], $0xffff  }
0x9c: {  	v23 =	vld.idx.msk [tilespmem:v21+s22+$0x0], $0xffff;
	_ =	sdelay $0x2  }
.Ltmp3:
0x9d: {  	(pc) =	sbr.rel @p0 .LBB2_8-.Ltmp3, $4  }
0x9e: {  	_ = 	snop  }
0x9f: {  	[tilespmem:v21+s20+$0x0] =	vst.idx.add.f32.msk $0xffff, v22  }
0xa0: {  	s11 =	sshra.s32 s10, $0x2;
	[tilespmem:v20+s20+$0x0] =	vst.idx.add.f32.msk $0xffff, v23  }
0xa1: {  	s10 =	sadd.s32 $0x40, s10;
	v20 =	vld [tilespmem:s11+$0x5100]  }
0xa2: {  	_ = 	snop  }
0xa3: {  	v21 =	vld [tilespmem:s11+$0x6100];
	_ =	sdelay $0x6  }
0xa4: {  	s9 =	sadd.s32 $0x1, s9;
	v22 =	vld.idx.msk [tilespmem:v20+s22+$0x0], $0xffff  }
0xa5: {  	p0 =	sne.s32 s9, $0x28;
	v23 =	vld.idx.msk [tilespmem:v21+s22+$0x0], $0xffff  }
.Ltmp4:
0xa6: {  	_ = 	snop;
	(pc) =	sbr.rel @p0 .LBB2_7-.Ltmp4, $3  }
0xa7: {  	_ =	sdelay $0x1  }
0xa8: {  	[tilespmem:v21+s20+$0x0] =	vst.idx.add.f32.msk $0xffff, v22  }
0xa9: {  	[tilespmem:v20+s20+$0x0] =	vst.idx.add.f32.msk $0xffff, v23  }
.LBB2_10:
0xaa: {  	s1 =	rddreg [dreg:$0x6]  }
0xab: {  	[tilespmem:s23], [sflag:$0x1] =	stream.linear.gather [hbm4b:s1+s18], $0xFA0, $0x38;
	[tilespmem:$0xC100] =	vst v63  }
0xac: {  	_ = 	snop  }
0xad: {  	[tilespmem:s24], [sflag:$0x1] =	stream.linear.gather [hbm4b:s12+s18], $0xFA0, $0x38;
	[tilespmem:$0xC100] =	vst v63  }
0xae: {  	s25 =	simm.s32 $0x7100;
	s19 =	simm.s32 $0x0  }
0xaf: {  	[tilespmem:s25], [sflag:$0x1] =	stream.linear.gather [hbm4b:s13+s18], $0xFA0, $0x38;
	[tilespmem:$0xC100] =	vst v63  }
.LBB2_11:
0xb0: {  	_ =	swait.ge [sflag:s26], $0xFA0  }
0xb1: {  	[sflag:s26] =	ssyncset.done $0x0  }
0xb2: {  	[sflag:s26] =	ssyncadd.s32 $0xFFFFF060  }
0xb3: {  	s1 =	smul.u32 $0x1F40, s19;
	_ =	swait.ge [sflag:s26], $0xFA0  }
0xb4: {  	[sflag:s26] =	ssyncset.done $0x0  }
0xb5: {  	s25 =	sadd.s32 $0xFA0, s1;
	[sflag:s26] =	ssyncadd.s32 $0xFFFFF060  }
0xb6: {  	s9 =	sadd.s32 s6, s25;
	_ =	swait.ge [sflag:s26], $0xFA0  }
0xb7: {  	s9 =	sshrl.u32 s9, $0x3;
	[sflag:s26] =	ssyncset.done $0x0  }
0xb8: {  	s10 =	sadd.s32 s7, s9;
	[sflag:s26] =	ssyncadd.s32 $0xFFFFF060  }
0xb9: {  	[tilespmem:s28], [sflag:$0x2] =	stream.linear.gather [hbm4b:s10+s18], $0xFA0, $0x38;
	[tilespmem:$0xC100] =	vst v63  }
0xba: {  	s11 =	sadd.s32 s2, s9  }
0xbb: {  	[tilespmem:s29], [sflag:$0x2] =	stream.linear.gather [hbm4b:s11+s18], $0xFA0, $0x38;
	[tilespmem:$0xC100] =	vst v63  }
0xbc: {  	s9 =	sadd.s32 s4, s9  }
0xbd: {  	[tilespmem:s30], [sflag:$0x2] =	stream.linear.gather [hbm4b:s9+s18], $0xFA0, $0x38;
	[tilespmem:$0xC100] =	vst v63  }
0xbe: {  	s9 =	simm.s32 $0x0  }
0xbf: {  	v20 =	vld [tilespmem:s9+$0x5100];
	_ =	sdelay $0x1  }
0xc0: {  	v21 =	vld [tilespmem:s9+$0x6100];
	_ =	sdelay $0x4  }
0xc1: {  	v22 =	vld [tilespmem:s9+$0x7100]  }
0xc2: {  	v20 =	vld.idx.msk [tilespmem:v20+s20+$0x0], $0xffff  }
0xc3: {  	v23 =	vld [tilespmem:s9+$0x5110]  }
0xc4: {  	v21 =	vld.idx.msk [tilespmem:v21+s20+$0x0], $0xffff  }
0xc5: {  	v24 =	vld [tilespmem:s9+$0x6110];
	_ =	sdelay $0x1  }
0xc6: {  	v20 =	vadd.f32 v22, v20;
	_ =	sdelay $0x1  }
0xc7: {  	v20 =	vadd.f32 v20, v21;
	_ =	sdelay $0x1  }
0xc8: {  	[tilespmem:s9+$0xB100] =	vst v20;
	v20 =	vld [tilespmem:s9+$0x7110]  }
0xc9: {  	v22 =	vld.idx.msk [tilespmem:v23+s20+$0x0], $0xffff  }
0xca: {  	s10 =	simm.s32 $0x100;
	s11 =	simm.s32 $0x20;
	v21 =	vld.idx.msk [tilespmem:v24+s20+$0x0], $0xffff  }
.LBB2_12:
0xcb: {  	p0 =	sne.s32 s10, $0x3E00;
	v23 =	vld [tilespmem:s11+$0x5100]  }
0xcc: {  	v24 =	vld [tilespmem:s11+$0x6100];
	_ =	sdelay $0x1  }
0xcd: {  	v20 =	vadd.f32 v20, v22;
	_ =	sdelay $0x1  }
0xce: {  	v20 =	vadd.f32 v20, v21;
	_ =	sdelay $0x1  }
0xcf: {  	v21 =	vld [tilespmem:s11+$0x7100];
	[tilespmem:s9+$0xB110] =	vst v20;
	s9 =	smov.u32 s11  }
0xd0: {  	v20 =	vld.idx.msk [tilespmem:v23+s20+$0x0], $0xffff  }
0xd1: {  	v22 =	vld.idx.msk [tilespmem:v24+s20+$0x0], $0xffff;
	_ =	sdelay $0x1  }
0xd2: {  	v23 =	vld [tilespmem:s9+$0x5110]  }
0xd3: {  	v24 =	vld [tilespmem:s9+$0x6110];
	_ =	sdelay $0x1  }
0xd4: {  	v20 =	vadd.f32 v21, v20;
	_ =	sdelay $0x1  }
0xd5: {  	v20 =	vadd.f32 v20, v22  }
.Ltmp5:
0xd6: {  	(pc) =	sbr.rel @p0 .LBB2_12-.Ltmp5, $4  }
0xd7: {  	[tilespmem:s9+$0xB100] =	vst v20;
	v20 =	vld [tilespmem:s9+$0x7110]  }
0xd8: {  	v22 =	vld.idx.msk [tilespmem:v23+s20+$0x0], $0xffff  }
0xd9: {  	v21 =	vld.idx.msk [tilespmem:v24+s20+$0x0], $0xffff  }
0xda: {  	s11 =	sshra.s32 s10, $0x2;
	s10 =	sadd.s32 $0x80, s10  }
0xdb: {  	v23 =	vld [tilespmem:s11+$0x5100]  }
0xdc: {  	v24 =	vld [tilespmem:s11+$0x6100];
	_ =	sdelay $0x1  }
0xdd: {  	v20 =	vadd.f32 v20, v22;
	_ =	sdelay $0x1  }
0xde: {  	v20 =	vadd.f32 v20, v21;
	_ =	sdelay $0x1  }
0xdf: {  	v21 =	vld [tilespmem:s11+$0x7100];
	[tilespmem:s9+$0xB110] =	vst v20  }
0xe0: {  	v20 =	vld.idx.msk [tilespmem:v23+s20+$0x0], $0xffff  }
0xe1: {  	v22 =	vld.idx.msk [tilespmem:v24+s20+$0x0], $0xffff  }
0xe2: {  	v23 =	vld [tilespmem:s11+$0x5110];
	_ =	sdelay $0x1  }
0xe3: {  	v62 =	vld [tilespmem:s11+$0x6110]  }
0xe4: {  	v20 =	vadd.f32 v21, v20;
	_ =	sdelay $0x1  }
0xe5: {  	v20 =	vadd.f32 v20, v22;
	_ =	sdelay $0x1  }
0xe6: {  	[tilespmem:s11+$0xB100] =	vst v20;
	v20 =	vld [tilespmem:s11+$0x7110]  }
0xe7: {  	v21 =	vld.idx.msk [tilespmem:v23+s20+$0x0], $0xffff;
	_ =	sdelay $0x1  }
0xe8: {  	v22 =	vld.idx.msk [tilespmem:v62+s20+$0x0], $0xffff;
	_ =	sdelay $0x2  }
0xe9: {  	v20 =	vadd.f32 v20, v21;
	_ =	sdelay $0x1  }
0xea: {  	s10 =	sadd.s32 s14, s1;
	v20 =	vadd.f32 v20, v22  }
0xeb: {  	s9 =	sshrl.u32 s10, $0x3  }
0xec: {  	s9 =	sadd.s32 s8, s9;
	[tilespmem:s11+$0xB110] =	vst v20  }
0xed: {  	[hbm4b:s9+s5] =	stream.linear.scatter [tilespmem:s31], [sflag:$0x3], $0xFA0, $0x38;
	[tilespmem:$0xC100] =	vst v63  }
0xee: {  	_ =	swait.ge [sflag:s17], $0xFA0  }
0xef: {  	[sflag:s17] =	ssyncset.done $0x0  }
0xf0: {  	[sflag:s17] =	ssyncadd.s32 $0xFFFFF060  }
0xf1: {  	_ =	swait.ge [sflag:s0], $0xFA0  }
0xf2: {  	[sflag:s0] =	ssyncset.done $0x0  }
0xf3: {  	[sflag:s0] =	ssyncadd.s32 $0xFFFFF060  }
0xf4: {  	_ =	swait.ge [sflag:s0], $0xFA0  }
0xf5: {  	[sflag:s0] =	ssyncset.done $0x0  }
0xf6: {  	p0 =	seq.s32 s19, $0x9;
	[sflag:s0] =	ssyncadd.s32 $0xFFFFF060  }
0xf7: {  	s1 =	sadd.s32 @!p0 s1, s15;
	_ =	swait.ge [sflag:s0], $0xFA0  }
0xf8: {  	s1 =	sshrl.u32 @!p0 s1, $0x3;
	s10 =	simm.s32 @!p0 $0x0;
	[sflag:s0] =	ssyncset.done $0x0  }
0xf9: {  	s11 =	simm.s32 @!p0 $0x5100;
	s9 =	sadd.s32 @!p0 s7, s1;
	[sflag:s0] =	ssyncadd.s32 $0xFFFFF060  }
0xfa: {  	[tilespmem:s11], [sflag:$0x1] =	stream.linear.gather @!p0 [hbm4b:s9+s10], $0xFA0, $0x38;
	[tilespmem:$0xC100] =	vst v63  }
0xfb: {  	s9 =	sadd.s32 @!p0 s2, s1;
	s11 =	simm.s32 @!p0 $0x6100  }
0xfc: {  	[tilespmem:s11], [sflag:$0x1] =	stream.linear.gather @!p0 [hbm4b:s9+s10], $0xFA0, $0x38;
	[tilespmem:$0xC100] =	vst v63  }
0xfd: {  	s1 =	sadd.s32 @!p0 s4, s1;
	s9 =	simm.s32 @!p0 $0x7100  }
0xfe: {  	[tilespmem:s9], [sflag:$0x1] =	stream.linear.gather @!p0 [hbm4b:s1+s10], $0xFA0, $0x38;
	[tilespmem:$0xC100] =	vst v63  }
0xff: {  	s1 =	simm.s32 $0x0  }
0x100: {  	v20 =	vld [tilespmem:s1+$0x8100];
	_ =	sdelay $0x1  }
0x101: {  	v21 =	vld [tilespmem:s1+$0x9100];
	_ =	sdelay $0x4  }
0x102: {  	v22 =	vld [tilespmem:s1+$0xA100]  }
0x103: {  	v20 =	vld.idx.msk [tilespmem:v20+s20+$0x0], $0xffff  }
0x104: {  	v23 =	vld [tilespmem:s1+$0x8110]  }
0x105: {  	v21 =	vld.idx.msk [tilespmem:v21+s20+$0x0], $0xffff  }
0x106: {  	v63 =	vld [tilespmem:s1+$0x9110];
	_ =	sdelay $0x1  }
0x107: {  	v20 =	vadd.f32 v22, v20;
	_ =	sdelay $0x1  }
0x108: {  	v20 =	vadd.f32 v20, v21;
	_ =	sdelay $0x1  }
0x109: {  	[tilespmem:s1+$0xB100] =	vst v20;
	v20 =	vld [tilespmem:s1+$0xA110]  }
0x10a: {  	v22 =	vld.idx.msk [tilespmem:v23+s20+$0x0], $0xffff  }
0x10b: {  	s10 =	simm.s32 $0x20;
	s9 =	simm.s32 $0x100;
	v21 =	vld.idx.msk [tilespmem:v63+s20+$0x0], $0xffff  }
.LBB2_14:
0x10c: {  	p0 =	sne.s32 s9, $0x3E00;
	v23 =	vld [tilespmem:s10+$0x8100]  }
0x10d: {  	v24 =	vld [tilespmem:s10+$0x9100];
	_ =	sdelay $0x1  }
0x10e: {  	v20 =	vadd.f32 v20, v22;
	_ =	sdelay $0x1  }
0x10f: {  	v20 =	vadd.f32 v20, v21;
	_ =	sdelay $0x1  }
0x110: {  	v21 =	vld [tilespmem:s10+$0xA100];
	[tilespmem:s1+$0xB110] =	vst v20;
	s1 =	smov.u32 s10  }
0x111: {  	v20 =	vld.idx.msk [tilespmem:v23+s20+$0x0], $0xffff  }
0x112: {  	v22 =	vld.idx.msk [tilespmem:v24+s20+$0x0], $0xffff;
	_ =	sdelay $0x1  }
0x113: {  	v23 =	vld [tilespmem:s1+$0x8110]  }
0x114: {  	v24 =	vld [tilespmem:s1+$0x9110];
	_ =	sdelay $0x1  }
0x115: {  	v20 =	vadd.f32 v21, v20;
	_ =	sdelay $0x1  }
0x116: {  	v20 =	vadd.f32 v20, v22  }
.Ltmp6:
0x117: {  	(pc) =	sbr.rel @p0 .LBB2_14-.Ltmp6, $4  }
0x118: {  	[tilespmem:s1+$0xB100] =	vst v20;
	v20 =	vld [tilespmem:s1+$0xA110]  }
0x119: {  	v22 =	vld.idx.msk [tilespmem:v23+s20+$0x0], $0xffff  }
0x11a: {  	v21 =	vld.idx.msk [tilespmem:v24+s20+$0x0], $0xffff  }
0x11b: {  	s10 =	sshra.s32 s9, $0x2;
	s9 =	sadd.s32 $0x80, s9  }
0x11c: {  	v23 =	vld [tilespmem:s10+$0x8100];
	_ =	sdelay $0x1  }
0x11d: {  	v24 =	vld [tilespmem:s10+$0x9100]  }
0x11e: {  	v20 =	vadd.f32 v20, v22;
	_ =	sdelay $0x1  }
0x11f: {  	v20 =	vadd.f32 v20, v21;
	_ =	sdelay $0x1  }
0x120: {  	v58 =	vld [tilespmem:s10+$0xA100];
	[tilespmem:s1+$0xB110] =	vst v20  }
0x121: {  	v20 =	vld.idx.msk [tilespmem:v23+s20+$0x0], $0xffff  }
0x122: {  	v60 =	vld [tilespmem:s10+$0x8110]  }
0x123: {  	v59 =	vld.idx.msk [tilespmem:v24+s20+$0x0], $0xffff;
	_ =	sdelay $0x1  }
0x124: {  	v61 =	vld [tilespmem:s10+$0x9110]  }
0x125: {  	v20 =	vadd.f32 v58, v20;
	_ =	sdelay $0x1  }
0x126: {  	v20 =	vadd.f32 v20, v59;
	_ =	sdelay $0x1  }
0x127: {  	[tilespmem:s10+$0xB100] =	vst v20;
	v20 =	vld [tilespmem:s10+$0xA110]  }
0x128: {  	v62 =	vld.idx.msk [tilespmem:v60+s20+$0x0], $0xffff;
	_ =	sdelay $0x1  }
0x129: {  	v63 =	vld.idx.msk [tilespmem:v61+s20+$0x0], $0xffff;
	_ =	sdelay $0x2  }
0x12a: {  	v20 =	vadd.f32 v20, v62;
	_ =	sdelay $0x1  }
0x12b: {  	s25 =	sadd.s32 s14, s25;
	s19 =	sadd.s32 $0x1, s19;
	v20 =	vadd.f32 v20, v63  }
0x12c: {  	p0 =	sne.s32 s19, $0xA;
	s1 =	sshrl.u32 s25, $0x3  }
.Ltmp7:
0x12d: {  	s1 =	sadd.s32 s8, s1;
	[tilespmem:s10+$0xB110] =	vst v20;
	(pc) =	sbr.rel @p0 .LBB2_11-.Ltmp7, $4  }
0x12e: {  	[hbm4b:s1+s5] =	stream.linear.scatter [tilespmem:s31], [sflag:$0x3], $0xFA0, $0x38;
	[tilespmem:$0xC100] =	vst v63  }
0x12f: {  	_ =	swait.ge [sflag:s17], $0xFA0  }
0x130: {  	[sflag:s17] =	ssyncset.done $0x0  }
0x131: {  	[sflag:s17] =	ssyncadd.s32 $0xFFFFF060  }
0x132: {  	s3 =	sadd.s32 $0x1, s3  }
0x133: {  	p0 =	sne.s32 s3, s16  }
.Ltmp8:
0x134: {  	_ = 	snop;
	(pc) =	sbr.rel @p0 .LBB2_1-.Ltmp8, $1  }
0x135: {  	_ =	sdelay $0x3  }
0x136: {  	_ =	sfence.sel $0x180000  }
0x137: {  	[bflag:$0x0] =	sbarrier.arrive $0xFFFF  }
0x138: {  	_ =	strace $0x90000047  }
0x139: {  	s0 =	stileid.u32;
	[bflag:$0x2] =	sbarrier.arrive $0xFFFF  }
0x13a: {  	p0 =	sne.s32 s0, $0x0;
	s0 =	rddreg [dreg:$0x3]  }
0x13b: {  	s0 =	sadd.s32 @!p0 $0x100000, s0  }
0x13c: {  	[sflag:s0] =	ssyncadd.tile.s32 @!p0 $0x1;
	_ =	shalt  }
.Lfunc_end2:
_tile_overlayer_lowered:
.L_overlay_start_2:
0x13d: {  	(tag) =	ssettag $0x2  }
0x13e: {  	s0 =	rddreg [dreg:$0x0];
	s2 =	stileid.u32  }
0x13f: {  	s1 =	rddreg [dreg:$0x1];
	p0 =	sne.s32 s2, $0x0  }
0x140: {  	s3 =	rddreg [dreg:$0x2];
	[bflag:$0x3] =	sbarrier.arrive $0xFFFF;
	s2 =	simm.s32 @!p0 $0x1C03  }
0x141: {  	[timem:s3], [sflag:s2] =	dma.local @!p0 [hbm:s0], s1  }
0x142: {  	s0 =	simm.s32 @!p0 $0x3  }
0x143: {  	_ =	swait.ge @!p0 [sflag:s0], s1  }
0x144: {  	s1 =	ssub.s32 @!p0 $0x0, s1;
	[sflag:s0] =	ssyncset.done @!p0 $0x0  }
0x145: {  	[sflag:s0] =	ssyncadd.s32 @!p0 s1  }
0x146: {  	[bflag:$0x3] =	sbarrier.arrive $0xFFFF  }
0x147: {  	_ =	shalt  }

</sc_bundles>
